<compile_context>
chip_gen: v7x
topology: tpu7x:2x2x1
jax: 0.10.2.dev20260603
libtpu: 0.0.44.dev20260713+nightly
codegen_flags: <defaults>
</compile_context>

<pallas_src>
import functools

import jax
import jax.numpy as jnp
from jax import lax
from jax.experimental import pallas as pl
from jax.experimental.pallas import tpu as pltpu
from jax.experimental.pallas import tpu_sc as plsc

N_NODES = 10000
N_PAD = 10240
E_EDGES = 320000
NC = 2
NS = 16
NW = NC * NS
EPW = E_EDGES // NW
DEG_W = 8
R_BLK = 1000
F32 = jnp.float32

C_CHUNK = 80
NCH = EPW // C_CHUNK


def _mesh():
    return plsc.VectorSubcoreMesh(core_axis_name="c", subcore_axis_name="s")


_SC_PARAMS = pltpu.CompilerParams(use_tc_tiling_on_sc=False)



def _make_deg_kernel():
    C = C_CHUNK

    @functools.partial(
        pl.kernel,
        mesh=_mesh(),
        compiler_params=_SC_PARAMS,
        out_type=jax.ShapeDtypeStruct((NC, N_PAD, DEG_W), F32),
        scratch_types=[
            pltpu.VMEM((NCH, C), jnp.int32),
            pltpu.VMEM((2 * C, DEG_W), F32),
            pltpu.VMEM_SHARED((N_PAD, DEG_W), F32),
        ],
    )
    def deg_kernel(zo_hbm, e4_hbm, out_hbm, di_v, buf_v, acc):
        c = lax.axis_index("c")
        s = lax.axis_index("s")
        wid = s * NC + c
        rpt = N_PAD // NS

        pltpu.sync_copy(e4_hbm.at[1, wid], di_v)
        pltpu.sync_copy(zo_hbm, buf_v)

        def zdma(i, _):
            pltpu.sync_copy(buf_v.at[pl.ds(0, C)],
                            acc.at[pl.ds(s * rpt + i * C, C)])
            return 0
        lax.fori_loop(0, rpt // C, zdma, 0)
        plsc.subcore_barrier()

        def chunk(i, _):
            pltpu.sync_copy(buf_v.at[pl.ds(C, C)], acc.at[di_v.at[i]],
                            add=True)
            return 0
        lax.fori_loop(0, NCH, chunk, 0)
        plsc.subcore_barrier()

        pltpu.sync_copy(acc.at[pl.ds(s * rpt, rpt)],
                        out_hbm.at[c, pl.ds(s * rpt, rpt)])

    return deg_kernel


def _make_segsum_kernel(D, NB, C=C_CHUNK, tab_in_spmem=False):
    NCH = EPW // C
    NPT = N_NODES // NS

    @functools.partial(
        pl.kernel,
        mesh=_mesh(),
        compiler_params=_SC_PARAMS,
        out_type=jax.ShapeDtypeStruct((NC, N_PAD, D), F32),
        scratch_types=[
            pltpu.VMEM((NCH, C), jnp.int32),
            pltpu.VMEM((NCH, C), jnp.int32),
            pltpu.VMEM((NB, C, D), F32),
            pltpu.VMEM_SHARED((N_PAD, D), F32),
            pltpu.SemaphoreType.DMA((NB,)),
            pltpu.SemaphoreType.DMA((NB,)),
        ] + ([pltpu.VMEM_SHARED((N_NODES, D), F32)] if tab_in_spmem else []),
    )
    def segsum_kernel(tab_hbm, e4_hbm, out_hbm, si_v, di_v, rows_v, acc, sems,
                      ssems, *maybe_tab):
        c = lax.axis_index("c")
        s = lax.axis_index("s")
        wid = s * NC + c
        rpt = N_PAD // NS

        pltpu.sync_copy(e4_hbm.at[0, wid], si_v)
        pltpu.sync_copy(e4_hbm.at[1, wid], di_v)
        if tab_in_spmem:
            tab = maybe_tab[0]
            pltpu.sync_copy(tab_hbm.at[pl.ds(s * NPT, NPT)],
                            tab.at[pl.ds(s * NPT, NPT)])
        else:
            tab = tab_hbm

        def zrow(i, _):
            for j in range(D // 16):
                rows_v[0, i, pl.ds(j * 16, 16)] = jnp.zeros((16,), F32)
            return 0
        lax.fori_loop(0, C, zrow, 0)

        def zdma(i, _):
            pltpu.sync_copy(rows_v.at[0], acc.at[pl.ds(s * rpt + i * C, C)])
            return 0
        lax.fori_loop(0, rpt // C, zdma, 0)
        plsc.subcore_barrier()

        def gather(j, b):
            pltpu.async_copy(tab.at[si_v.at[j]], rows_v.at[b], sems.at[b])

        def wait_gather(j, b):
            pltpu.make_async_copy(tab_hbm.at[si_v.at[j]], rows_v.at[b],
                                  sems.at[b]).wait()

        def scatter(j, b):
            pltpu.async_copy(rows_v.at[b], acc.at[di_v.at[j]], ssems.at[b],
                             add=True)

        def wait_scatter(j, b):
            pltpu.make_async_copy(rows_v.at[b], acc.at[di_v.at[j]],
                                  ssems.at[b]).wait()

        for b in range(NB):
            gather(b, b)
        main_iters = (NCH - NB) // NB

        def outer(o, _):
            for b in range(NB):
                j = o * NB + b
                wait_gather(j, b)
                scatter(j, b)
            for b in range(NB):
                j = o * NB + b
                wait_scatter(j, b)
                gather(j + NB, b)
            return 0
        lax.fori_loop(0, main_iters, outer, 0)

        ep0 = main_iters * NB
        for t in range(NCH - ep0):
            j = ep0 + t
            b = t % NB
            if j >= ep0 + NB:
                wait_scatter(j - NB, b)
                gather(j, b)
            wait_gather(j, b)
            scatter(j, b)
        for t in range(max(0, NCH - ep0 - NB), NCH - ep0):
            wait_scatter(ep0 + t, t % NB)
        plsc.subcore_barrier()

        pltpu.sync_copy(acc.at[pl.ds(s * rpt, rpt)],
                        out_hbm.at[c, pl.ds(s * rpt, rpt)])

    return segsum_kernel



def _t1a_body(x, w1, xw1_o):
    xw1_o[...] = jnp.dot(x[...], w1[...], preferred_element_type=F32)


def _t1c_body(x, wr, xwr_o):
    xwr_o[...] = jnp.dot(x[...], wr[...], preferred_element_type=F32)


def _t1b_body(degp, xw1, dinv_o, h1p_o):
    deg = degp[0, :, 0] + degp[1, :, 0] + 1.0
    di = lax.rsqrt(deg)
    dinv_o[...] = di[:, None]
    h1p_o[...] = di[:, None] * xw1[...]


def _t2_body(s1, h1p, dinv, b1, w2, h2p_o):
    ssum = s1[0] + s1[1] + h1p[...]
    r = jnp.maximum(dinv[...] * ssum + b1[...], 0.0)
    h2p_o[...] = dinv[...] * jnp.dot(r, w2[...], preferred_element_type=F32)


def _t3_body(s2, h2p, xwr, dinv, b2, z_o, p_o):
    h = dinv[...] * (s2[0] + s2[1] + h2p[...]) + b2[...]
    z = h + xwr[...]
    nrm = jnp.sqrt(jnp.sum(z * z, axis=1, keepdims=True))
    z = z / jnp.maximum(nrm, 1e-12)
    m = jnp.max(z, axis=1, keepdims=True)
    e = jnp.exp(z - m)
    p_o[...] = e / jnp.sum(e, axis=1, keepdims=True)
    z_o[...] = z


def _row_spec(w):
    return pl.BlockSpec((R_BLK, w), lambda j: (j, 0))


def _full_spec(h, w):
    return pl.BlockSpec((h, w), lambda j: (0, 0))


def _pair_spec(w):
    return pl.BlockSpec((2, R_BLK, w), lambda j: (0, j, 0))


_GRID = (N_NODES // R_BLK,)


def _t1a_call(x, w1):
    return pl.pallas_call(
        _t1a_body,
        grid=_GRID,
        in_specs=[_row_spec(128), _full_spec(128, 128)],
        out_specs=_row_spec(128),
        out_shape=jax.ShapeDtypeStruct((N_NODES, 128), F32),
    )(x, w1)


def _t1c_call(x, wr):
    return pl.pallas_call(
        _t1c_body,
        grid=_GRID,
        in_specs=[_row_spec(128), _full_spec(128, 16)],
        out_specs=_row_spec(16),
        out_shape=jax.ShapeDtypeStruct((N_NODES, 16), F32),
    )(x, wr)


def _t1b_call(degp, xw1):
    return pl.pallas_call(
        _t1b_body,
        grid=_GRID,
        in_specs=[_pair_spec(DEG_W), _row_spec(128)],
        out_specs=[_row_spec(1), _row_spec(128)],
        out_shape=[jax.ShapeDtypeStruct((N_NODES, 1), F32),
                   jax.ShapeDtypeStruct((N_NODES, 128), F32)],
    )(degp, xw1)


def _t2_call(s1, h1p, dinv, b1, w2):
    return pl.pallas_call(
        _t2_body,
        grid=_GRID,
        in_specs=[_pair_spec(128), _row_spec(128), _row_spec(1),
                  _full_spec(1, 128), _full_spec(128, 16)],
        out_specs=_row_spec(16),
        out_shape=jax.ShapeDtypeStruct((N_NODES, 16), F32),
    )(s1, h1p, dinv, b1, w2)


def _t3_call(s2, h2p, xwr, dinv, b2):
    return pl.pallas_call(
        _t3_body,
        grid=_GRID,
        in_specs=[_pair_spec(16), _row_spec(16), _row_spec(16),
                  _row_spec(1), _full_spec(1, 16)],
        out_specs=[_row_spec(16), _row_spec(16)],
        out_shape=[jax.ShapeDtypeStruct((N_NODES, 16), F32),
                   jax.ShapeDtypeStruct((N_NODES, 16), F32)],
    )(s2, h2p, xwr, dinv, b2)


_deg_call = _make_deg_kernel()
_seg128_call = _make_segsum_kernel(128, NB=2)
_seg16_call = _make_segsum_kernel(16, NB=5, tab_in_spmem=True)


def kernel(x, edge_index, W1, b1, W2, b2, Wr):
    e4 = edge_index.reshape(2, NW, NCH, C_CHUNK)
    zo = jnp.concatenate([jnp.zeros((C_CHUNK, DEG_W), F32),
                          jnp.ones((C_CHUNK, DEG_W), F32)])
    degp = _deg_call(zo, e4)
    xw1 = _t1a_call(x, W1)
    xwr = _t1c_call(x, Wr)
    dinv, h1p = _t1b_call(degp, xw1)
    s1 = _seg128_call(h1p, e4)
    h2p = _t2_call(s1, h1p, dinv, b1.reshape(1, -1), W2)
    s2 = _seg16_call(h2p, e4)
    z, p = _t3_call(s2, h2p, xwr, dinv, b2.reshape(1, -1))
    return (z, p)

# --- scband reference (transcript-rebuilt; emitter-appended) ---
"""Pipeline reference for scband-residual-gcnpaper-618475290794 (READ-ONLY COPY).

The authoritative reference and input builder live on the scoring server;
editing this copy changes nothing except your own understanding.
"""

import jax, jax.numpy as jnp
import numpy as np

N = 10000
E = 320000
IN_DIM = 128
HID = 128
OUT = 16


def setup_inputs(seed: int = 0) -> dict:
    key = jax.random.key(seed)
    ks = jax.random.split(key, 8)
    x = jax.random.normal(ks[0], (N, IN_DIM), dtype=jnp.float32)
    edge_index = jax.random.randint(ks[1], (2, E), 0, N, dtype=jnp.int32)
    W1 = jax.random.normal(ks[2], (IN_DIM, HID), dtype=jnp.float32) * (1.0 / np.sqrt(IN_DIM))
    b1 = jnp.zeros((HID,), dtype=jnp.float32)
    W2 = jax.random.normal(ks[3], (HID, OUT), dtype=jnp.float32) * (1.0 / np.sqrt(HID))
    b2 = jnp.zeros((OUT,), dtype=jnp.float32)
    Wr = jax.random.normal(ks[4], (IN_DIM, OUT), dtype=jnp.float32) * (1.0 / np.sqrt(IN_DIM))
    return {"x": x, "edge_index": edge_index, "W1": W1, "b1": b1, "W2": W2, "b2": b2, "Wr": Wr}


def gcn_conv(x, edge_index, W, b):
    # PyG-style GCNConv: add self-loops, symmetric deg^-1/2 normalization,
    # linear transform, scatter-add aggregation, bias.
    src = edge_index[0]
    dst = edge_index[1]
    loop = jnp.arange(N, dtype=edge_index.dtype)
    src = jnp.concatenate([src, loop])
    dst = jnp.concatenate([dst, loop])
    deg = jnp.zeros((N,), dtype=jnp.float32).at[dst].add(1.0)
    dinv = jnp.where(deg > 0, jax.lax.rsqrt(deg), 0.0)
    norm = dinv[src] * dinv[dst]
    h = x @ W
    msg = h[src] * norm[:, None]
    out = jnp.zeros((N, W.shape[1]), dtype=jnp.float32).at[dst].add(msg)
    return out + b


def reference(x, edge_index, W1, b1, W2, b2, Wr):
    # eval mode: dropout is identity
    h = jax.nn.relu(gcn_conv(x, edge_index, W1, b1))
    h = gcn_conv(h, edge_index, W2, b2)
    z = h + x @ Wr
    nrm = jnp.maximum(jnp.linalg.norm(z, axis=1, keepdims=True), 1e-12)
    z = z / nrm
    c_probs = jax.nn.softmax(z, axis=1)
    return (z, c_probs)

if __name__ == "__main__":
    import jax
    _d = setup_inputs()
    print(jax.jit(kernel)(*tuple(_d.values())))

</pallas_src>

<mosaic_0001>
#map = affine_map<(d0, d1) -> (0, 0)>
#map1 = affine_map<(d0, d1) -> (0, 0, 0, 0)>
#map2 = affine_map<(d0, d1) -> (0, 0, 0)>
module attributes {stable_mosaic.version = 14 : i64} {
  func.func @segsum_kernel(%arg0: i32, %arg1: i32, %arg2: memref<10000x16xf32, #tpu.memory_space<hbm>>, %arg3: memref<2x32x125x80xi32, #tpu.memory_space<hbm>>, %arg4: memref<2x10240x16xf32, #tpu.memory_space<hbm>>, %arg5: memref<125x80xi32, #tpu.memory_space<vmem>>, %arg6: memref<125x80xi32, #tpu.memory_space<vmem>>, %arg7: memref<5x80x16xf32, #tpu.memory_space<vmem>>, %arg8: memref<10240x16xf32, #tpu.memory_space<vmem_shared>>, %arg9: memref<5x!tpu.dma_semaphore, #tpu.memory_space<semaphore_mem>>, %arg10: memref<5x!tpu.dma_semaphore, #tpu.memory_space<semaphore_mem>>, %arg11: memref<10000x16xf32, #tpu.memory_space<vmem_shared>>) attributes {dimension_semantics = [#tpu.dimension_semantics<core_parallel>, #tpu.dimension_semantics<subcore_parallel>], iteration_bounds = array<i64: 2, 16>, scalar_prefetch = 0 : i64, scratch_operands = 7 : i64, tpu.core_type = #tpu.core_type<sc_vector_subcore>, window_params = [{transform_indices = #map}, {transform_indices = #map1}, {transform_indices = #map2}]} {
    %mul3A = arith.constant 2 : i32
    %mul3A_0 = arith.muli %arg1, %mul3A : i32
    %add3A = arith.addi %mul3A_0, %arg0 : i32
    %run_scoped3A = arith.constant 0 : i32
    "tpu.region"() ({
      %run_scoped3A_329 = tpu.sem_alloc : memref<!tpu.dma_semaphore, #tpu.memory_space<semaphore_mem>>
      %dma_start3A_330 = arith.constant 0 : i32
      %dma_start3A_331 = arith.constant 0 : i32
      %dma_start3A_332 = tpu.memref_slice %arg3[%run_scoped3A, %add3A, %dma_start3A_330, %dma_start3A_331] : memref<2x32x125x80xi32, #tpu.memory_space<hbm>> -> memref<1x1x125x80xi32, #tpu.memory_space<hbm>>
      %dma_start3A_333 = tpu.memref_squeeze %dma_start3A_332 : memref<1x1x125x80xi32, #tpu.memory_space<hbm>> -> memref<125x80xi32, #tpu.memory_space<hbm>>
      %dma_start3A_334 = arith.constant 0 : i32
      %dma_start3A_335 = arith.constant 0 : i32
      %dma_start3A_336 = tpu.memref_slice %arg3[%run_scoped3A, %add3A, %dma_start3A_334, %dma_start3A_335] : memref<2x32x125x80xi32, #tpu.memory_space<hbm>> -> memref<1x1x125x80xi32, #tpu.memory_space<hbm>>
      %dma_start3A_337 = tpu.memref_squeeze %dma_start3A_336 : memref<1x1x125x80xi32, #tpu.memory_space<hbm>> -> memref<125x80xi32, #tpu.memory_space<hbm>>
      tpu.enqueue_dma source(%dma_start3A_337 : memref<125x80xi32, #tpu.memory_space<hbm>>) target(%arg5 : memref<125x80xi32, #tpu.memory_space<vmem>>) target_semaphore(%run_scoped3A_329 : memref<!tpu.dma_semaphore, #tpu.memory_space<semaphore_mem>>)
      %dma_wait3A_338 = arith.constant 0 : i32
      %dma_wait3A_339 = arith.constant 0 : i32
      %dma_wait3A_340 = tpu.memref_slice %arg3[%run_scoped3A, %add3A, %dma_wait3A_338, %dma_wait3A_339] : memref<2x32x125x80xi32, #tpu.memory_space<hbm>> -> memref<1x1x125x80xi32, #tpu.memory_space<hbm>>
      %dma_wait3A_341 = tpu.memref_squeeze %dma_wait3A_340 : memref<1x1x125x80xi32, #tpu.memory_space<hbm>> -> memref<125x80xi32, #tpu.memory_space<hbm>>
      %dma_wait3A_342 = arith.constant 0 : i32
      %dma_wait3A_343 = arith.constant 0 : i32
      %dma_wait3A_344 = tpu.memref_slice %arg3[%run_scoped3A, %add3A, %dma_wait3A_342, %dma_wait3A_343] : memref<2x32x125x80xi32, #tpu.memory_space<hbm>> -> memref<1x1x125x80xi32, #tpu.memory_space<hbm>>
      %dma_wait3A_345 = tpu.memref_squeeze %dma_wait3A_344 : memref<1x1x125x80xi32, #tpu.memory_space<hbm>> -> memref<125x80xi32, #tpu.memory_space<hbm>>
      tpu.wait_dma2 semaphore(%run_scoped3A_329 : memref<!tpu.dma_semaphore, #tpu.memory_space<semaphore_mem>>) src(%dma_wait3A_345 : memref<125x80xi32, #tpu.memory_space<hbm>>) dst(%arg5 : memref<125x80xi32, #tpu.memory_space<vmem>>)
      tpu.yield
    }) : () -> ()
    %run_scoped3A_1 = arith.constant 1 : i32
    "tpu.region"() ({
      %run_scoped3A_329 = tpu.sem_alloc : memref<!tpu.dma_semaphore, #tpu.memory_space<semaphore_mem>>
      %dma_start3A_330 = arith.constant 0 : i32
      %dma_start3A_331 = arith.constant 0 : i32
      %dma_start3A_332 = tpu.memref_slice %arg3[%run_scoped3A_1, %add3A, %dma_start3A_330, %dma_start3A_331] : memref<2x32x125x80xi32, #tpu.memory_space<hbm>> -> memref<1x1x125x80xi32, #tpu.memory_space<hbm>>
      %dma_start3A_333 = tpu.memref_squeeze %dma_start3A_332 : memref<1x1x125x80xi32, #tpu.memory_space<hbm>> -> memref<125x80xi32, #tpu.memory_space<hbm>>
      %dma_start3A_334 = arith.constant 0 : i32
      %dma_start3A_335 = arith.constant 0 : i32
      %dma_start3A_336 = tpu.memref_slice %arg3[%run_scoped3A_1, %add3A, %dma_start3A_334, %dma_start3A_335] : memref<2x32x125x80xi32, #tpu.memory_space<hbm>> -> memref<1x1x125x80xi32, #tpu.memory_space<hbm>>
      %dma_start3A_337 = tpu.memref_squeeze %dma_start3A_336 : memref<1x1x125x80xi32, #tpu.memory_space<hbm>> -> memref<125x80xi32, #tpu.memory_space<hbm>>
      tpu.enqueue_dma source(%dma_start3A_337 : memref<125x80xi32, #tpu.memory_space<hbm>>) target(%arg6 : memref<125x80xi32, #tpu.memory_space<vmem>>) target_semaphore(%run_scoped3A_329 : memref<!tpu.dma_semaphore, #tpu.memory_space<semaphore_mem>>)
      %dma_wait3A_338 = arith.constant 0 : i32
      %dma_wait3A_339 = arith.constant 0 : i32
      %dma_wait3A_340 = tpu.memref_slice %arg3[%run_scoped3A_1, %add3A, %dma_wait3A_338, %dma_wait3A_339] : memref<2x32x125x80xi32, #tpu.memory_space<hbm>> -> memref<1x1x125x80xi32, #tpu.memory_space<hbm>>
      %dma_wait3A_341 = tpu.memref_squeeze %dma_wait3A_340 : memref<1x1x125x80xi32, #tpu.memory_space<hbm>> -> memref<125x80xi32, #tpu.memory_space<hbm>>
      %dma_wait3A_342 = arith.constant 0 : i32
      %dma_wait3A_343 = arith.constant 0 : i32
      %dma_wait3A_344 = tpu.memref_slice %arg3[%run_scoped3A_1, %add3A, %dma_wait3A_342, %dma_wait3A_343] : memref<2x32x125x80xi32, #tpu.memory_space<hbm>> -> memref<1x1x125x80xi32, #tpu.memory_space<hbm>>
      %dma_wait3A_345 = tpu.memref_squeeze %dma_wait3A_344 : memref<1x1x125x80xi32, #tpu.memory_space<hbm>> -> memref<125x80xi32, #tpu.memory_space<hbm>>
      tpu.wait_dma2 semaphore(%run_scoped3A_329 : memref<!tpu.dma_semaphore, #tpu.memory_space<semaphore_mem>>) src(%dma_wait3A_345 : memref<125x80xi32, #tpu.memory_space<hbm>>) dst(%arg6 : memref<125x80xi32, #tpu.memory_space<vmem>>)
      tpu.yield
    }) : () -> ()
    %mul3A_2 = arith.constant 625 : i32
    %mul3A_3 = arith.muli %arg1, %mul3A_2 : i32
    %mul3A_4 = arith.constant 625 : i32
    %mul3A_5 = arith.muli %arg1, %mul3A_4 : i32
    "tpu.region"() ({
      %run_scoped3A_329 = tpu.sem_alloc : memref<!tpu.dma_semaphore, #tpu.memory_space<semaphore_mem>>
      %dma_start3A_330 = arith.constant 0 : i32
      %dma_start3A_331 = tpu.memref_slice %arg11[%mul3A_5, %dma_start3A_330] : memref<10000x16xf32, #tpu.memory_space<vmem_shared>> -> memref<625x16xf32, #tpu.memory_space<vmem_shared>>
      %dma_start3A_332 = arith.constant 0 : i32
      %dma_start3A_333 = tpu.memref_slice %arg2[%mul3A_3, %dma_start3A_332] : memref<10000x16xf32, #tpu.memory_space<hbm>> -> memref<625x16xf32, #tpu.memory_space<hbm>>
      tpu.enqueue_dma source(%dma_start3A_333 : memref<625x16xf32, #tpu.memory_space<hbm>>) target(%dma_start3A_331 : memref<625x16xf32, #tpu.memory_space<vmem_shared>>) target_semaphore(%run_scoped3A_329 : memref<!tpu.dma_semaphore, #tpu.memory_space<semaphore_mem>>)
      %dma_wait3A_334 = arith.constant 0 : i32
      %dma_wait3A_335 = tpu.memref_slice %arg11[%mul3A_5, %dma_wait3A_334] : memref<10000x16xf32, #tpu.memory_space<vmem_shared>> -> memref<625x16xf32, #tpu.memory_space<vmem_shared>>
      %dma_wait3A_336 = arith.constant 0 : i32
      %dma_wait3A_337 = tpu.memref_slice %arg2[%mul3A_3, %dma_wait3A_336] : memref<10000x16xf32, #tpu.memory_space<hbm>> -> memref<625x16xf32, #tpu.memory_space<hbm>>
      tpu.wait_dma2 semaphore(%run_scoped3A_329 : memref<!tpu.dma_semaphore, #tpu.memory_space<semaphore_mem>>) src(%dma_wait3A_337 : memref<625x16xf32, #tpu.memory_space<hbm>>) dst(%dma_wait3A_335 : memref<625x16xf32, #tpu.memory_space<vmem_shared>>)
      tpu.yield
    }) : () -> ()
    %scan3A = arith.constant 0 : i32
    %scan3A_6 = arith.constant 0 : i32
    %scan3A_7 = arith.constant 80 : i32
    %scan3A_8 = arith.addi %scan3A_6, %scan3A_7 : i32
    %scan3A_9 = arith.constant 1 : i32
    %scan3A_10 = scf.for %scan3A_329 = %scan3A_6 to %scan3A_8 step %scan3A_9 iter_args(%scan3A_330 = %scan3A) -> (i32)  : i32 {
      %broadcast_in_dim3A = arith.constant 0.000000e+00 : f32
      %broadcast_in_dim3A_331 = vector.broadcast %broadcast_in_dim3A : f32 to vector<16xf32>
      %swap3A = arith.constant 0 : i32
      %swap3A_332 = arith.index_cast %swap3A : i32 to index
      %swap3A_333 = arith.index_cast %scan3A_329 : i32 to index
      %swap3A_334 = arith.constant 0 : index
      %swap3A_335 = tpu.vector_load %arg7[%swap3A_332, %swap3A_333, %swap3A_334] {strides = array<i32>} : memref<5x80x16xf32, #tpu.memory_space<vmem>>, vector<1x1x16xf32>,
      %swap3A_336 = vector.shape_cast %swap3A_335 : vector<1x1x16xf32> to vector<16xf32>
      %swap3A_337 = vector.shape_cast %broadcast_in_dim3A_331 : vector<16xf32> to vector<1x1x16xf32>
      tpu.vector_store %arg7[%swap3A_332, %swap3A_333, %swap3A_334], %swap3A_337 {strides = array<i32>} : memref<5x80x16xf32, #tpu.memory_space<vmem>>, vector<1x1x16xf32>,
      %scan3A_338 = arith.constant 0 : i32
      scf.yield %scan3A_338 : i32
    }
    %scan3A_11 = arith.constant 80 : i32
    %scan3A_12 = arith.constant 0 : i32
    %scan3A_13 = arith.constant 0 : i32
    %scan3A_14 = arith.constant 8 : i32
    %scan3A_15 = arith.addi %scan3A_13, %scan3A_14 : i32
    %scan3A_16 = arith.constant 1 : i32
    %scan3A_17 = scf.for %scan3A_329 = %scan3A_13 to %scan3A_15 step %scan3A_16 iter_args(%scan3A_330 = %scan3A_12) -> (i32)  : i32 {
      %mul3A_331 = arith.constant 640 : i32
      %mul3A_332 = arith.muli %arg1, %mul3A_331 : i32
      %mul3A_333 = arith.constant 80 : i32
      %mul3A_334 = arith.muli %scan3A_329, %mul3A_333 : i32
      %add3A_335 = arith.addi %mul3A_332, %mul3A_334 : i32
      %run_scoped3A_336 = arith.constant 0 : i32
      "tpu.region"() ({
        %run_scoped3A_338 = tpu.sem_alloc : memref<!tpu.dma_semaphore, #tpu.memory_space<semaphore_mem>>
        %dma_start3A_339 = arith.constant 0 : i32
        %dma_start3A_340 = arith.constant 0 : i32
        %dma_start3A_341 = tpu.memref_slice %arg7[%run_scoped3A_336, %dma_start3A_339, %dma_start3A_340] : memref<5x80x16xf32, #tpu.memory_space<vmem>> -> memref<1x80x16xf32, #tpu.memory_space<vmem>>
        %dma_start3A_342 = tpu.memref_squeeze %dma_start3A_341 : memref<1x80x16xf32, #tpu.memory_space<vmem>> -> memref<80x16xf32, #tpu.memory_space<vmem>>
        %dma_start3A_343 = arith.constant 0 : i32
        %dma_start3A_344 = tpu.memref_slice %arg8[%add3A_335, %dma_start3A_343] : memref<10240x16xf32, #tpu.memory_space<vmem_shared>> -> memref<80x16xf32, #tpu.memory_space<vmem_shared>>
        %dma_start3A_345 = arith.constant 0 : i32
        %dma_start3A_346 = tpu.memref_slice %arg8[%add3A_335, %dma_start3A_345] : memref<10240x16xf32, #tpu.memory_space<vmem_shared>> -> memref<80x16xf32, #tpu.memory_space<vmem_shared>>
        %dma_start3A_347 = arith.constant 0 : i32
        %dma_start3A_348 = arith.constant 0 : i32
        %dma_start3A_349 = tpu.memref_slice %arg7[%run_scoped3A_336, %dma_start3A_347, %dma_start3A_348] : memref<5x80x16xf32, #tpu.memory_space<vmem>> -> memref<1x80x16xf32, #tpu.memory_space<vmem>>
        %dma_start3A_350 = tpu.memref_squeeze %dma_start3A_349 : memref<1x80x16xf32, #tpu.memory_space<vmem>> -> memref<80x16xf32, #tpu.memory_space<vmem>>
        tpu.enqueue_dma source(%dma_start3A_350 : memref<80x16xf32, #tpu.memory_space<vmem>>) target(%dma_start3A_346 : memref<80x16xf32, #tpu.memory_space<vmem_shared>>) target_semaphore(%run_scoped3A_338 : memref<!tpu.dma_semaphore, #tpu.memory_space<semaphore_mem>>)
        %dma_wait3A_351 = arith.constant 0 : i32
        %dma_wait3A_352 = arith.constant 0 : i32
        %dma_wait3A_353 = tpu.memref_slice %arg7[%run_scoped3A_336, %dma_wait3A_351, %dma_wait3A_352] : memref<5x80x16xf32, #tpu.memory_space<vmem>> -> memref<1x80x16xf32, #tpu.memory_space<vmem>>
        %dma_wait3A_354 = tpu.memref_squeeze %dma_wait3A_353 : memref<1x80x16xf32, #tpu.memory_space<vmem>> -> memref<80x16xf32, #tpu.memory_space<vmem>>
        %dma_wait3A_355 = arith.constant 0 : i32
        %dma_wait3A_356 = tpu.memref_slice %arg8[%add3A_335, %dma_wait3A_355] : memref<10240x16xf32, #tpu.memory_space<vmem_shared>> -> memref<80x16xf32, #tpu.memory_space<vmem_shared>>
        %dma_wait3A_357 = arith.constant 0 : i32
        %dma_wait3A_358 = tpu.memref_slice %arg8[%add3A_335, %dma_wait3A_357] : memref<10240x16xf32, #tpu.memory_space<vmem_shared>> -> memref<80x16xf32, #tpu.memory_space<vmem_shared>>
        %dma_wait3A_359 = arith.constant 0 : i32
        %dma_wait3A_360 = arith.constant 0 : i32
        %dma_wait3A_361 = tpu.memref_slice %arg7[%run_scoped3A_336, %dma_wait3A_359, %dma_wait3A_360] : memref<5x80x16xf32, #tpu.memory_space<vmem>> -> memref<1x80x16xf32, #tpu.memory_space<vmem>>
        %dma_wait3A_362 = tpu.memref_squeeze %dma_wait3A_361 : memref<1x80x16xf32, #tpu.memory_space<vmem>> -> memref<80x16xf32, #tpu.memory_space<vmem>>
        tpu.wait_dma2 semaphore(%run_scoped3A_338 : memref<!tpu.dma_semaphore, #tpu.memory_space<semaphore_mem>>) src(%dma_wait3A_362 : memref<80x16xf32, #tpu.memory_space<vmem>>) dst(%dma_wait3A_358 : memref<80x16xf32, #tpu.memory_space<vmem_shared>>)
        tpu.yield
      }) : () -> ()
      %scan3A_337 = arith.constant 0 : i32
      scf.yield %scan3A_337 : i32
    }
    %scan3A_18 = arith.constant 8 : i32
    %barrier3A = arith.constant 0 : index
    tpu.barrier barrier_id(%barrier3A)
    %dma_start3A = arith.constant 0 : i32
    %dma_start3A_19 = arith.constant 0 : i32
    %dma_start3A_20 = arith.constant 0 : i32
    %dma_start3A_21 = arith.constant 0 : i32
    %dma_start3A_22 = arith.constant 0 : i32
    %dma_start3A_23 = tpu.memref_slice %arg7[%dma_start3A_19, %dma_start3A_21, %dma_start3A_22] : memref<5x80x16xf32, #tpu.memory_space<vmem>> -> memref<1x80x16xf32, #tpu.memory_space<vmem>>
    %dma_start3A_24 = tpu.memref_squeeze %dma_start3A_23 : memref<1x80x16xf32, #tpu.memory_space<vmem>> -> memref<80x16xf32, #tpu.memory_space<vmem>>
    %dma_start3A_25 = arith.constant 0 : i32
    %dma_start3A_26 = tpu.memref_slice %arg5[%dma_start3A, %dma_start3A_25] : memref<125x80xi32, #tpu.memory_space<vmem>> -> memref<1x80xi32, #tpu.memory_space<vmem>>
    %dma_start3A_27 = tpu.memref_squeeze %dma_start3A_26 : memref<1x80xi32, #tpu.memory_space<vmem>> -> memref<80xi32, #tpu.memory_space<vmem>>
    %dma_start3A_28 = arith.constant 0 : i32
    %dma_start3A_29 = arith.constant 0 : i32
    %dma_start3A_30 = tpu.memref_slice %arg11[%dma_start3A_28, %dma_start3A_29] : memref<10000x16xf32, #tpu.memory_space<vmem_shared>> -> memref<10000x16xf32, #tpu.memory_space<vmem_shared>>
    %dma_start3A_31 = tpu.memref_slice %arg9[%dma_start3A_20] : memref<5x!tpu.dma_semaphore, #tpu.memory_space<semaphore_mem>> -> memref<1x!tpu.dma_semaphore, #tpu.memory_space<semaphore_mem>>
    %dma_start3A_32 = tpu.memref_squeeze %dma_start3A_31 : memref<1x!tpu.dma_semaphore, #tpu.memory_space<semaphore_mem>> -> memref<!tpu.dma_semaphore, #tpu.memory_space<semaphore_mem>>
    tpu.enqueue_indirect_dma source(%dma_start3A_30 : memref<10000x16xf32, #tpu.memory_space<vmem_shared>>) target(%dma_start3A_24 : memref<80x16xf32, #tpu.memory_space<vmem>>) offsets(%dma_start3A_27 : memref<80xi32, #tpu.memory_space<vmem>>) semaphore(%dma_start3A_32 : memref<!tpu.dma_semaphore, #tpu.memory_space<semaphore_mem>>)
    %dma_start3A_33 = arith.constant 1 : i32
    %dma_start3A_34 = arith.constant 1 : i32
    %dma_start3A_35 = arith.constant 1 : i32
    %dma_start3A_36 = arith.constant 0 : i32
    %dma_start3A_37 = arith.constant 0 : i32
    %dma_start3A_38 = tpu.memref_slice %arg7[%dma_start3A_34, %dma_start3A_36, %dma_start3A_37] : memref<5x80x16xf32, #tpu.memory_space<vmem>> -> memref<1x80x16xf32, #tpu.memory_space<vmem>>
    %dma_start3A_39 = tpu.memref_squeeze %dma_start3A_38 : memref<1x80x16xf32, #tpu.memory_space<vmem>> -> memref<80x16xf32, #tpu.memory_space<vmem>>
    %dma_start3A_40 = arith.constant 0 : i32
    %dma_start3A_41 = tpu.memref_slice %arg5[%dma_start3A_33, %dma_start3A_40] : memref<125x80xi32, #tpu.memory_space<vmem>> -> memref<1x80xi32, #tpu.memory_space<vmem>>
    %dma_start3A_42 = tpu.memref_squeeze %dma_start3A_41 : memref<1x80xi32, #tpu.memory_space<vmem>> -> memref<80xi32, #tpu.memory_space<vmem>>
    %dma_start3A_43 = arith.constant 0 : i32
    %dma_start3A_44 = arith.constant 0 : i32
    %dma_start3A_45 = tpu.memref_slice %arg11[%dma_start3A_43, %dma_start3A_44] : memref<10000x16xf32, #tpu.memory_space<vmem_shared>> -> memref<10000x16xf32, #tpu.memory_space<vmem_shared>>
    %dma_start3A_46 = tpu.memref_slice %arg9[%dma_start3A_35] : memref<5x!tpu.dma_semaphore, #tpu.memory_space<semaphore_mem>> -> memref<1x!tpu.dma_semaphore, #tpu.memory_space<semaphore_mem>>
    %dma_start3A_47 = tpu.memref_squeeze %dma_start3A_46 : memref<1x!tpu.dma_semaphore, #tpu.memory_space<semaphore_mem>> -> memref<!tpu.dma_semaphore, #tpu.memory_space<semaphore_mem>>
    tpu.enqueue_indirect_dma source(%dma_start3A_45 : memref<10000x16xf32, #tpu.memory_space<vmem_shared>>) target(%dma_start3A_39 : memref<80x16xf32, #tpu.memory_space<vmem>>) offsets(%dma_start3A_42 : memref<80xi32, #tpu.memory_space<vmem>>) semaphore(%dma_start3A_47 : memref<!tpu.dma_semaphore, #tpu.memory_space<semaphore_mem>>)
    %dma_start3A_48 = arith.constant 2 : i32
    %dma_start3A_49 = arith.constant 2 : i32
    %dma_start3A_50 = arith.constant 2 : i32
    %dma_start3A_51 = arith.constant 0 : i32
    %dma_start3A_52 = arith.constant 0 : i32
    %dma_start3A_53 = tpu.memref_slice %arg7[%dma_start3A_49, %dma_start3A_51, %dma_start3A_52] : memref<5x80x16xf32, #tpu.memory_space<vmem>> -> memref<1x80x16xf32, #tpu.memory_space<vmem>>
    %dma_start3A_54 = tpu.memref_squeeze %dma_start3A_53 : memref<1x80x16xf32, #tpu.memory_space<vmem>> -> memref<80x16xf32, #tpu.memory_space<vmem>>
    %dma_start3A_55 = arith.constant 0 : i32
    %dma_start3A_56 = tpu.memref_slice %arg5[%dma_start3A_48, %dma_start3A_55] : memref<125x80xi32, #tpu.memory_space<vmem>> -> memref<1x80xi32, #tpu.memory_space<vmem>>
    %dma_start3A_57 = tpu.memref_squeeze %dma_start3A_56 : memref<1x80xi32, #tpu.memory_space<vmem>> -> memref<80xi32, #tpu.memory_space<vmem>>
    %dma_start3A_58 = arith.constant 0 : i32
    %dma_start3A_59 = arith.constant 0 : i32
    %dma_start3A_60 = tpu.memref_slice %arg11[%dma_start3A_58, %dma_start3A_59] : memref<10000x16xf32, #tpu.memory_space<vmem_shared>> -> memref<10000x16xf32, #tpu.memory_space<vmem_shared>>
    %dma_start3A_61 = tpu.memref_slice %arg9[%dma_start3A_50] : memref<5x!tpu.dma_semaphore, #tpu.memory_space<semaphore_mem>> -> memref<1x!tpu.dma_semaphore, #tpu.memory_space<semaphore_mem>>
    %dma_start3A_62 = tpu.memref_squeeze %dma_start3A_61 : memref<1x!tpu.dma_semaphore, #tpu.memory_space<semaphore_mem>> -> memref<!tpu.dma_semaphore, #tpu.memory_space<semaphore_mem>>
    tpu.enqueue_indirect_dma source(%dma_start3A_60 : memref<10000x16xf32, #tpu.memory_space<vmem_shared>>) target(%dma_start3A_54 : memref<80x16xf32, #tpu.memory_space<vmem>>) offsets(%dma_start3A_57 : memref<80xi32, #tpu.memory_space<vmem>>) semaphore(%dma_start3A_62 : memref<!tpu.dma_semaphore, #tpu.memory_space<semaphore_mem>>)
    %dma_start3A_63 = arith.constant 3 : i32
    %dma_start3A_64 = arith.constant 3 : i32
    %dma_start3A_65 = arith.constant 3 : i32
    %dma_start3A_66 = arith.constant 0 : i32
    %dma_start3A_67 = arith.constant 0 : i32
    %dma_start3A_68 = tpu.memref_slice %arg7[%dma_start3A_64, %dma_start3A_66, %dma_start3A_67] : memref<5x80x16xf32, #tpu.memory_space<vmem>> -> memref<1x80x16xf32, #tpu.memory_space<vmem>>
    %dma_start3A_69 = tpu.memref_squeeze %dma_start3A_68 : memref<1x80x16xf32, #tpu.memory_space<vmem>> -> memref<80x16xf32, #tpu.memory_space<vmem>>
    %dma_start3A_70 = arith.constant 0 : i32
    %dma_start3A_71 = tpu.memref_slice %arg5[%dma_start3A_63, %dma_start3A_70] : memref<125x80xi32, #tpu.memory_space<vmem>> -> memref<1x80xi32, #tpu.memory_space<vmem>>
    %dma_start3A_72 = tpu.memref_squeeze %dma_start3A_71 : memref<1x80xi32, #tpu.memory_space<vmem>> -> memref<80xi32, #tpu.memory_space<vmem>>
    %dma_start3A_73 = arith.constant 0 : i32
    %dma_start3A_74 = arith.constant 0 : i32
    %dma_start3A_75 = tpu.memref_slice %arg11[%dma_start3A_73, %dma_start3A_74] : memref<10000x16xf32, #tpu.memory_space<vmem_shared>> -> memref<10000x16xf32, #tpu.memory_space<vmem_shared>>
    %dma_start3A_76 = tpu.memref_slice %arg9[%dma_start3A_65] : memref<5x!tpu.dma_semaphore, #tpu.memory_space<semaphore_mem>> -> memref<1x!tpu.dma_semaphore, #tpu.memory_space<semaphore_mem>>
    %dma_start3A_77 = tpu.memref_squeeze %dma_start3A_76 : memref<1x!tpu.dma_semaphore, #tpu.memory_space<semaphore_mem>> -> memref<!tpu.dma_semaphore, #tpu.memory_space<semaphore_mem>>
    tpu.enqueue_indirect_dma source(%dma_start3A_75 : memref<10000x16xf32, #tpu.memory_space<vmem_shared>>) target(%dma_start3A_69 : memref<80x16xf32, #tpu.memory_space<vmem>>) offsets(%dma_start3A_72 : memref<80xi32, #tpu.memory_space<vmem>>) semaphore(%dma_start3A_77 : memref<!tpu.dma_semaphore, #tpu.memory_space<semaphore_mem>>)
    %dma_start3A_78 = arith.constant 4 : i32
    %dma_start3A_79 = arith.constant 4 : i32
    %dma_start3A_80 = arith.constant 4 : i32
    %dma_start3A_81 = arith.constant 0 : i32
    %dma_start3A_82 = arith.constant 0 : i32
    %dma_start3A_83 = tpu.memref_slice %arg7[%dma_start3A_79, %dma_start3A_81, %dma_start3A_82] : memref<5x80x16xf32, #tpu.memory_space<vmem>> -> memref<1x80x16xf32, #tpu.memory_space<vmem>>
    %dma_start3A_84 = tpu.memref_squeeze %dma_start3A_83 : memref<1x80x16xf32, #tpu.memory_space<vmem>> -> memref<80x16xf32, #tpu.memory_space<vmem>>
    %dma_start3A_85 = arith.constant 0 : i32
    %dma_start3A_86 = tpu.memref_slice %arg5[%dma_start3A_78, %dma_start3A_85] : memref<125x80xi32, #tpu.memory_space<vmem>> -> memref<1x80xi32, #tpu.memory_space<vmem>>
    %dma_start3A_87 = tpu.memref_squeeze %dma_start3A_86 : memref<1x80xi32, #tpu.memory_space<vmem>> -> memref<80xi32, #tpu.memory_space<vmem>>
    %dma_start3A_88 = arith.constant 0 : i32
    %dma_start3A_89 = arith.constant 0 : i32
    %dma_start3A_90 = tpu.memref_slice %arg11[%dma_start3A_88, %dma_start3A_89] : memref<10000x16xf32, #tpu.memory_space<vmem_shared>> -> memref<10000x16xf32, #tpu.memory_space<vmem_shared>>
    %dma_start3A_91 = tpu.memref_slice %arg9[%dma_start3A_80] : memref<5x!tpu.dma_semaphore, #tpu.memory_space<semaphore_mem>> -> memref<1x!tpu.dma_semaphore, #tpu.memory_space<semaphore_mem>>
    %dma_start3A_92 = tpu.memref_squeeze %dma_start3A_91 : memref<1x!tpu.dma_semaphore, #tpu.memory_space<semaphore_mem>> -> memref<!tpu.dma_semaphore, #tpu.memory_space<semaphore_mem>>
    tpu.enqueue_indirect_dma source(%dma_start3A_90 : memref<10000x16xf32, #tpu.memory_space<vmem_shared>>) target(%dma_start3A_84 : memref<80x16xf32, #tpu.memory_space<vmem>>) offsets(%dma_start3A_87 : memref<80xi32, #tpu.memory_space<vmem>>) semaphore(%dma_start3A_92 : memref<!tpu.dma_semaphore, #tpu.memory_space<semaphore_mem>>)
    %scan3A_93 = arith.constant 0 : i32
    %scan3A_94 = arith.constant 0 : i32
    %scan3A_95 = arith.constant 24 : i32
    %scan3A_96 = arith.addi %scan3A_94, %scan3A_95 : i32
    %scan3A_97 = arith.constant 1 : i32
    %scan3A_98 = scf.for %scan3A_329 = %scan3A_94 to %scan3A_96 step %scan3A_97 iter_args(%scan3A_330 = %scan3A_93) -> (i32)  : i32 {
      %mul3A_331 = arith.constant 5 : i32
      %mul3A_332 = arith.muli %scan3A_329, %mul3A_331 : i32
      %add3A_333 = arith.constant 0 : i32
      %add3A_334 = arith.addi %mul3A_332, %add3A_333 : i32
      %dma_wait3A_335 = arith.constant 0 : i32
      %dma_wait3A_336 = arith.constant 0 : i32
      %dma_wait3A_337 = arith.constant 0 : i32
      %dma_wait3A_338 = arith.constant 0 : i32
      %dma_wait3A_339 = tpu.memref_slice %arg7[%dma_wait3A_335, %dma_wait3A_337, %dma_wait3A_338] : memref<5x80x16xf32, #tpu.memory_space<vmem>> -> memref<1x80x16xf32, #tpu.memory_space<vmem>>
      %dma_wait3A_340 = tpu.memref_squeeze %dma_wait3A_339 : memref<1x80x16xf32, #tpu.memory_space<vmem>> -> memref<80x16xf32, #tpu.memory_space<vmem>>
      %dma_wait3A_341 = arith.constant 0 : i32
      %dma_wait3A_342 = tpu.memref_slice %arg5[%add3A_334, %dma_wait3A_341] : memref<125x80xi32, #tpu.memory_space<vmem>> -> memref<1x80xi32, #tpu.memory_space<vmem>>
      %dma_wait3A_343 = tpu.memref_squeeze %dma_wait3A_342 : memref<1x80xi32, #tpu.memory_space<vmem>> -> memref<80xi32, #tpu.memory_space<vmem>>
      %dma_wait3A_344 = arith.constant 0 : i32
      %dma_wait3A_345 = arith.constant 0 : i32
      %dma_wait3A_346 = tpu.memref_slice %arg2[%dma_wait3A_344, %dma_wait3A_345] : memref<10000x16xf32, #tpu.memory_space<hbm>> -> memref<10000x16xf32, #tpu.memory_space<hbm>>
      %dma_wait3A_347 = tpu.memref_slice %arg9[%dma_wait3A_336] : memref<5x!tpu.dma_semaphore, #tpu.memory_space<semaphore_mem>> -> memref<1x!tpu.dma_semaphore, #tpu.memory_space<semaphore_mem>>
      %dma_wait3A_348 = tpu.memref_squeeze %dma_wait3A_347 : memref<1x!tpu.dma_semaphore, #tpu.memory_space<semaphore_mem>> -> memref<!tpu.dma_semaphore, #tpu.memory_space<semaphore_mem>>
      tpu.wait_indirect_dma semaphore(%dma_wait3A_348 : memref<!tpu.dma_semaphore, #tpu.memory_space<semaphore_mem>>) src(%dma_wait3A_346 : memref<10000x16xf32, #tpu.memory_space<hbm>>) dst(%dma_wait3A_340 : memref<80x16xf32, #tpu.memory_space<vmem>>)
      %dma_start3A_349 = arith.constant 0 : i32
      %dma_start3A_350 = arith.constant 0 : i32
      %dma_start3A_351 = arith.constant 0 : i32
      %dma_start3A_352 = arith.constant 0 : i32
      %dma_start3A_353 = tpu.memref_slice %arg7[%dma_start3A_349, %dma_start3A_351, %dma_start3A_352] : memref<5x80x16xf32, #tpu.memory_space<vmem>> -> memref<1x80x16xf32, #tpu.memory_space<vmem>>
      %dma_start3A_354 = tpu.memref_squeeze %dma_start3A_353 : memref<1x80x16xf32, #tpu.memory_space<vmem>> -> memref<80x16xf32, #tpu.memory_space<vmem>>
      %dma_start3A_355 = arith.constant 0 : i32
      %dma_start3A_356 = tpu.memref_slice %arg6[%add3A_334, %dma_start3A_355] : memref<125x80xi32, #tpu.memory_space<vmem>> -> memref<1x80xi32, #tpu.memory_space<vmem>>
      %dma_start3A_357 = tpu.memref_squeeze %dma_start3A_356 : memref<1x80xi32, #tpu.memory_space<vmem>> -> memref<80xi32, #tpu.memory_space<vmem>>
      %dma_start3A_358 = arith.constant 0 : i32
      %dma_start3A_359 = arith.constant 0 : i32
      %dma_start3A_360 = tpu.memref_slice %arg8[%dma_start3A_358, %dma_start3A_359] : memref<10240x16xf32, #tpu.memory_space<vmem_shared>> -> memref<10240x16xf32, #tpu.memory_space<vmem_shared>>
      %dma_start3A_361 = tpu.memref_slice %arg10[%dma_start3A_350] : memref<5x!tpu.dma_semaphore, #tpu.memory_space<semaphore_mem>> -> memref<1x!tpu.dma_semaphore, #tpu.memory_space<semaphore_mem>>
      %dma_start3A_362 = tpu.memref_squeeze %dma_start3A_361 : memref<1x!tpu.dma_semaphore, #tpu.memory_space<semaphore_mem>> -> memref<!tpu.dma_semaphore, #tpu.memory_space<semaphore_mem>>
      tpu.enqueue_indirect_dma source(%dma_start3A_354 : memref<80x16xf32, #tpu.memory_space<vmem>>) target(%dma_start3A_360 : memref<10240x16xf32, #tpu.memory_space<vmem_shared>>) offsets(%dma_start3A_357 : memref<80xi32, #tpu.memory_space<vmem>>) semaphore(%dma_start3A_362 : memref<!tpu.dma_semaphore, #tpu.memory_space<semaphore_mem>>) {add = true}
      %mul3A_363 = arith.constant 5 : i32
      %mul3A_364 = arith.muli %scan3A_329, %mul3A_363 : i32
      %add3A_365 = arith.constant 1 : i32
      %add3A_366 = arith.addi %mul3A_364, %add3A_365 : i32
      %dma_wait3A_367 = arith.constant 1 : i32
      %dma_wait3A_368 = arith.constant 1 : i32
      %dma_wait3A_369 = arith.constant 0 : i32
      %dma_wait3A_370 = arith.constant 0 : i32
      %dma_wait3A_371 = tpu.memref_slice %arg7[%dma_wait3A_367, %dma_wait3A_369, %dma_wait3A_370] : memref<5x80x16xf32, #tpu.memory_space<vmem>> -> memref<1x80x16xf32, #tpu.memory_space<vmem>>
      %dma_wait3A_372 = tpu.memref_squeeze %dma_wait3A_371 : memref<1x80x16xf32, #tpu.memory_space<vmem>> -> memref<80x16xf32, #tpu.memory_space<vmem>>
      %dma_wait3A_373 = arith.constant 0 : i32
      %dma_wait3A_374 = tpu.memref_slice %arg5[%add3A_366, %dma_wait3A_373] : memref<125x80xi32, #tpu.memory_space<vmem>> -> memref<1x80xi32, #tpu.memory_space<vmem>>
      %dma_wait3A_375 = tpu.memref_squeeze %dma_wait3A_374 : memref<1x80xi32, #tpu.memory_space<vmem>> -> memref<80xi32, #tpu.memory_space<vmem>>
      %dma_wait3A_376 = arith.constant 0 : i32
      %dma_wait3A_377 = arith.constant 0 : i32
      %dma_wait3A_378 = tpu.memref_slice %arg2[%dma_wait3A_376, %dma_wait3A_377] : memref<10000x16xf32, #tpu.memory_space<hbm>> -> memref<10000x16xf32, #tpu.memory_space<hbm>>
      %dma_wait3A_379 = tpu.memref_slice %arg9[%dma_wait3A_368] : memref<5x!tpu.dma_semaphore, #tpu.memory_space<semaphore_mem>> -> memref<1x!tpu.dma_semaphore, #tpu.memory_space<semaphore_mem>>
      %dma_wait3A_380 = tpu.memref_squeeze %dma_wait3A_379 : memref<1x!tpu.dma_semaphore, #tpu.memory_space<semaphore_mem>> -> memref<!tpu.dma_semaphore, #tpu.memory_space<semaphore_mem>>
      tpu.wait_indirect_dma semaphore(%dma_wait3A_380 : memref<!tpu.dma_semaphore, #tpu.memory_space<semaphore_mem>>) src(%dma_wait3A_378 : memref<10000x16xf32, #tpu.memory_space<hbm>>) dst(%dma_wait3A_372 : memref<80x16xf32, #tpu.memory_space<vmem>>)
      %dma_start3A_381 = arith.constant 1 : i32
      %dma_start3A_382 = arith.constant 1 : i32
      %dma_start3A_383 = arith.constant 0 : i32
      %dma_start3A_384 = arith.constant 0 : i32
      %dma_start3A_385 = tpu.memref_slice %arg7[%dma_start3A_381, %dma_start3A_383, %dma_start3A_384] : memref<5x80x16xf32, #tpu.memory_space<vmem>> -> memref<1x80x16xf32, #tpu.memory_space<vmem>>
      %dma_start3A_386 = tpu.memref_squeeze %dma_start3A_385 : memref<1x80x16xf32, #tpu.memory_space<vmem>> -> memref<80x16xf32, #tpu.memory_space<vmem>>
      %dma_start3A_387 = arith.constant 0 : i32
      %dma_start3A_388 = tpu.memref_slice %arg6[%add3A_366, %dma_start3A_387] : memref<125x80xi32, #tpu.memory_space<vmem>> -> memref<1x80xi32, #tpu.memory_space<vmem>>
      %dma_start3A_389 = tpu.memref_squeeze %dma_start3A_388 : memref<1x80xi32, #tpu.memory_space<vmem>> -> memref<80xi32, #tpu.memory_space<vmem>>
      %dma_start3A_390 = arith.constant 0 : i32
      %dma_start3A_391 = arith.constant 0 : i32
      %dma_start3A_392 = tpu.memref_slice %arg8[%dma_start3A_390, %dma_start3A_391] : memref<10240x16xf32, #tpu.memory_space<vmem_shared>> -> memref<10240x16xf32, #tpu.memory_space<vmem_shared>>
      %dma_start3A_393 = tpu.memref_slice %arg10[%dma_start3A_382] : memref<5x!tpu.dma_semaphore, #tpu.memory_space<semaphore_mem>> -> memref<1x!tpu.dma_semaphore, #tpu.memory_space<semaphore_mem>>
      %dma_start3A_394 = tpu.memref_squeeze %dma_start3A_393 : memref<1x!tpu.dma_semaphore, #tpu.memory_space<semaphore_mem>> -> memref<!tpu.dma_semaphore, #tpu.memory_space<semaphore_mem>>
      tpu.enqueue_indirect_dma source(%dma_start3A_386 : memref<80x16xf32, #tpu.memory_space<vmem>>) target(%dma_start3A_392 : memref<10240x16xf32, #tpu.memory_space<vmem_shared>>) offsets(%dma_start3A_389 : memref<80xi32, #tpu.memory_space<vmem>>) semaphore(%dma_start3A_394 : memref<!tpu.dma_semaphore, #tpu.memory_space<semaphore_mem>>) {add = true}
      %mul3A_395 = arith.constant 5 : i32
      %mul3A_396 = arith.muli %scan3A_329, %mul3A_395 : i32
      %add3A_397 = arith.constant 2 : i32
      %add3A_398 = arith.addi %mul3A_396, %add3A_397 : i32
      %dma_wait3A_399 = arith.constant 2 : i32
      %dma_wait3A_400 = arith.constant 2 : i32
      %dma_wait3A_401 = arith.constant 0 : i32
      %dma_wait3A_402 = arith.constant 0 : i32
      %dma_wait3A_403 = tpu.memref_slice %arg7[%dma_wait3A_399, %dma_wait3A_401, %dma_wait3A_402] : memref<5x80x16xf32, #tpu.memory_space<vmem>> -> memref<1x80x16xf32, #tpu.memory_space<vmem>>
      %dma_wait3A_404 = tpu.memref_squeeze %dma_wait3A_403 : memref<1x80x16xf32, #tpu.memory_space<vmem>> -> memref<80x16xf32, #tpu.memory_space<vmem>>
      %dma_wait3A_405 = arith.constant 0 : i32
      %dma_wait3A_406 = tpu.memref_slice %arg5[%add3A_398, %dma_wait3A_405] : memref<125x80xi32, #tpu.memory_space<vmem>> -> memref<1x80xi32, #tpu.memory_space<vmem>>
      %dma_wait3A_407 = tpu.memref_squeeze %dma_wait3A_406 : memref<1x80xi32, #tpu.memory_space<vmem>> -> memref<80xi32, #tpu.memory_space<vmem>>
      %dma_wait3A_408 = arith.constant 0 : i32
      %dma_wait3A_409 = arith.constant 0 : i32
      %dma_wait3A_410 = tpu.memref_slice %arg2[%dma_wait3A_408, %dma_wait3A_409] : memref<10000x16xf32, #tpu.memory_space<hbm>> -> memref<10000x16xf32, #tpu.memory_space<hbm>>
      %dma_wait3A_411 = tpu.memref_slice %arg9[%dma_wait3A_400] : memref<5x!tpu.dma_semaphore, #tpu.memory_space<semaphore_mem>> -> memref<1x!tpu.dma_semaphore, #tpu.memory_space<semaphore_mem>>
      %dma_wait3A_412 = tpu.memref_squeeze %dma_wait3A_411 : memref<1x!tpu.dma_semaphore, #tpu.memory_space<semaphore_mem>> -> memref<!tpu.dma_semaphore, #tpu.memory_space<semaphore_mem>>
      tpu.wait_indirect_dma semaphore(%dma_wait3A_412 : memref<!tpu.dma_semaphore, #tpu.memory_space<semaphore_mem>>) src(%dma_wait3A_410 : memref<10000x16xf32, #tpu.memory_space<hbm>>) dst(%dma_wait3A_404 : memref<80x16xf32, #tpu.memory_space<vmem>>)
      %dma_start3A_413 = arith.constant 2 : i32
      %dma_start3A_414 = arith.constant 2 : i32
      %dma_start3A_415 = arith.constant 0 : i32
      %dma_start3A_416 = arith.constant 0 : i32
      %dma_start3A_417 = tpu.memref_slice %arg7[%dma_start3A_413, %dma_start3A_415, %dma_start3A_416] : memref<5x80x16xf32, #tpu.memory_space<vmem>> -> memref<1x80x16xf32, #tpu.memory_space<vmem>>
      %dma_start3A_418 = tpu.memref_squeeze %dma_start3A_417 : memref<1x80x16xf32, #tpu.memory_space<vmem>> -> memref<80x16xf32, #tpu.memory_space<vmem>>
      %dma_start3A_419 = arith.constant 0 : i32
      %dma_start3A_420 = tpu.memref_slice %arg6[%add3A_398, %dma_start3A_419] : memref<125x80xi32, #tpu.memory_space<vmem>> -> memref<1x80xi32, #tpu.memory_space<vmem>>
      %dma_start3A_421 = tpu.memref_squeeze %dma_start3A_420 : memref<1x80xi32, #tpu.memory_space<vmem>> -> memref<80xi32, #tpu.memory_space<vmem>>
      %dma_start3A_422 = arith.constant 0 : i32
      %dma_start3A_423 = arith.constant 0 : i32
      %dma_start3A_424 = tpu.memref_slice %arg8[%dma_start3A_422, %dma_start3A_423] : memref<10240x16xf32, #tpu.memory_space<vmem_shared>> -> memref<10240x16xf32, #tpu.memory_space<vmem_shared>>
      %dma_start3A_425 = tpu.memref_slice %arg10[%dma_start3A_414] : memref<5x!tpu.dma_semaphore, #tpu.memory_space<semaphore_mem>> -> memref<1x!tpu.dma_semaphore, #tpu.memory_space<semaphore_mem>>
      %dma_start3A_426 = tpu.memref_squeeze %dma_start3A_425 : memref<1x!tpu.dma_semaphore, #tpu.memory_space<semaphore_mem>> -> memref<!tpu.dma_semaphore, #tpu.memory_space<semaphore_mem>>
      tpu.enqueue_indirect_dma source(%dma_start3A_418 : memref<80x16xf32, #tpu.memory_space<vmem>>) target(%dma_start3A_424 : memref<10240x16xf32, #tpu.memory_space<vmem_shared>>) offsets(%dma_start3A_421 : memref<80xi32, #tpu.memory_space<vmem>>) semaphore(%dma_start3A_426 : memref<!tpu.dma_semaphore, #tpu.memory_space<semaphore_mem>>) {add = true}
      %mul3A_427 = arith.constant 5 : i32
      %mul3A_428 = arith.muli %scan3A_329, %mul3A_427 : i32
      %add3A_429 = arith.constant 3 : i32
      %add3A_430 = arith.addi %mul3A_428, %add3A_429 : i32
      %dma_wait3A_431 = arith.constant 3 : i32
      %dma_wait3A_432 = arith.constant 3 : i32
      %dma_wait3A_433 = arith.constant 0 : i32
      %dma_wait3A_434 = arith.constant 0 : i32
      %dma_wait3A_435 = tpu.memref_slice %arg7[%dma_wait3A_431, %dma_wait3A_433, %dma_wait3A_434] : memref<5x80x16xf32, #tpu.memory_space<vmem>> -> memref<1x80x16xf32, #tpu.memory_space<vmem>>
      %dma_wait3A_436 = tpu.memref_squeeze %dma_wait3A_435 : memref<1x80x16xf32, #tpu.memory_space<vmem>> -> memref<80x16xf32, #tpu.memory_space<vmem>>
      %dma_wait3A_437 = arith.constant 0 : i32
      %dma_wait3A_438 = tpu.memref_slice %arg5[%add3A_430, %dma_wait3A_437] : memref<125x80xi32, #tpu.memory_space<vmem>> -> memref<1x80xi32, #tpu.memory_space<vmem>>
      %dma_wait3A_439 = tpu.memref_squeeze %dma_wait3A_438 : memref<1x80xi32, #tpu.memory_space<vmem>> -> memref<80xi32, #tpu.memory_space<vmem>>
      %dma_wait3A_440 = arith.constant 0 : i32
      %dma_wait3A_441 = arith.constant 0 : i32
      %dma_wait3A_442 = tpu.memref_slice %arg2[%dma_wait3A_440, %dma_wait3A_441] : memref<10000x16xf32, #tpu.memory_space<hbm>> -> memref<10000x16xf32, #tpu.memory_space<hbm>>
      %dma_wait3A_443 = tpu.memref_slice %arg9[%dma_wait3A_432] : memref<5x!tpu.dma_semaphore, #tpu.memory_space<semaphore_mem>> -> memref<1x!tpu.dma_semaphore, #tpu.memory_space<semaphore_mem>>
      %dma_wait3A_444 = tpu.memref_squeeze %dma_wait3A_443 : memref<1x!tpu.dma_semaphore, #tpu.memory_space<semaphore_mem>> -> memref<!tpu.dma_semaphore, #tpu.memory_space<semaphore_mem>>
      tpu.wait_indirect_dma semaphore(%dma_wait3A_444 : memref<!tpu.dma_semaphore, #tpu.memory_space<semaphore_mem>>) src(%dma_wait3A_442 : memref<10000x16xf32, #tpu.memory_space<hbm>>) dst(%dma_wait3A_436 : memref<80x16xf32, #tpu.memory_space<vmem>>)
      %dma_start3A_445 = arith.constant 3 : i32
      %dma_start3A_446 = arith.constant 3 : i32
      %dma_start3A_447 = arith.constant 0 : i32
      %dma_start3A_448 = arith.constant 0 : i32
      %dma_start3A_449 = tpu.memref_slice %arg7[%dma_start3A_445, %dma_start3A_447, %dma_start3A_448] : memref<5x80x16xf32, #tpu.memory_space<vmem>> -> memref<1x80x16xf32, #tpu.memory_space<vmem>>
      %dma_start3A_450 = tpu.memref_squeeze %dma_start3A_449 : memref<1x80x16xf32, #tpu.memory_space<vmem>> -> memref<80x16xf32, #tpu.memory_space<vmem>>
      %dma_start3A_451 = arith.constant 0 : i32
      %dma_start3A_452 = tpu.memref_slice %arg6[%add3A_430, %dma_start3A_451] : memref<125x80xi32, #tpu.memory_space<vmem>> -> memref<1x80xi32, #tpu.memory_space<vmem>>
      %dma_start3A_453 = tpu.memref_squeeze %dma_start3A_452 : memref<1x80xi32, #tpu.memory_space<vmem>> -> memref<80xi32, #tpu.memory_space<vmem>>
      %dma_start3A_454 = arith.constant 0 : i32
      %dma_start3A_455 = arith.constant 0 : i32
      %dma_start3A_456 = tpu.memref_slice %arg8[%dma_start3A_454, %dma_start3A_455] : memref<10240x16xf32, #tpu.memory_space<vmem_shared>> -> memref<10240x16xf32, #tpu.memory_space<vmem_shared>>
      %dma_start3A_457 = tpu.memref_slice %arg10[%dma_start3A_446] : memref<5x!tpu.dma_semaphore, #tpu.memory_space<semaphore_mem>> -> memref<1x!tpu.dma_semaphore, #tpu.memory_space<semaphore_mem>>
      %dma_start3A_458 = tpu.memref_squeeze %dma_start3A_457 : memref<1x!tpu.dma_semaphore, #tpu.memory_space<semaphore_mem>> -> memref<!tpu.dma_semaphore, #tpu.memory_space<semaphore_mem>>
      tpu.enqueue_indirect_dma source(%dma_start3A_450 : memref<80x16xf32, #tpu.memory_space<vmem>>) target(%dma_start3A_456 : memref<10240x16xf32, #tpu.memory_space<vmem_shared>>) offsets(%dma_start3A_453 : memref<80xi32, #tpu.memory_space<vmem>>) semaphore(%dma_start3A_458 : memref<!tpu.dma_semaphore, #tpu.memory_space<semaphore_mem>>) {add = true}
      %mul3A_459 = arith.constant 5 : i32
      %mul3A_460 = arith.muli %scan3A_329, %mul3A_459 : i32
      %add3A_461 = arith.constant 4 : i32
      %add3A_462 = arith.addi %mul3A_460, %add3A_461 : i32
      %dma_wait3A_463 = arith.constant 4 : i32
      %dma_wait3A_464 = arith.constant 4 : i32
      %dma_wait3A_465 = arith.constant 0 : i32
      %dma_wait3A_466 = arith.constant 0 : i32
      %dma_wait3A_467 = tpu.memref_slice %arg7[%dma_wait3A_463, %dma_wait3A_465, %dma_wait3A_466] : memref<5x80x16xf32, #tpu.memory_space<vmem>> -> memref<1x80x16xf32, #tpu.memory_space<vmem>>
      %dma_wait3A_468 = tpu.memref_squeeze %dma_wait3A_467 : memref<1x80x16xf32, #tpu.memory_space<vmem>> -> memref<80x16xf32, #tpu.memory_space<vmem>>
      %dma_wait3A_469 = arith.constant 0 : i32
      %dma_wait3A_470 = tpu.memref_slice %arg5[%add3A_462, %dma_wait3A_469] : memref<125x80xi32, #tpu.memory_space<vmem>> -> memref<1x80xi32, #tpu.memory_space<vmem>>
      %dma_wait3A_471 = tpu.memref_squeeze %dma_wait3A_470 : memref<1x80xi32, #tpu.memory_space<vmem>> -> memref<80xi32, #tpu.memory_space<vmem>>
      %dma_wait3A_472 = arith.constant 0 : i32
      %dma_wait3A_473 = arith.constant 0 : i32
      %dma_wait3A_474 = tpu.memref_slice %arg2[%dma_wait3A_472, %dma_wait3A_473] : memref<10000x16xf32, #tpu.memory_space<hbm>> -> memref<10000x16xf32, #tpu.memory_space<hbm>>
      %dma_wait3A_475 = tpu.memref_slice %arg9[%dma_wait3A_464] : memref<5x!tpu.dma_semaphore, #tpu.memory_space<semaphore_mem>> -> memref<1x!tpu.dma_semaphore, #tpu.memory_space<semaphore_mem>>
      %dma_wait3A_476 = tpu.memref_squeeze %dma_wait3A_475 : memref<1x!tpu.dma_semaphore, #tpu.memory_space<semaphore_mem>> -> memref<!tpu.dma_semaphore, #tpu.memory_space<semaphore_mem>>
      tpu.wait_indirect_dma semaphore(%dma_wait3A_476 : memref<!tpu.dma_semaphore, #tpu.memory_space<semaphore_mem>>) src(%dma_wait3A_474 : memref<10000x16xf32, #tpu.memory_space<hbm>>) dst(%dma_wait3A_468 : memref<80x16xf32, #tpu.memory_space<vmem>>)
      %dma_start3A_477 = arith.constant 4 : i32
      %dma_start3A_478 = arith.constant 4 : i32
      %dma_start3A_479 = arith.constant 0 : i32
      %dma_start3A_480 = arith.constant 0 : i32
      %dma_start3A_481 = tpu.memref_slice %arg7[%dma_start3A_477, %dma_start3A_479, %dma_start3A_480] : memref<5x80x16xf32, #tpu.memory_space<vmem>> -> memref<1x80x16xf32, #tpu.memory_space<vmem>>
      %dma_start3A_482 = tpu.memref_squeeze %dma_start3A_481 : memref<1x80x16xf32, #tpu.memory_space<vmem>> -> memref<80x16xf32, #tpu.memory_space<vmem>>
      %dma_start3A_483 = arith.constant 0 : i32
      %dma_start3A_484 = tpu.memref_slice %arg6[%add3A_462, %dma_start3A_483] : memref<125x80xi32, #tpu.memory_space<vmem>> -> memref<1x80xi32, #tpu.memory_space<vmem>>
      %dma_start3A_485 = tpu.memref_squeeze %dma_start3A_484 : memref<1x80xi32, #tpu.memory_space<vmem>> -> memref<80xi32, #tpu.memory_space<vmem>>
      %dma_start3A_486 = arith.constant 0 : i32
      %dma_start3A_487 = arith.constant 0 : i32
      %dma_start3A_488 = tpu.memref_slice %arg8[%dma_start3A_486, %dma_start3A_487] : memref<10240x16xf32, #tpu.memory_space<vmem_shared>> -> memref<10240x16xf32, #tpu.memory_space<vmem_shared>>
      %dma_start3A_489 = tpu.memref_slice %arg10[%dma_start3A_478] : memref<5x!tpu.dma_semaphore, #tpu.memory_space<semaphore_mem>> -> memref<1x!tpu.dma_semaphore, #tpu.memory_space<semaphore_mem>>
      %dma_start3A_490 = tpu.memref_squeeze %dma_start3A_489 : memref<1x!tpu.dma_semaphore, #tpu.memory_space<semaphore_mem>> -> memref<!tpu.dma_semaphore, #tpu.memory_space<semaphore_mem>>
      tpu.enqueue_indirect_dma source(%dma_start3A_482 : memref<80x16xf32, #tpu.memory_space<vmem>>) target(%dma_start3A_488 : memref<10240x16xf32, #tpu.memory_space<vmem_shared>>) offsets(%dma_start3A_485 : memref<80xi32, #tpu.memory_space<vmem>>) semaphore(%dma_start3A_490 : memref<!tpu.dma_semaphore, #tpu.memory_space<semaphore_mem>>) {add = true}
      %mul3A_491 = arith.constant 5 : i32
      %mul3A_492 = arith.muli %scan3A_329, %mul3A_491 : i32
      %add3A_493 = arith.constant 0 : i32
      %add3A_494 = arith.addi %mul3A_492, %add3A_493 : i32
      %dma_wait3A_495 = arith.constant 0 : i32
      %dma_wait3A_496 = arith.constant 0 : i32
      %dma_wait3A_497 = arith.constant 0 : i32
      %dma_wait3A_498 = arith.constant 0 : i32
      %dma_wait3A_499 = tpu.memref_slice %arg7[%dma_wait3A_495, %dma_wait3A_497, %dma_wait3A_498] : memref<5x80x16xf32, #tpu.memory_space<vmem>> -> memref<1x80x16xf32, #tpu.memory_space<vmem>>
      %dma_wait3A_500 = tpu.memref_squeeze %dma_wait3A_499 : memref<1x80x16xf32, #tpu.memory_space<vmem>> -> memref<80x16xf32, #tpu.memory_space<vmem>>
      %dma_wait3A_501 = arith.constant 0 : i32
      %dma_wait3A_502 = tpu.memref_slice %arg6[%add3A_494, %dma_wait3A_501] : memref<125x80xi32, #tpu.memory_space<vmem>> -> memref<1x80xi32, #tpu.memory_space<vmem>>
      %dma_wait3A_503 = tpu.memref_squeeze %dma_wait3A_502 : memref<1x80xi32, #tpu.memory_space<vmem>> -> memref<80xi32, #tpu.memory_space<vmem>>
      %dma_wait3A_504 = arith.constant 0 : i32
      %dma_wait3A_505 = arith.constant 0 : i32
      %dma_wait3A_506 = tpu.memref_slice %arg8[%dma_wait3A_504, %dma_wait3A_505] : memref<10240x16xf32, #tpu.memory_space<vmem_shared>> -> memref<10240x16xf32, #tpu.memory_space<vmem_shared>>
      %dma_wait3A_507 = tpu.memref_slice %arg10[%dma_wait3A_496] : memref<5x!tpu.dma_semaphore, #tpu.memory_space<semaphore_mem>> -> memref<1x!tpu.dma_semaphore, #tpu.memory_space<semaphore_mem>>
      %dma_wait3A_508 = tpu.memref_squeeze %dma_wait3A_507 : memref<1x!tpu.dma_semaphore, #tpu.memory_space<semaphore_mem>> -> memref<!tpu.dma_semaphore, #tpu.memory_space<semaphore_mem>>
      tpu.wait_indirect_dma semaphore(%dma_wait3A_508 : memref<!tpu.dma_semaphore, #tpu.memory_space<semaphore_mem>>) src(%dma_wait3A_500 : memref<80x16xf32, #tpu.memory_space<vmem>>) dst(%dma_wait3A_506 : memref<10240x16xf32, #tpu.memory_space<vmem_shared>>)
      %add3A_509 = arith.constant 5 : i32
      %add3A_510 = arith.addi %add3A_494, %add3A_509 : i32
      %dma_start3A_511 = arith.constant 0 : i32
      %dma_start3A_512 = arith.constant 0 : i32
      %dma_start3A_513 = arith.constant 0 : i32
      %dma_start3A_514 = arith.constant 0 : i32
      %dma_start3A_515 = tpu.memref_slice %arg7[%dma_start3A_511, %dma_start3A_513, %dma_start3A_514] : memref<5x80x16xf32, #tpu.memory_space<vmem>> -> memref<1x80x16xf32, #tpu.memory_space<vmem>>
      %dma_start3A_516 = tpu.memref_squeeze %dma_start3A_515 : memref<1x80x16xf32, #tpu.memory_space<vmem>> -> memref<80x16xf32, #tpu.memory_space<vmem>>
      %dma_start3A_517 = arith.constant 0 : i32
      %dma_start3A_518 = tpu.memref_slice %arg5[%add3A_510, %dma_start3A_517] : memref<125x80xi32, #tpu.memory_space<vmem>> -> memref<1x80xi32, #tpu.memory_space<vmem>>
      %dma_start3A_519 = tpu.memref_squeeze %dma_start3A_518 : memref<1x80xi32, #tpu.memory_space<vmem>> -> memref<80xi32, #tpu.memory_space<vmem>>
      %dma_start3A_520 = arith.constant 0 : i32
      %dma_start3A_521 = arith.constant 0 : i32
      %dma_start3A_522 = tpu.memref_slice %arg11[%dma_start3A_520, %dma_start3A_521] : memref<10000x16xf32, #tpu.memory_space<vmem_shared>> -> memref<10000x16xf32, #tpu.memory_space<vmem_shared>>
      %dma_start3A_523 = tpu.memref_slice %arg9[%dma_start3A_512] : memref<5x!tpu.dma_semaphore, #tpu.memory_space<semaphore_mem>> -> memref<1x!tpu.dma_semaphore, #tpu.memory_space<semaphore_mem>>
      %dma_start3A_524 = tpu.memref_squeeze %dma_start3A_523 : memref<1x!tpu.dma_semaphore, #tpu.memory_space<semaphore_mem>> -> memref<!tpu.dma_semaphore, #tpu.memory_space<semaphore_mem>>
      tpu.enqueue_indirect_dma source(%dma_start3A_522 : memref<10000x16xf32, #tpu.memory_space<vmem_shared>>) target(%dma_start3A_516 : memref<80x16xf32, #tpu.memory_space<vmem>>) offsets(%dma_start3A_519 : memref<80xi32, #tpu.memory_space<vmem>>) semaphore(%dma_start3A_524 : memref<!tpu.dma_semaphore, #tpu.memory_space<semaphore_mem>>)
      %mul3A_525 = arith.constant 5 : i32
      %mul3A_526 = arith.muli %scan3A_329, %mul3A_525 : i32
      %add3A_527 = arith.constant 1 : i32
      %add3A_528 = arith.addi %mul3A_526, %add3A_527 : i32
      %dma_wait3A_529 = arith.constant 1 : i32
      %dma_wait3A_530 = arith.constant 1 : i32
      %dma_wait3A_531 = arith.constant 0 : i32
      %dma_wait3A_532 = arith.constant 0 : i32
      %dma_wait3A_533 = tpu.memref_slice %arg7[%dma_wait3A_529, %dma_wait3A_531, %dma_wait3A_532] : memref<5x80x16xf32, #tpu.memory_space<vmem>> -> memref<1x80x16xf32, #tpu.memory_space<vmem>>
      %dma_wait3A_534 = tpu.memref_squeeze %dma_wait3A_533 : memref<1x80x16xf32, #tpu.memory_space<vmem>> -> memref<80x16xf32, #tpu.memory_space<vmem>>
      %dma_wait3A_535 = arith.constant 0 : i32
      %dma_wait3A_536 = tpu.memref_slice %arg6[%add3A_528, %dma_wait3A_535] : memref<125x80xi32, #tpu.memory_space<vmem>> -> memref<1x80xi32, #tpu.memory_space<vmem>>
      %dma_wait3A_537 = tpu.memref_squeeze %dma_wait3A_536 : memref<1x80xi32, #tpu.memory_space<vmem>> -> memref<80xi32, #tpu.memory_space<vmem>>
      %dma_wait3A_538 = arith.constant 0 : i32
      %dma_wait3A_539 = arith.constant 0 : i32
      %dma_wait3A_540 = tpu.memref_slice %arg8[%dma_wait3A_538, %dma_wait3A_539] : memref<10240x16xf32, #tpu.memory_space<vmem_shared>> -> memref<10240x16xf32, #tpu.memory_space<vmem_shared>>
      %dma_wait3A_541 = tpu.memref_slice %arg10[%dma_wait3A_530] : memref<5x!tpu.dma_semaphore, #tpu.memory_space<semaphore_mem>> -> memref<1x!tpu.dma_semaphore, #tpu.memory_space<semaphore_mem>>
      %dma_wait3A_542 = tpu.memref_squeeze %dma_wait3A_541 : memref<1x!tpu.dma_semaphore, #tpu.memory_space<semaphore_mem>> -> memref<!tpu.dma_semaphore, #tpu.memory_space<semaphore_mem>>
      tpu.wait_indirect_dma semaphore(%dma_wait3A_542 : memref<!tpu.dma_semaphore, #tpu.memory_space<semaphore_mem>>) src(%dma_wait3A_534 : memref<80x16xf32, #tpu.memory_space<vmem>>) dst(%dma_wait3A_540 : memref<10240x16xf32, #tpu.memory_space<vmem_shared>>)
      %add3A_543 = arith.constant 5 : i32
      %add3A_544 = arith.addi %add3A_528, %add3A_543 : i32
      %dma_start3A_545 = arith.constant 1 : i32
      %dma_start3A_546 = arith.constant 1 : i32
      %dma_start3A_547 = arith.constant 0 : i32
      %dma_start3A_548 = arith.constant 0 : i32
      %dma_start3A_549 = tpu.memref_slice %arg7[%dma_start3A_545, %dma_start3A_547, %dma_start3A_548] : memref<5x80x16xf32, #tpu.memory_space<vmem>> -> memref<1x80x16xf32, #tpu.memory_space<vmem>>
      %dma_start3A_550 = tpu.memref_squeeze %dma_start3A_549 : memref<1x80x16xf32, #tpu.memory_space<vmem>> -> memref<80x16xf32, #tpu.memory_space<vmem>>
      %dma_start3A_551 = arith.constant 0 : i32
      %dma_start3A_552 = tpu.memref_slice %arg5[%add3A_544, %dma_start3A_551] : memref<125x80xi32, #tpu.memory_space<vmem>> -> memref<1x80xi32, #tpu.memory_space<vmem>>
      %dma_start3A_553 = tpu.memref_squeeze %dma_start3A_552 : memref<1x80xi32, #tpu.memory_space<vmem>> -> memref<80xi32, #tpu.memory_space<vmem>>
      %dma_start3A_554 = arith.constant 0 : i32
      %dma_start3A_555 = arith.constant 0 : i32
      %dma_start3A_556 = tpu.memref_slice %arg11[%dma_start3A_554, %dma_start3A_555] : memref<10000x16xf32, #tpu.memory_space<vmem_shared>> -> memref<10000x16xf32, #tpu.memory_space<vmem_shared>>
      %dma_start3A_557 = tpu.memref_slice %arg9[%dma_start3A_546] : memref<5x!tpu.dma_semaphore, #tpu.memory_space<semaphore_mem>> -> memref<1x!tpu.dma_semaphore, #tpu.memory_space<semaphore_mem>>
      %dma_start3A_558 = tpu.memref_squeeze %dma_start3A_557 : memref<1x!tpu.dma_semaphore, #tpu.memory_space<semaphore_mem>> -> memref<!tpu.dma_semaphore, #tpu.memory_space<semaphore_mem>>
      tpu.enqueue_indirect_dma source(%dma_start3A_556 : memref<10000x16xf32, #tpu.memory_space<vmem_shared>>) target(%dma_start3A_550 : memref<80x16xf32, #tpu.memory_space<vmem>>) offsets(%dma_start3A_553 : memref<80xi32, #tpu.memory_space<vmem>>) semaphore(%dma_start3A_558 : memref<!tpu.dma_semaphore, #tpu.memory_space<semaphore_mem>>)
      %mul3A_559 = arith.constant 5 : i32
      %mul3A_560 = arith.muli %scan3A_329, %mul3A_559 : i32
      %add3A_561 = arith.constant 2 : i32
      %add3A_562 = arith.addi %mul3A_560, %add3A_561 : i32
      %dma_wait3A_563 = arith.constant 2 : i32
      %dma_wait3A_564 = arith.constant 2 : i32
      %dma_wait3A_565 = arith.constant 0 : i32
      %dma_wait3A_566 = arith.constant 0 : i32
      %dma_wait3A_567 = tpu.memref_slice %arg7[%dma_wait3A_563, %dma_wait3A_565, %dma_wait3A_566] : memref<5x80x16xf32, #tpu.memory_space<vmem>> -> memref<1x80x16xf32, #tpu.memory_space<vmem>>
      %dma_wait3A_568 = tpu.memref_squeeze %dma_wait3A_567 : memref<1x80x16xf32, #tpu.memory_space<vmem>> -> memref<80x16xf32, #tpu.memory_space<vmem>>
      %dma_wait3A_569 = arith.constant 0 : i32
      %dma_wait3A_570 = tpu.memref_slice %arg6[%add3A_562, %dma_wait3A_569] : memref<125x80xi32, #tpu.memory_space<vmem>> -> memref<1x80xi32, #tpu.memory_space<vmem>>
      %dma_wait3A_571 = tpu.memref_squeeze %dma_wait3A_570 : memref<1x80xi32, #tpu.memory_space<vmem>> -> memref<80xi32, #tpu.memory_space<vmem>>
      %dma_wait3A_572 = arith.constant 0 : i32
      %dma_wait3A_573 = arith.constant 0 : i32
      %dma_wait3A_574 = tpu.memref_slice %arg8[%dma_wait3A_572, %dma_wait3A_573] : memref<10240x16xf32, #tpu.memory_space<vmem_shared>> -> memref<10240x16xf32, #tpu.memory_space<vmem_shared>>
      %dma_wait3A_575 = tpu.memref_slice %arg10[%dma_wait3A_564] : memref<5x!tpu.dma_semaphore, #tpu.memory_space<semaphore_mem>> -> memref<1x!tpu.dma_semaphore, #tpu.memory_space<semaphore_mem>>
      %dma_wait3A_576 = tpu.memref_squeeze %dma_wait3A_575 : memref<1x!tpu.dma_semaphore, #tpu.memory_space<semaphore_mem>> -> memref<!tpu.dma_semaphore, #tpu.memory_space<semaphore_mem>>
      tpu.wait_indirect_dma semaphore(%dma_wait3A_576 : memref<!tpu.dma_semaphore, #tpu.memory_space<semaphore_mem>>) src(%dma_wait3A_568 : memref<80x16xf32, #tpu.memory_space<vmem>>) dst(%dma_wait3A_574 : memref<10240x16xf32, #tpu.memory_space<vmem_shared>>)
      %add3A_577 = arith.constant 5 : i32
      %add3A_578 = arith.addi %add3A_562, %add3A_577 : i32
      %dma_start3A_579 = arith.constant 2 : i32
      %dma_start3A_580 = arith.constant 2 : i32
      %dma_start3A_581 = arith.constant 0 : i32
      %dma_start3A_582 = arith.constant 0 : i32
      %dma_start3A_583 = tpu.memref_slice %arg7[%dma_start3A_579, %dma_start3A_581, %dma_start3A_582] : memref<5x80x16xf32, #tpu.memory_space<vmem>> -> memref<1x80x16xf32, #tpu.memory_space<vmem>>
      %dma_start3A_584 = tpu.memref_squeeze %dma_start3A_583 : memref<1x80x16xf32, #tpu.memory_space<vmem>> -> memref<80x16xf32, #tpu.memory_space<vmem>>
      %dma_start3A_585 = arith.constant 0 : i32
      %dma_start3A_586 = tpu.memref_slice %arg5[%add3A_578, %dma_start3A_585] : memref<125x80xi32, #tpu.memory_space<vmem>> -> memref<1x80xi32, #tpu.memory_space<vmem>>
      %dma_start3A_587 = tpu.memref_squeeze %dma_start3A_586 : memref<1x80xi32, #tpu.memory_space<vmem>> -> memref<80xi32, #tpu.memory_space<vmem>>
      %dma_start3A_588 = arith.constant 0 : i32
      %dma_start3A_589 = arith.constant 0 : i32
      %dma_start3A_590 = tpu.memref_slice %arg11[%dma_start3A_588, %dma_start3A_589] : memref<10000x16xf32, #tpu.memory_space<vmem_shared>> -> memref<10000x16xf32, #tpu.memory_space<vmem_shared>>
      %dma_start3A_591 = tpu.memref_slice %arg9[%dma_start3A_580] : memref<5x!tpu.dma_semaphore, #tpu.memory_space<semaphore_mem>> -> memref<1x!tpu.dma_semaphore, #tpu.memory_space<semaphore_mem>>
      %dma_start3A_592 = tpu.memref_squeeze %dma_start3A_591 : memref<1x!tpu.dma_semaphore, #tpu.memory_space<semaphore_mem>> -> memref<!tpu.dma_semaphore, #tpu.memory_space<semaphore_mem>>
      tpu.enqueue_indirect_dma source(%dma_start3A_590 : memref<10000x16xf32, #tpu.memory_space<vmem_shared>>) target(%dma_start3A_584 : memref<80x16xf32, #tpu.memory_space<vmem>>) offsets(%dma_start3A_587 : memref<80xi32, #tpu.memory_space<vmem>>) semaphore(%dma_start3A_592 : memref<!tpu.dma_semaphore, #tpu.memory_space<semaphore_mem>>)
      %mul3A_593 = arith.constant 5 : i32
      %mul3A_594 = arith.muli %scan3A_329, %mul3A_593 : i32
      %add3A_595 = arith.constant 3 : i32
      %add3A_596 = arith.addi %mul3A_594, %add3A_595 : i32
      %dma_wait3A_597 = arith.constant 3 : i32
      %dma_wait3A_598 = arith.constant 3 : i32
      %dma_wait3A_599 = arith.constant 0 : i32
      %dma_wait3A_600 = arith.constant 0 : i32
      %dma_wait3A_601 = tpu.memref_slice %arg7[%dma_wait3A_597, %dma_wait3A_599, %dma_wait3A_600] : memref<5x80x16xf32, #tpu.memory_space<vmem>> -> memref<1x80x16xf32, #tpu.memory_space<vmem>>
      %dma_wait3A_602 = tpu.memref_squeeze %dma_wait3A_601 : memref<1x80x16xf32, #tpu.memory_space<vmem>> -> memref<80x16xf32, #tpu.memory_space<vmem>>
      %dma_wait3A_603 = arith.constant 0 : i32
      %dma_wait3A_604 = tpu.memref_slice %arg6[%add3A_596, %dma_wait3A_603] : memref<125x80xi32, #tpu.memory_space<vmem>> -> memref<1x80xi32, #tpu.memory_space<vmem>>
      %dma_wait3A_605 = tpu.memref_squeeze %dma_wait3A_604 : memref<1x80xi32, #tpu.memory_space<vmem>> -> memref<80xi32, #tpu.memory_space<vmem>>
      %dma_wait3A_606 = arith.constant 0 : i32
      %dma_wait3A_607 = arith.constant 0 : i32
      %dma_wait3A_608 = tpu.memref_slice %arg8[%dma_wait3A_606, %dma_wait3A_607] : memref<10240x16xf32, #tpu.memory_space<vmem_shared>> -> memref<10240x16xf32, #tpu.memory_space<vmem_shared>>
      %dma_wait3A_609 = tpu.memref_slice %arg10[%dma_wait3A_598] : memref<5x!tpu.dma_semaphore, #tpu.memory_space<semaphore_mem>> -> memref<1x!tpu.dma_semaphore, #tpu.memory_space<semaphore_mem>>
      %dma_wait3A_610 = tpu.memref_squeeze %dma_wait3A_609 : memref<1x!tpu.dma_semaphore, #tpu.memory_space<semaphore_mem>> -> memref<!tpu.dma_semaphore, #tpu.memory_space<semaphore_mem>>
      tpu.wait_indirect_dma semaphore(%dma_wait3A_610 : memref<!tpu.dma_semaphore, #tpu.memory_space<semaphore_mem>>) src(%dma_wait3A_602 : memref<80x16xf32, #tpu.memory_space<vmem>>) dst(%dma_wait3A_608 : memref<10240x16xf32, #tpu.memory_space<vmem_shared>>)
      %add3A_611 = arith.constant 5 : i32
      %add3A_612 = arith.addi %add3A_596, %add3A_611 : i32
      %dma_start3A_613 = arith.constant 3 : i32
      %dma_start3A_614 = arith.constant 3 : i32
      %dma_start3A_615 = arith.constant 0 : i32
      %dma_start3A_616 = arith.constant 0 : i32
      %dma_start3A_617 = tpu.memref_slice %arg7[%dma_start3A_613, %dma_start3A_615, %dma_start3A_616] : memref<5x80x16xf32, #tpu.memory_space<vmem>> -> memref<1x80x16xf32, #tpu.memory_space<vmem>>
      %dma_start3A_618 = tpu.memref_squeeze %dma_start3A_617 : memref<1x80x16xf32, #tpu.memory_space<vmem>> -> memref<80x16xf32, #tpu.memory_space<vmem>>
      %dma_start3A_619 = arith.constant 0 : i32
      %dma_start3A_620 = tpu.memref_slice %arg5[%add3A_612, %dma_start3A_619] : memref<125x80xi32, #tpu.memory_space<vmem>> -> memref<1x80xi32, #tpu.memory_space<vmem>>
      %dma_start3A_621 = tpu.memref_squeeze %dma_start3A_620 : memref<1x80xi32, #tpu.memory_space<vmem>> -> memref<80xi32, #tpu.memory_space<vmem>>
      %dma_start3A_622 = arith.constant 0 : i32
      %dma_start3A_623 = arith.constant 0 : i32
      %dma_start3A_624 = tpu.memref_slice %arg11[%dma_start3A_622, %dma_start3A_623] : memref<10000x16xf32, #tpu.memory_space<vmem_shared>> -> memref<10000x16xf32, #tpu.memory_space<vmem_shared>>
      %dma_start3A_625 = tpu.memref_slice %arg9[%dma_start3A_614] : memref<5x!tpu.dma_semaphore, #tpu.memory_space<semaphore_mem>> -> memref<1x!tpu.dma_semaphore, #tpu.memory_space<semaphore_mem>>
      %dma_start3A_626 = tpu.memref_squeeze %dma_start3A_625 : memref<1x!tpu.dma_semaphore, #tpu.memory_space<semaphore_mem>> -> memref<!tpu.dma_semaphore, #tpu.memory_space<semaphore_mem>>
      tpu.enqueue_indirect_dma source(%dma_start3A_624 : memref<10000x16xf32, #tpu.memory_space<vmem_shared>>) target(%dma_start3A_618 : memref<80x16xf32, #tpu.memory_space<vmem>>) offsets(%dma_start3A_621 : memref<80xi32, #tpu.memory_space<vmem>>) semaphore(%dma_start3A_626 : memref<!tpu.dma_semaphore, #tpu.memory_space<semaphore_mem>>)
      %mul3A_627 = arith.constant 5 : i32
      %mul3A_628 = arith.muli %scan3A_329, %mul3A_627 : i32
      %add3A_629 = arith.constant 4 : i32
      %add3A_630 = arith.addi %mul3A_628, %add3A_629 : i32
      %dma_wait3A_631 = arith.constant 4 : i32
      %dma_wait3A_632 = arith.constant 4 : i32
      %dma_wait3A_633 = arith.constant 0 : i32
      %dma_wait3A_634 = arith.constant 0 : i32
      %dma_wait3A_635 = tpu.memref_slice %arg7[%dma_wait3A_631, %dma_wait3A_633, %dma_wait3A_634] : memref<5x80x16xf32, #tpu.memory_space<vmem>> -> memref<1x80x16xf32, #tpu.memory_space<vmem>>
      %dma_wait3A_636 = tpu.memref_squeeze %dma_wait3A_635 : memref<1x80x16xf32, #tpu.memory_space<vmem>> -> memref<80x16xf32, #tpu.memory_space<vmem>>
      %dma_wait3A_637 = arith.constant 0 : i32
      %dma_wait3A_638 = tpu.memref_slice %arg6[%add3A_630, %dma_wait3A_637] : memref<125x80xi32, #tpu.memory_space<vmem>> -> memref<1x80xi32, #tpu.memory_space<vmem>>
      %dma_wait3A_639 = tpu.memref_squeeze %dma_wait3A_638 : memref<1x80xi32, #tpu.memory_space<vmem>> -> memref<80xi32, #tpu.memory_space<vmem>>
      %dma_wait3A_640 = arith.constant 0 : i32
      %dma_wait3A_641 = arith.constant 0 : i32
      %dma_wait3A_642 = tpu.memref_slice %arg8[%dma_wait3A_640, %dma_wait3A_641] : memref<10240x16xf32, #tpu.memory_space<vmem_shared>> -> memref<10240x16xf32, #tpu.memory_space<vmem_shared>>
      %dma_wait3A_643 = tpu.memref_slice %arg10[%dma_wait3A_632] : memref<5x!tpu.dma_semaphore, #tpu.memory_space<semaphore_mem>> -> memref<1x!tpu.dma_semaphore, #tpu.memory_space<semaphore_mem>>
      %dma_wait3A_644 = tpu.memref_squeeze %dma_wait3A_643 : memref<1x!tpu.dma_semaphore, #tpu.memory_space<semaphore_mem>> -> memref<!tpu.dma_semaphore, #tpu.memory_space<semaphore_mem>>
      tpu.wait_indirect_dma semaphore(%dma_wait3A_644 : memref<!tpu.dma_semaphore, #tpu.memory_space<semaphore_mem>>) src(%dma_wait3A_636 : memref<80x16xf32, #tpu.memory_space<vmem>>) dst(%dma_wait3A_642 : memref<10240x16xf32, #tpu.memory_space<vmem_shared>>)
      %add3A_645 = arith.constant 5 : i32
      %add3A_646 = arith.addi %add3A_630, %add3A_645 : i32
      %dma_start3A_647 = arith.constant 4 : i32
      %dma_start3A_648 = arith.constant 4 : i32
      %dma_start3A_649 = arith.constant 0 : i32
      %dma_start3A_650 = arith.constant 0 : i32
      %dma_start3A_651 = tpu.memref_slice %arg7[%dma_start3A_647, %dma_start3A_649, %dma_start3A_650] : memref<5x80x16xf32, #tpu.memory_space<vmem>> -> memref<1x80x16xf32, #tpu.memory_space<vmem>>
      %dma_start3A_652 = tpu.memref_squeeze %dma_start3A_651 : memref<1x80x16xf32, #tpu.memory_space<vmem>> -> memref<80x16xf32, #tpu.memory_space<vmem>>
      %dma_start3A_653 = arith.constant 0 : i32
      %dma_start3A_654 = tpu.memref_slice %arg5[%add3A_646, %dma_start3A_653] : memref<125x80xi32, #tpu.memory_space<vmem>> -> memref<1x80xi32, #tpu.memory_space<vmem>>
      %dma_start3A_655 = tpu.memref_squeeze %dma_start3A_654 : memref<1x80xi32, #tpu.memory_space<vmem>> -> memref<80xi32, #tpu.memory_space<vmem>>
      %dma_start3A_656 = arith.constant 0 : i32
      %dma_start3A_657 = arith.constant 0 : i32
      %dma_start3A_658 = tpu.memref_slice %arg11[%dma_start3A_656, %dma_start3A_657] : memref<10000x16xf32, #tpu.memory_space<vmem_shared>> -> memref<10000x16xf32, #tpu.memory_space<vmem_shared>>
      %dma_start3A_659 = tpu.memref_slice %arg9[%dma_start3A_648] : memref<5x!tpu.dma_semaphore, #tpu.memory_space<semaphore_mem>> -> memref<1x!tpu.dma_semaphore, #tpu.memory_space<semaphore_mem>>
      %dma_start3A_660 = tpu.memref_squeeze %dma_start3A_659 : memref<1x!tpu.dma_semaphore, #tpu.memory_space<semaphore_mem>> -> memref<!tpu.dma_semaphore, #tpu.memory_space<semaphore_mem>>
      tpu.enqueue_indirect_dma source(%dma_start3A_658 : memref<10000x16xf32, #tpu.memory_space<vmem_shared>>) target(%dma_start3A_652 : memref<80x16xf32, #tpu.memory_space<vmem>>) offsets(%dma_start3A_655 : memref<80xi32, #tpu.memory_space<vmem>>) semaphore(%dma_start3A_660 : memref<!tpu.dma_semaphore, #tpu.memory_space<semaphore_mem>>)
      %scan3A_661 = arith.constant 0 : i32
      scf.yield %scan3A_661 : i32
    }
    %scan3A_99 = arith.constant 24 : i32
    %dma_wait3A = arith.constant 120 : i32
    %dma_wait3A_100 = arith.constant 0 : i32
    %dma_wait3A_101 = arith.constant 0 : i32
    %dma_wait3A_102 = arith.constant 0 : i32
    %dma_wait3A_103 = arith.constant 0 : i32
    %dma_wait3A_104 = tpu.memref_slice %arg7[%dma_wait3A_100, %dma_wait3A_102, %dma_wait3A_103] : memref<5x80x16xf32, #tpu.memory_space<vmem>> -> memref<1x80x16xf32, #tpu.memory_space<vmem>>
    %dma_wait3A_105 = tpu.memref_squeeze %dma_wait3A_104 : memref<1x80x16xf32, #tpu.memory_space<vmem>> -> memref<80x16xf32, #tpu.memory_space<vmem>>
    %dma_wait3A_106 = arith.constant 0 : i32
    %dma_wait3A_107 = tpu.memref_slice %arg5[%dma_wait3A, %dma_wait3A_106] : memref<125x80xi32, #tpu.memory_space<vmem>> -> memref<1x80xi32, #tpu.memory_space<vmem>>
    %dma_wait3A_108 = tpu.memref_squeeze %dma_wait3A_107 : memref<1x80xi32, #tpu.memory_space<vmem>> -> memref<80xi32, #tpu.memory_space<vmem>>
    %dma_wait3A_109 = arith.constant 0 : i32
    %dma_wait3A_110 = arith.constant 0 : i32
    %dma_wait3A_111 = tpu.memref_slice %arg2[%dma_wait3A_109, %dma_wait3A_110] : memref<10000x16xf32, #tpu.memory_space<hbm>> -> memref<10000x16xf32, #tpu.memory_space<hbm>>
    %dma_wait3A_112 = tpu.memref_slice %arg9[%dma_wait3A_101] : memref<5x!tpu.dma_semaphore, #tpu.memory_space<semaphore_mem>> -> memref<1x!tpu.dma_semaphore, #tpu.memory_space<semaphore_mem>>
    %dma_wait3A_113 = tpu.memref_squeeze %dma_wait3A_112 : memref<1x!tpu.dma_semaphore, #tpu.memory_space<semaphore_mem>> -> memref<!tpu.dma_semaphore, #tpu.memory_space<semaphore_mem>>
    tpu.wait_indirect_dma semaphore(%dma_wait3A_113 : memref<!tpu.dma_semaphore, #tpu.memory_space<semaphore_mem>>) src(%dma_wait3A_111 : memref<10000x16xf32, #tpu.memory_space<hbm>>) dst(%dma_wait3A_105 : memref<80x16xf32, #tpu.memory_space<vmem>>)
    %dma_start3A_114 = arith.constant 0 : i32
    %dma_start3A_115 = arith.constant 120 : i32
    %dma_start3A_116 = arith.constant 0 : i32
    %dma_start3A_117 = arith.constant 0 : i32
    %dma_start3A_118 = arith.constant 0 : i32
    %dma_start3A_119 = tpu.memref_slice %arg7[%dma_start3A_114, %dma_start3A_117, %dma_start3A_118] : memref<5x80x16xf32, #tpu.memory_space<vmem>> -> memref<1x80x16xf32, #tpu.memory_space<vmem>>
    %dma_start3A_120 = tpu.memref_squeeze %dma_start3A_119 : memref<1x80x16xf32, #tpu.memory_space<vmem>> -> memref<80x16xf32, #tpu.memory_space<vmem>>
    %dma_start3A_121 = arith.constant 0 : i32
    %dma_start3A_122 = tpu.memref_slice %arg6[%dma_start3A_115, %dma_start3A_121] : memref<125x80xi32, #tpu.memory_space<vmem>> -> memref<1x80xi32, #tpu.memory_space<vmem>>
    %dma_start3A_123 = tpu.memref_squeeze %dma_start3A_122 : memref<1x80xi32, #tpu.memory_space<vmem>> -> memref<80xi32, #tpu.memory_space<vmem>>
    %dma_start3A_124 = arith.constant 0 : i32
    %dma_start3A_125 = arith.constant 0 : i32
    %dma_start3A_126 = tpu.memref_slice %arg8[%dma_start3A_124, %dma_start3A_125] : memref<10240x16xf32, #tpu.memory_space<vmem_shared>> -> memref<10240x16xf32, #tpu.memory_space<vmem_shared>>
    %dma_start3A_127 = tpu.memref_slice %arg10[%dma_start3A_116] : memref<5x!tpu.dma_semaphore, #tpu.memory_space<semaphore_mem>> -> memref<1x!tpu.dma_semaphore, #tpu.memory_space<semaphore_mem>>
    %dma_start3A_128 = tpu.memref_squeeze %dma_start3A_127 : memref<1x!tpu.dma_semaphore, #tpu.memory_space<semaphore_mem>> -> memref<!tpu.dma_semaphore, #tpu.memory_space<semaphore_mem>>
    tpu.enqueue_indirect_dma source(%dma_start3A_120 : memref<80x16xf32, #tpu.memory_space<vmem>>) target(%dma_start3A_126 : memref<10240x16xf32, #tpu.memory_space<vmem_shared>>) offsets(%dma_start3A_123 : memref<80xi32, #tpu.memory_space<vmem>>) semaphore(%dma_start3A_128 : memref<!tpu.dma_semaphore, #tpu.memory_space<semaphore_mem>>) {add = true}
    %dma_wait3A_129 = arith.constant 121 : i32
    %dma_wait3A_130 = arith.constant 1 : i32
    %dma_wait3A_131 = arith.constant 1 : i32
    %dma_wait3A_132 = arith.constant 0 : i32
    %dma_wait3A_133 = arith.constant 0 : i32
    %dma_wait3A_134 = tpu.memref_slice %arg7[%dma_wait3A_130, %dma_wait3A_132, %dma_wait3A_133] : memref<5x80x16xf32, #tpu.memory_space<vmem>> -> memref<1x80x16xf32, #tpu.memory_space<vmem>>
    %dma_wait3A_135 = tpu.memref_squeeze %dma_wait3A_134 : memref<1x80x16xf32, #tpu.memory_space<vmem>> -> memref<80x16xf32, #tpu.memory_space<vmem>>
    %dma_wait3A_136 = arith.constant 0 : i32
    %dma_wait3A_137 = tpu.memref_slice %arg5[%dma_wait3A_129, %dma_wait3A_136] : memref<125x80xi32, #tpu.memory_space<vmem>> -> memref<1x80xi32, #tpu.memory_space<vmem>>
    %dma_wait3A_138 = tpu.memref_squeeze %dma_wait3A_137 : memref<1x80xi32, #tpu.memory_space<vmem>> -> memref<80xi32, #tpu.memory_space<vmem>>
    %dma_wait3A_139 = arith.constant 0 : i32
    %dma_wait3A_140 = arith.constant 0 : i32
    %dma_wait3A_141 = tpu.memref_slice %arg2[%dma_wait3A_139, %dma_wait3A_140] : memref<10000x16xf32, #tpu.memory_space<hbm>> -> memref<10000x16xf32, #tpu.memory_space<hbm>>
    %dma_wait3A_142 = tpu.memref_slice %arg9[%dma_wait3A_131] : memref<5x!tpu.dma_semaphore, #tpu.memory_space<semaphore_mem>> -> memref<1x!tpu.dma_semaphore, #tpu.memory_space<semaphore_mem>>
    %dma_wait3A_143 = tpu.memref_squeeze %dma_wait3A_142 : memref<1x!tpu.dma_semaphore, #tpu.memory_space<semaphore_mem>> -> memref<!tpu.dma_semaphore, #tpu.memory_space<semaphore_mem>>
    tpu.wait_indirect_dma semaphore(%dma_wait3A_143 : memref<!tpu.dma_semaphore, #tpu.memory_space<semaphore_mem>>) src(%dma_wait3A_141 : memref<10000x16xf32, #tpu.memory_space<hbm>>) dst(%dma_wait3A_135 : memref<80x16xf32, #tpu.memory_space<vmem>>)
    %dma_start3A_144 = arith.constant 1 : i32
    %dma_start3A_145 = arith.constant 121 : i32
    %dma_start3A_146 = arith.constant 1 : i32
    %dma_start3A_147 = arith.constant 0 : i32
    %dma_start3A_148 = arith.constant 0 : i32
    %dma_start3A_149 = tpu.memref_slice %arg7[%dma_start3A_144, %dma_start3A_147, %dma_start3A_148] : memref<5x80x16xf32, #tpu.memory_space<vmem>> -> memref<1x80x16xf32, #tpu.memory_space<vmem>>
    %dma_start3A_150 = tpu.memref_squeeze %dma_start3A_149 : memref<1x80x16xf32, #tpu.memory_space<vmem>> -> memref<80x16xf32, #tpu.memory_space<vmem>>
    %dma_start3A_151 = arith.constant 0 : i32
    %dma_start3A_152 = tpu.memref_slice %arg6[%dma_start3A_145, %dma_start3A_151] : memref<125x80xi32, #tpu.memory_space<vmem>> -> memref<1x80xi32, #tpu.memory_space<vmem>>
    %dma_start3A_153 = tpu.memref_squeeze %dma_start3A_152 : memref<1x80xi32, #tpu.memory_space<vmem>> -> memref<80xi32, #tpu.memory_space<vmem>>
    %dma_start3A_154 = arith.constant 0 : i32
    %dma_start3A_155 = arith.constant 0 : i32
    %dma_start3A_156 = tpu.memref_slice %arg8[%dma_start3A_154, %dma_start3A_155] : memref<10240x16xf32, #tpu.memory_space<vmem_shared>> -> memref<10240x16xf32, #tpu.memory_space<vmem_shared>>
    %dma_start3A_157 = tpu.memref_slice %arg10[%dma_start3A_146] : memref<5x!tpu.dma_semaphore, #tpu.memory_space<semaphore_mem>> -> memref<1x!tpu.dma_semaphore, #tpu.memory_space<semaphore_mem>>
    %dma_start3A_158 = tpu.memref_squeeze %dma_start3A_157 : memref<1x!tpu.dma_semaphore, #tpu.memory_space<semaphore_mem>> -> memref<!tpu.dma_semaphore, #tpu.memory_space<semaphore_mem>>
    tpu.enqueue_indirect_dma source(%dma_start3A_150 : memref<80x16xf32, #tpu.memory_space<vmem>>) target(%dma_start3A_156 : memref<10240x16xf32, #tpu.memory_space<vmem_shared>>) offsets(%dma_start3A_153 : memref<80xi32, #tpu.memory_space<vmem>>) semaphore(%dma_start3A_158 : memref<!tpu.dma_semaphore, #tpu.memory_space<semaphore_mem>>) {add = true}
    %dma_wait3A_159 = arith.constant 122 : i32
    %dma_wait3A_160 = arith.constant 2 : i32
    %dma_wait3A_161 = arith.constant 2 : i32
    %dma_wait3A_162 = arith.constant 0 : i32
    %dma_wait3A_163 = arith.constant 0 : i32
    %dma_wait3A_164 = tpu.memref_slice %arg7[%dma_wait3A_160, %dma_wait3A_162, %dma_wait3A_163] : memref<5x80x16xf32, #tpu.memory_space<vmem>> -> memref<1x80x16xf32, #tpu.memory_space<vmem>>
    %dma_wait3A_165 = tpu.memref_squeeze %dma_wait3A_164 : memref<1x80x16xf32, #tpu.memory_space<vmem>> -> memref<80x16xf32, #tpu.memory_space<vmem>>
    %dma_wait3A_166 = arith.constant 0 : i32
    %dma_wait3A_167 = tpu.memref_slice %arg5[%dma_wait3A_159, %dma_wait3A_166] : memref<125x80xi32, #tpu.memory_space<vmem>> -> memref<1x80xi32, #tpu.memory_space<vmem>>
    %dma_wait3A_168 = tpu.memref_squeeze %dma_wait3A_167 : memref<1x80xi32, #tpu.memory_space<vmem>> -> memref<80xi32, #tpu.memory_space<vmem>>
    %dma_wait3A_169 = arith.constant 0 : i32
    %dma_wait3A_170 = arith.constant 0 : i32
    %dma_wait3A_171 = tpu.memref_slice %arg2[%dma_wait3A_169, %dma_wait3A_170] : memref<10000x16xf32, #tpu.memory_space<hbm>> -> memref<10000x16xf32, #tpu.memory_space<hbm>>
    %dma_wait3A_172 = tpu.memref_slice %arg9[%dma_wait3A_161] : memref<5x!tpu.dma_semaphore, #tpu.memory_space<semaphore_mem>> -> memref<1x!tpu.dma_semaphore, #tpu.memory_space<semaphore_mem>>
    %dma_wait3A_173 = tpu.memref_squeeze %dma_wait3A_172 : memref<1x!tpu.dma_semaphore, #tpu.memory_space<semaphore_mem>> -> memref<!tpu.dma_semaphore, #tpu.memory_space<semaphore_mem>>
    tpu.wait_indirect_dma semaphore(%dma_wait3A_173 : memref<!tpu.dma_semaphore, #tpu.memory_space<semaphore_mem>>) src(%dma_wait3A_171 : memref<10000x16xf32, #tpu.memory_space<hbm>>) dst(%dma_wait3A_165 : memref<80x16xf32, #tpu.memory_space<vmem>>)
    %dma_start3A_174 = arith.constant 2 : i32
    %dma_start3A_175 = arith.constant 122 : i32
    %dma_start3A_176 = arith.constant 2 : i32
    %dma_start3A_177 = arith.constant 0 : i32
    %dma_start3A_178 = arith.constant 0 : i32
    %dma_start3A_179 = tpu.memref_slice %arg7[%dma_start3A_174, %dma_start3A_177, %dma_start3A_178] : memref<5x80x16xf32, #tpu.memory_space<vmem>> -> memref<1x80x16xf32, #tpu.memory_space<vmem>>
    %dma_start3A_180 = tpu.memref_squeeze %dma_start3A_179 : memref<1x80x16xf32, #tpu.memory_space<vmem>> -> memref<80x16xf32, #tpu.memory_space<vmem>>
    %dma_start3A_181 = arith.constant 0 : i32
    %dma_start3A_182 = tpu.memref_slice %arg6[%dma_start3A_175, %dma_start3A_181] : memref<125x80xi32, #tpu.memory_space<vmem>> -> memref<1x80xi32, #tpu.memory_space<vmem>>
    %dma_start3A_183 = tpu.memref_squeeze %dma_start3A_182 : memref<1x80xi32, #tpu.memory_space<vmem>> -> memref<80xi32, #tpu.memory_space<vmem>>
    %dma_start3A_184 = arith.constant 0 : i32
    %dma_start3A_185 = arith.constant 0 : i32
    %dma_start3A_186 = tpu.memref_slice %arg8[%dma_start3A_184, %dma_start3A_185] : memref<10240x16xf32, #tpu.memory_space<vmem_shared>> -> memref<10240x16xf32, #tpu.memory_space<vmem_shared>>
    %dma_start3A_187 = tpu.memref_slice %arg10[%dma_start3A_176] : memref<5x!tpu.dma_semaphore, #tpu.memory_space<semaphore_mem>> -> memref<1x!tpu.dma_semaphore, #tpu.memory_space<semaphore_mem>>
    %dma_start3A_188 = tpu.memref_squeeze %dma_start3A_187 : memref<1x!tpu.dma_semaphore, #tpu.memory_space<semaphore_mem>> -> memref<!tpu.dma_semaphore, #tpu.memory_space<semaphore_mem>>
    tpu.enqueue_indirect_dma source(%dma_start3A_180 : memref<80x16xf32, #tpu.memory_space<vmem>>) target(%dma_start3A_186 : memref<10240x16xf32, #tpu.memory_space<vmem_shared>>) offsets(%dma_start3A_183 : memref<80xi32, #tpu.memory_space<vmem>>) semaphore(%dma_start3A_188 : memref<!tpu.dma_semaphore, #tpu.memory_space<semaphore_mem>>) {add = true}
    %dma_wait3A_189 = arith.constant 123 : i32
    %dma_wait3A_190 = arith.constant 3 : i32
    %dma_wait3A_191 = arith.constant 3 : i32
    %dma_wait3A_192 = arith.constant 0 : i32
    %dma_wait3A_193 = arith.constant 0 : i32
    %dma_wait3A_194 = tpu.memref_slice %arg7[%dma_wait3A_190, %dma_wait3A_192, %dma_wait3A_193] : memref<5x80x16xf32, #tpu.memory_space<vmem>> -> memref<1x80x16xf32, #tpu.memory_space<vmem>>
    %dma_wait3A_195 = tpu.memref_squeeze %dma_wait3A_194 : memref<1x80x16xf32, #tpu.memory_space<vmem>> -> memref<80x16xf32, #tpu.memory_space<vmem>>
    %dma_wait3A_196 = arith.constant 0 : i32
    %dma_wait3A_197 = tpu.memref_slice %arg5[%dma_wait3A_189, %dma_wait3A_196] : memref<125x80xi32, #tpu.memory_space<vmem>> -> memref<1x80xi32, #tpu.memory_space<vmem>>
    %dma_wait3A_198 = tpu.memref_squeeze %dma_wait3A_197 : memref<1x80xi32, #tpu.memory_space<vmem>> -> memref<80xi32, #tpu.memory_space<vmem>>
    %dma_wait3A_199 = arith.constant 0 : i32
    %dma_wait3A_200 = arith.constant 0 : i32
    %dma_wait3A_201 = tpu.memref_slice %arg2[%dma_wait3A_199, %dma_wait3A_200] : memref<10000x16xf32, #tpu.memory_space<hbm>> -> memref<10000x16xf32, #tpu.memory_space<hbm>>
    %dma_wait3A_202 = tpu.memref_slice %arg9[%dma_wait3A_191] : memref<5x!tpu.dma_semaphore, #tpu.memory_space<semaphore_mem>> -> memref<1x!tpu.dma_semaphore, #tpu.memory_space<semaphore_mem>>
    %dma_wait3A_203 = tpu.memref_squeeze %dma_wait3A_202 : memref<1x!tpu.dma_semaphore, #tpu.memory_space<semaphore_mem>> -> memref<!tpu.dma_semaphore, #tpu.memory_space<semaphore_mem>>
    tpu.wait_indirect_dma semaphore(%dma_wait3A_203 : memref<!tpu.dma_semaphore, #tpu.memory_space<semaphore_mem>>) src(%dma_wait3A_201 : memref<10000x16xf32, #tpu.memory_space<hbm>>) dst(%dma_wait3A_195 : memref<80x16xf32, #tpu.memory_space<vmem>>)
    %dma_start3A_204 = arith.constant 3 : i32
    %dma_start3A_205 = arith.constant 123 : i32
    %dma_start3A_206 = arith.constant 3 : i32
    %dma_start3A_207 = arith.constant 0 : i32
    %dma_start3A_208 = arith.constant 0 : i32
    %dma_start3A_209 = tpu.memref_slice %arg7[%dma_start3A_204, %dma_start3A_207, %dma_start3A_208] : memref<5x80x16xf32, #tpu.memory_space<vmem>> -> memref<1x80x16xf32, #tpu.memory_space<vmem>>
    %dma_start3A_210 = tpu.memref_squeeze %dma_start3A_209 : memref<1x80x16xf32, #tpu.memory_space<vmem>> -> memref<80x16xf32, #tpu.memory_space<vmem>>
    %dma_start3A_211 = arith.constant 0 : i32
    %dma_start3A_212 = tpu.memref_slice %arg6[%dma_start3A_205, %dma_start3A_211] : memref<125x80xi32, #tpu.memory_space<vmem>> -> memref<1x80xi32, #tpu.memory_space<vmem>>
    %dma_start3A_213 = tpu.memref_squeeze %dma_start3A_212 : memref<1x80xi32, #tpu.memory_space<vmem>> -> memref<80xi32, #tpu.memory_space<vmem>>
    %dma_start3A_214 = arith.constant 0 : i32
    %dma_start3A_215 = arith.constant 0 : i32
    %dma_start3A_216 = tpu.memref_slice %arg8[%dma_start3A_214, %dma_start3A_215] : memref<10240x16xf32, #tpu.memory_space<vmem_shared>> -> memref<10240x16xf32, #tpu.memory_space<vmem_shared>>
    %dma_start3A_217 = tpu.memref_slice %arg10[%dma_start3A_206] : memref<5x!tpu.dma_semaphore, #tpu.memory_space<semaphore_mem>> -> memref<1x!tpu.dma_semaphore, #tpu.memory_space<semaphore_mem>>
    %dma_start3A_218 = tpu.memref_squeeze %dma_start3A_217 : memref<1x!tpu.dma_semaphore, #tpu.memory_space<semaphore_mem>> -> memref<!tpu.dma_semaphore, #tpu.memory_space<semaphore_mem>>
    tpu.enqueue_indirect_dma source(%dma_start3A_210 : memref<80x16xf32, #tpu.memory_space<vmem>>) target(%dma_start3A_216 : memref<10240x16xf32, #tpu.memory_space<vmem_shared>>) offsets(%dma_start3A_213 : memref<80xi32, #tpu.memory_space<vmem>>) semaphore(%dma_start3A_218 : memref<!tpu.dma_semaphore, #tpu.memory_space<semaphore_mem>>) {add = true}
    %dma_wait3A_219 = arith.constant 124 : i32
    %dma_wait3A_220 = arith.constant 4 : i32
    %dma_wait3A_221 = arith.constant 4 : i32
    %dma_wait3A_222 = arith.constant 0 : i32
    %dma_wait3A_223 = arith.constant 0 : i32
    %dma_wait3A_224 = tpu.memref_slice %arg7[%dma_wait3A_220, %dma_wait3A_222, %dma_wait3A_223] : memref<5x80x16xf32, #tpu.memory_space<vmem>> -> memref<1x80x16xf32, #tpu.memory_space<vmem>>
    %dma_wait3A_225 = tpu.memref_squeeze %dma_wait3A_224 : memref<1x80x16xf32, #tpu.memory_space<vmem>> -> memref<80x16xf32, #tpu.memory_space<vmem>>
    %dma_wait3A_226 = arith.constant 0 : i32
    %dma_wait3A_227 = tpu.memref_slice %arg5[%dma_wait3A_219, %dma_wait3A_226] : memref<125x80xi32, #tpu.memory_space<vmem>> -> memref<1x80xi32, #tpu.memory_space<vmem>>
    %dma_wait3A_228 = tpu.memref_squeeze %dma_wait3A_227 : memref<1x80xi32, #tpu.memory_space<vmem>> -> memref<80xi32, #tpu.memory_space<vmem>>
    %dma_wait3A_229 = arith.constant 0 : i32
    %dma_wait3A_230 = arith.constant 0 : i32
    %dma_wait3A_231 = tpu.memref_slice %arg2[%dma_wait3A_229, %dma_wait3A_230] : memref<10000x16xf32, #tpu.memory_space<hbm>> -> memref<10000x16xf32, #tpu.memory_space<hbm>>
    %dma_wait3A_232 = tpu.memref_slice %arg9[%dma_wait3A_221] : memref<5x!tpu.dma_semaphore, #tpu.memory_space<semaphore_mem>> -> memref<1x!tpu.dma_semaphore, #tpu.memory_space<semaphore_mem>>
    %dma_wait3A_233 = tpu.memref_squeeze %dma_wait3A_232 : memref<1x!tpu.dma_semaphore, #tpu.memory_space<semaphore_mem>> -> memref<!tpu.dma_semaphore, #tpu.memory_space<semaphore_mem>>
    tpu.wait_indirect_dma semaphore(%dma_wait3A_233 : memref<!tpu.dma_semaphore, #tpu.memory_space<semaphore_mem>>) src(%dma_wait3A_231 : memref<10000x16xf32, #tpu.memory_space<hbm>>) dst(%dma_wait3A_225 : memref<80x16xf32, #tpu.memory_space<vmem>>)
    %dma_start3A_234 = arith.constant 4 : i32
    %dma_start3A_235 = arith.constant 124 : i32
    %dma_start3A_236 = arith.constant 4 : i32
    %dma_start3A_237 = arith.constant 0 : i32
    %dma_start3A_238 = arith.constant 0 : i32
    %dma_start3A_239 = tpu.memref_slice %arg7[%dma_start3A_234, %dma_start3A_237, %dma_start3A_238] : memref<5x80x16xf32, #tpu.memory_space<vmem>> -> memref<1x80x16xf32, #tpu.memory_space<vmem>>
    %dma_start3A_240 = tpu.memref_squeeze %dma_start3A_239 : memref<1x80x16xf32, #tpu.memory_space<vmem>> -> memref<80x16xf32, #tpu.memory_space<vmem>>
    %dma_start3A_241 = arith.constant 0 : i32
    %dma_start3A_242 = tpu.memref_slice %arg6[%dma_start3A_235, %dma_start3A_241] : memref<125x80xi32, #tpu.memory_space<vmem>> -> memref<1x80xi32, #tpu.memory_space<vmem>>
    %dma_start3A_243 = tpu.memref_squeeze %dma_start3A_242 : memref<1x80xi32, #tpu.memory_space<vmem>> -> memref<80xi32, #tpu.memory_space<vmem>>
    %dma_start3A_244 = arith.constant 0 : i32
    %dma_start3A_245 = arith.constant 0 : i32
    %dma_start3A_246 = tpu.memref_slice %arg8[%dma_start3A_244, %dma_start3A_245] : memref<10240x16xf32, #tpu.memory_space<vmem_shared>> -> memref<10240x16xf32, #tpu.memory_space<vmem_shared>>
    %dma_start3A_247 = tpu.memref_slice %arg10[%dma_start3A_236] : memref<5x!tpu.dma_semaphore, #tpu.memory_space<semaphore_mem>> -> memref<1x!tpu.dma_semaphore, #tpu.memory_space<semaphore_mem>>
    %dma_start3A_248 = tpu.memref_squeeze %dma_start3A_247 : memref<1x!tpu.dma_semaphore, #tpu.memory_space<semaphore_mem>> -> memref<!tpu.dma_semaphore, #tpu.memory_space<semaphore_mem>>
    tpu.enqueue_indirect_dma source(%dma_start3A_240 : memref<80x16xf32, #tpu.memory_space<vmem>>) target(%dma_start3A_246 : memref<10240x16xf32, #tpu.memory_space<vmem_shared>>) offsets(%dma_start3A_243 : memref<80xi32, #tpu.memory_space<vmem>>) semaphore(%dma_start3A_248 : memref<!tpu.dma_semaphore, #tpu.memory_space<semaphore_mem>>) {add = true}
    %dma_wait3A_249 = arith.constant 0 : i32
    %dma_wait3A_250 = arith.constant 120 : i32
    %dma_wait3A_251 = arith.constant 0 : i32
    %dma_wait3A_252 = arith.constant 0 : i32
    %dma_wait3A_253 = arith.constant 0 : i32
    %dma_wait3A_254 = tpu.memref_slice %arg7[%dma_wait3A_249, %dma_wait3A_252, %dma_wait3A_253] : memref<5x80x16xf32, #tpu.memory_space<vmem>> -> memref<1x80x16xf32, #tpu.memory_space<vmem>>
    %dma_wait3A_255 = tpu.memref_squeeze %dma_wait3A_254 : memref<1x80x16xf32, #tpu.memory_space<vmem>> -> memref<80x16xf32, #tpu.memory_space<vmem>>
    %dma_wait3A_256 = arith.constant 0 : i32
    %dma_wait3A_257 = tpu.memref_slice %arg6[%dma_wait3A_250, %dma_wait3A_256] : memref<125x80xi32, #tpu.memory_space<vmem>> -> memref<1x80xi32, #tpu.memory_space<vmem>>
    %dma_wait3A_258 = tpu.memref_squeeze %dma_wait3A_257 : memref<1x80xi32, #tpu.memory_space<vmem>> -> memref<80xi32, #tpu.memory_space<vmem>>
    %dma_wait3A_259 = arith.constant 0 : i32
    %dma_wait3A_260 = arith.constant 0 : i32
    %dma_wait3A_261 = tpu.memref_slice %arg8[%dma_wait3A_259, %dma_wait3A_260] : memref<10240x16xf32, #tpu.memory_space<vmem_shared>> -> memref<10240x16xf32, #tpu.memory_space<vmem_shared>>
    %dma_wait3A_262 = tpu.memref_slice %arg10[%dma_wait3A_251] : memref<5x!tpu.dma_semaphore, #tpu.memory_space<semaphore_mem>> -> memref<1x!tpu.dma_semaphore, #tpu.memory_space<semaphore_mem>>
    %dma_wait3A_263 = tpu.memref_squeeze %dma_wait3A_262 : memref<1x!tpu.dma_semaphore, #tpu.memory_space<semaphore_mem>> -> memref<!tpu.dma_semaphore, #tpu.memory_space<semaphore_mem>>
    tpu.wait_indirect_dma semaphore(%dma_wait3A_263 : memref<!tpu.dma_semaphore, #tpu.memory_space<semaphore_mem>>) src(%dma_wait3A_255 : memref<80x16xf32, #tpu.memory_space<vmem>>) dst(%dma_wait3A_261 : memref<10240x16xf32, #tpu.memory_space<vmem_shared>>)
    %dma_wait3A_264 = arith.constant 1 : i32
    %dma_wait3A_265 = arith.constant 121 : i32
    %dma_wait3A_266 = arith.constant 1 : i32
    %dma_wait3A_267 = arith.constant 0 : i32
    %dma_wait3A_268 = arith.constant 0 : i32
    %dma_wait3A_269 = tpu.memref_slice %arg7[%dma_wait3A_264, %dma_wait3A_267, %dma_wait3A_268] : memref<5x80x16xf32, #tpu.memory_space<vmem>> -> memref<1x80x16xf32, #tpu.memory_space<vmem>>
    %dma_wait3A_270 = tpu.memref_squeeze %dma_wait3A_269 : memref<1x80x16xf32, #tpu.memory_space<vmem>> -> memref<80x16xf32, #tpu.memory_space<vmem>>
    %dma_wait3A_271 = arith.constant 0 : i32
    %dma_wait3A_272 = tpu.memref_slice %arg6[%dma_wait3A_265, %dma_wait3A_271] : memref<125x80xi32, #tpu.memory_space<vmem>> -> memref<1x80xi32, #tpu.memory_space<vmem>>
    %dma_wait3A_273 = tpu.memref_squeeze %dma_wait3A_272 : memref<1x80xi32, #tpu.memory_space<vmem>> -> memref<80xi32, #tpu.memory_space<vmem>>
    %dma_wait3A_274 = arith.constant 0 : i32
    %dma_wait3A_275 = arith.constant 0 : i32
    %dma_wait3A_276 = tpu.memref_slice %arg8[%dma_wait3A_274, %dma_wait3A_275] : memref<10240x16xf32, #tpu.memory_space<vmem_shared>> -> memref<10240x16xf32, #tpu.memory_space<vmem_shared>>
    %dma_wait3A_277 = tpu.memref_slice %arg10[%dma_wait3A_266] : memref<5x!tpu.dma_semaphore, #tpu.memory_space<semaphore_mem>> -> memref<1x!tpu.dma_semaphore, #tpu.memory_space<semaphore_mem>>
    %dma_wait3A_278 = tpu.memref_squeeze %dma_wait3A_277 : memref<1x!tpu.dma_semaphore, #tpu.memory_space<semaphore_mem>> -> memref<!tpu.dma_semaphore, #tpu.memory_space<semaphore_mem>>
    tpu.wait_indirect_dma semaphore(%dma_wait3A_278 : memref<!tpu.dma_semaphore, #tpu.memory_space<semaphore_mem>>) src(%dma_wait3A_270 : memref<80x16xf32, #tpu.memory_space<vmem>>) dst(%dma_wait3A_276 : memref<10240x16xf32, #tpu.memory_space<vmem_shared>>)
    %dma_wait3A_279 = arith.constant 2 : i32
    %dma_wait3A_280 = arith.constant 122 : i32
    %dma_wait3A_281 = arith.constant 2 : i32
    %dma_wait3A_282 = arith.constant 0 : i32
    %dma_wait3A_283 = arith.constant 0 : i32
    %dma_wait3A_284 = tpu.memref_slice %arg7[%dma_wait3A_279, %dma_wait3A_282, %dma_wait3A_283] : memref<5x80x16xf32, #tpu.memory_space<vmem>> -> memref<1x80x16xf32, #tpu.memory_space<vmem>>
    %dma_wait3A_285 = tpu.memref_squeeze %dma_wait3A_284 : memref<1x80x16xf32, #tpu.memory_space<vmem>> -> memref<80x16xf32, #tpu.memory_space<vmem>>
    %dma_wait3A_286 = arith.constant 0 : i32
    %dma_wait3A_287 = tpu.memref_slice %arg6[%dma_wait3A_280, %dma_wait3A_286] : memref<125x80xi32, #tpu.memory_space<vmem>> -> memref<1x80xi32, #tpu.memory_space<vmem>>
    %dma_wait3A_288 = tpu.memref_squeeze %dma_wait3A_287 : memref<1x80xi32, #tpu.memory_space<vmem>> -> memref<80xi32, #tpu.memory_space<vmem>>
    %dma_wait3A_289 = arith.constant 0 : i32
    %dma_wait3A_290 = arith.constant 0 : i32
    %dma_wait3A_291 = tpu.memref_slice %arg8[%dma_wait3A_289, %dma_wait3A_290] : memref<10240x16xf32, #tpu.memory_space<vmem_shared>> -> memref<10240x16xf32, #tpu.memory_space<vmem_shared>>
    %dma_wait3A_292 = tpu.memref_slice %arg10[%dma_wait3A_281] : memref<5x!tpu.dma_semaphore, #tpu.memory_space<semaphore_mem>> -> memref<1x!tpu.dma_semaphore, #tpu.memory_space<semaphore_mem>>
    %dma_wait3A_293 = tpu.memref_squeeze %dma_wait3A_292 : memref<1x!tpu.dma_semaphore, #tpu.memory_space<semaphore_mem>> -> memref<!tpu.dma_semaphore, #tpu.memory_space<semaphore_mem>>
    tpu.wait_indirect_dma semaphore(%dma_wait3A_293 : memref<!tpu.dma_semaphore, #tpu.memory_space<semaphore_mem>>) src(%dma_wait3A_285 : memref<80x16xf32, #tpu.memory_space<vmem>>) dst(%dma_wait3A_291 : memref<10240x16xf32, #tpu.memory_space<vmem_shared>>)
    %dma_wait3A_294 = arith.constant 3 : i32
    %dma_wait3A_295 = arith.constant 123 : i32
    %dma_wait3A_296 = arith.constant 3 : i32
    %dma_wait3A_297 = arith.constant 0 : i32
    %dma_wait3A_298 = arith.constant 0 : i32
    %dma_wait3A_299 = tpu.memref_slice %arg7[%dma_wait3A_294, %dma_wait3A_297, %dma_wait3A_298] : memref<5x80x16xf32, #tpu.memory_space<vmem>> -> memref<1x80x16xf32, #tpu.memory_space<vmem>>
    %dma_wait3A_300 = tpu.memref_squeeze %dma_wait3A_299 : memref<1x80x16xf32, #tpu.memory_space<vmem>> -> memref<80x16xf32, #tpu.memory_space<vmem>>
    %dma_wait3A_301 = arith.constant 0 : i32
    %dma_wait3A_302 = tpu.memref_slice %arg6[%dma_wait3A_295, %dma_wait3A_301] : memref<125x80xi32, #tpu.memory_space<vmem>> -> memref<1x80xi32, #tpu.memory_space<vmem>>
    %dma_wait3A_303 = tpu.memref_squeeze %dma_wait3A_302 : memref<1x80xi32, #tpu.memory_space<vmem>> -> memref<80xi32, #tpu.memory_space<vmem>>
    %dma_wait3A_304 = arith.constant 0 : i32
    %dma_wait3A_305 = arith.constant 0 : i32
    %dma_wait3A_306 = tpu.memref_slice %arg8[%dma_wait3A_304, %dma_wait3A_305] : memref<10240x16xf32, #tpu.memory_space<vmem_shared>> -> memref<10240x16xf32, #tpu.memory_space<vmem_shared>>
    %dma_wait3A_307 = tpu.memref_slice %arg10[%dma_wait3A_296] : memref<5x!tpu.dma_semaphore, #tpu.memory_space<semaphore_mem>> -> memref<1x!tpu.dma_semaphore, #tpu.memory_space<semaphore_mem>>
    %dma_wait3A_308 = tpu.memref_squeeze %dma_wait3A_307 : memref<1x!tpu.dma_semaphore, #tpu.memory_space<semaphore_mem>> -> memref<!tpu.dma_semaphore, #tpu.memory_space<semaphore_mem>>
    tpu.wait_indirect_dma semaphore(%dma_wait3A_308 : memref<!tpu.dma_semaphore, #tpu.memory_space<semaphore_mem>>) src(%dma_wait3A_300 : memref<80x16xf32, #tpu.memory_space<vmem>>) dst(%dma_wait3A_306 : memref<10240x16xf32, #tpu.memory_space<vmem_shared>>)
    %dma_wait3A_309 = arith.constant 4 : i32
    %dma_wait3A_310 = arith.constant 124 : i32
    %dma_wait3A_311 = arith.constant 4 : i32
    %dma_wait3A_312 = arith.constant 0 : i32
    %dma_wait3A_313 = arith.constant 0 : i32
    %dma_wait3A_314 = tpu.memref_slice %arg7[%dma_wait3A_309, %dma_wait3A_312, %dma_wait3A_313] : memref<5x80x16xf32, #tpu.memory_space<vmem>> -> memref<1x80x16xf32, #tpu.memory_space<vmem>>
    %dma_wait3A_315 = tpu.memref_squeeze %dma_wait3A_314 : memref<1x80x16xf32, #tpu.memory_space<vmem>> -> memref<80x16xf32, #tpu.memory_space<vmem>>
    %dma_wait3A_316 = arith.constant 0 : i32
    %dma_wait3A_317 = tpu.memref_slice %arg6[%dma_wait3A_310, %dma_wait3A_316] : memref<125x80xi32, #tpu.memory_space<vmem>> -> memref<1x80xi32, #tpu.memory_space<vmem>>
    %dma_wait3A_318 = tpu.memref_squeeze %dma_wait3A_317 : memref<1x80xi32, #tpu.memory_space<vmem>> -> memref<80xi32, #tpu.memory_space<vmem>>
    %dma_wait3A_319 = arith.constant 0 : i32
    %dma_wait3A_320 = arith.constant 0 : i32
    %dma_wait3A_321 = tpu.memref_slice %arg8[%dma_wait3A_319, %dma_wait3A_320] : memref<10240x16xf32, #tpu.memory_space<vmem_shared>> -> memref<10240x16xf32, #tpu.memory_space<vmem_shared>>
    %dma_wait3A_322 = tpu.memref_slice %arg10[%dma_wait3A_311] : memref<5x!tpu.dma_semaphore, #tpu.memory_space<semaphore_mem>> -> memref<1x!tpu.dma_semaphore, #tpu.memory_space<semaphore_mem>>
    %dma_wait3A_323 = tpu.memref_squeeze %dma_wait3A_322 : memref<1x!tpu.dma_semaphore, #tpu.memory_space<semaphore_mem>> -> memref<!tpu.dma_semaphore, #tpu.memory_space<semaphore_mem>>
    tpu.wait_indirect_dma semaphore(%dma_wait3A_323 : memref<!tpu.dma_semaphore, #tpu.memory_space<semaphore_mem>>) src(%dma_wait3A_315 : memref<80x16xf32, #tpu.memory_space<vmem>>) dst(%dma_wait3A_321 : memref<10240x16xf32, #tpu.memory_space<vmem_shared>>)
    %barrier3A_324 = arith.constant 0 : index
    tpu.barrier barrier_id(%barrier3A_324)
    %mul3A_325 = arith.constant 640 : i32
    %mul3A_326 = arith.muli %arg1, %mul3A_325 : i32
    %mul3A_327 = arith.constant 640 : i32
    %mul3A_328 = arith.muli %arg1, %mul3A_327 : i32
    "tpu.region"() ({
      %run_scoped3A_329 = tpu.sem_alloc : memref<!tpu.dma_semaphore, #tpu.memory_space<semaphore_mem>>
      %dma_start3A_330 = arith.constant 0 : i32
      %dma_start3A_331 = tpu.memref_slice %arg4[%arg0, %mul3A_328, %dma_start3A_330] : memref<2x10240x16xf32, #tpu.memory_space<hbm>> -> memref<1x640x16xf32, #tpu.memory_space<hbm>>
      %dma_start3A_332 = tpu.memref_squeeze %dma_start3A_331 : memref<1x640x16xf32, #tpu.memory_space<hbm>> -> memref<640x16xf32, #tpu.memory_space<hbm>>
      %dma_start3A_333 = arith.constant 0 : i32
      %dma_start3A_334 = tpu.memref_slice %arg8[%mul3A_326, %dma_start3A_333] : memref<10240x16xf32, #tpu.memory_space<vmem_shared>> -> memref<640x16xf32, #tpu.memory_space<vmem_shared>>
      tpu.enqueue_dma source(%dma_start3A_334 : memref<640x16xf32, #tpu.memory_space<vmem_shared>>) target(%dma_start3A_332 : memref<640x16xf32, #tpu.memory_space<hbm>>) target_semaphore(%run_scoped3A_329 : memref<!tpu.dma_semaphore, #tpu.memory_space<semaphore_mem>>)
      %dma_wait3A_335 = arith.constant 0 : i32
      %dma_wait3A_336 = tpu.memref_slice %arg4[%arg0, %mul3A_328, %dma_wait3A_335] : memref<2x10240x16xf32, #tpu.memory_space<hbm>> -> memref<1x640x16xf32, #tpu.memory_space<hbm>>
      %dma_wait3A_337 = tpu.memref_squeeze %dma_wait3A_336 : memref<1x640x16xf32, #tpu.memory_space<hbm>> -> memref<640x16xf32, #tpu.memory_space<hbm>>
      %dma_wait3A_338 = arith.constant 0 : i32
      %dma_wait3A_339 = tpu.memref_slice %arg8[%mul3A_326, %dma_wait3A_338] : memref<10240x16xf32, #tpu.memory_space<vmem_shared>> -> memref<640x16xf32, #tpu.memory_space<vmem_shared>>
      tpu.wait_dma2 semaphore(%run_scoped3A_329 : memref<!tpu.dma_semaphore, #tpu.memory_space<semaphore_mem>>) src(%dma_wait3A_339 : memref<640x16xf32, #tpu.memory_space<vmem_shared>>) dst(%dma_wait3A_337 : memref<640x16xf32, #tpu.memory_space<hbm>>)
      tpu.yield
    }) : () -> ()
    return
  }
}

#map = affine_map<(d0, d1) -> (0, 0)>
#map1 = affine_map<(d0, d1) -> (0, 0, 0, 0)>
#map2 = affine_map<(d0, d1) -> (0, 0, 0)>
module attributes {stable_mosaic.version = 14 : i64} {
  func.func @deg_kernel(%arg0: i32, %arg1: i32, %arg2: memref<160x8xf32, #tpu.memory_space<hbm>>, %arg3: memref<2x32x125x80xi32, #tpu.memory_space<hbm>>, %arg4: memref<2x10240x8xf32, #tpu.memory_space<hbm>>, %arg5: memref<125x80xi32, #tpu.memory_space<vmem>>, %arg6: memref<160x8xf32, #tpu.memory_space<vmem>>, %arg7: memref<10240x8xf32, #tpu.memory_space<vmem_shared>>) attributes {dimension_semantics = [#tpu.dimension_semantics<core_parallel>, #tpu.dimension_semantics<subcore_parallel>], iteration_bounds = array<i64: 2, 16>, scalar_prefetch = 0 : i64, scratch_operands = 3 : i64, tpu.core_type = #tpu.core_type<sc_vector_subcore>, window_params = [{transform_indices = #map}, {transform_indices = #map1}, {transform_indices = #map2}]} {
    %mul3A = arith.constant 2 : i32
    %mul3A_0 = arith.muli %arg1, %mul3A : i32
    %add3A = arith.addi %mul3A_0, %arg0 : i32
    %run_scoped3A = arith.constant 1 : i32
    "tpu.region"() ({
      %run_scoped3A_19 = tpu.sem_alloc : memref<!tpu.dma_semaphore, #tpu.memory_space<semaphore_mem>>
      %dma_start3A = arith.constant 0 : i32
      %dma_start3A_20 = arith.constant 0 : i32
      %dma_start3A_21 = tpu.memref_slice %arg3[%run_scoped3A, %add3A, %dma_start3A, %dma_start3A_20] : memref<2x32x125x80xi32, #tpu.memory_space<hbm>> -> memref<1x1x125x80xi32, #tpu.memory_space<hbm>>
      %dma_start3A_22 = tpu.memref_squeeze %dma_start3A_21 : memref<1x1x125x80xi32, #tpu.memory_space<hbm>> -> memref<125x80xi32, #tpu.memory_space<hbm>>
      %dma_start3A_23 = arith.constant 0 : i32
      %dma_start3A_24 = arith.constant 0 : i32
      %dma_start3A_25 = tpu.memref_slice %arg3[%run_scoped3A, %add3A, %dma_start3A_23, %dma_start3A_24] : memref<2x32x125x80xi32, #tpu.memory_space<hbm>> -> memref<1x1x125x80xi32, #tpu.memory_space<hbm>>
      %dma_start3A_26 = tpu.memref_squeeze %dma_start3A_25 : memref<1x1x125x80xi32, #tpu.memory_space<hbm>> -> memref<125x80xi32, #tpu.memory_space<hbm>>
      tpu.enqueue_dma source(%dma_start3A_26 : memref<125x80xi32, #tpu.memory_space<hbm>>) target(%arg5 : memref<125x80xi32, #tpu.memory_space<vmem>>) target_semaphore(%run_scoped3A_19 : memref<!tpu.dma_semaphore, #tpu.memory_space<semaphore_mem>>)
      %dma_wait3A = arith.constant 0 : i32
      %dma_wait3A_27 = arith.constant 0 : i32
      %dma_wait3A_28 = tpu.memref_slice %arg3[%run_scoped3A, %add3A, %dma_wait3A, %dma_wait3A_27] : memref<2x32x125x80xi32, #tpu.memory_space<hbm>> -> memref<1x1x125x80xi32, #tpu.memory_space<hbm>>
      %dma_wait3A_29 = tpu.memref_squeeze %dma_wait3A_28 : memref<1x1x125x80xi32, #tpu.memory_space<hbm>> -> memref<125x80xi32, #tpu.memory_space<hbm>>
      %dma_wait3A_30 = arith.constant 0 : i32
      %dma_wait3A_31 = arith.constant 0 : i32
      %dma_wait3A_32 = tpu.memref_slice %arg3[%run_scoped3A, %add3A, %dma_wait3A_30, %dma_wait3A_31] : memref<2x32x125x80xi32, #tpu.memory_space<hbm>> -> memref<1x1x125x80xi32, #tpu.memory_space<hbm>>
      %dma_wait3A_33 = tpu.memref_squeeze %dma_wait3A_32 : memref<1x1x125x80xi32, #tpu.memory_space<hbm>> -> memref<125x80xi32, #tpu.memory_space<hbm>>
      tpu.wait_dma2 semaphore(%run_scoped3A_19 : memref<!tpu.dma_semaphore, #tpu.memory_space<semaphore_mem>>) src(%dma_wait3A_33 : memref<125x80xi32, #tpu.memory_space<hbm>>) dst(%arg5 : memref<125x80xi32, #tpu.memory_space<vmem>>)
      tpu.yield
    }) : () -> ()
    "tpu.region"() ({
      %run_scoped3A_19 = tpu.sem_alloc : memref<!tpu.dma_semaphore, #tpu.memory_space<semaphore_mem>>
      tpu.enqueue_dma source(%arg2 : memref<160x8xf32, #tpu.memory_space<hbm>>) target(%arg6 : memref<160x8xf32, #tpu.memory_space<vmem>>) target_semaphore(%run_scoped3A_19 : memref<!tpu.dma_semaphore, #tpu.memory_space<semaphore_mem>>)
      tpu.wait_dma2 semaphore(%run_scoped3A_19 : memref<!tpu.dma_semaphore, #tpu.memory_space<semaphore_mem>>) src(%arg2 : memref<160x8xf32, #tpu.memory_space<hbm>>) dst(%arg6 : memref<160x8xf32, #tpu.memory_space<vmem>>)
      tpu.yield
    }) : () -> ()
    %scan3A = arith.constant 0 : i32
    %scan3A_1 = arith.constant 0 : i32
    %scan3A_2 = arith.constant 8 : i32
    %scan3A_3 = arith.addi %scan3A_1, %scan3A_2 : i32
    %scan3A_4 = arith.constant 1 : i32
    %scan3A_5 = scf.for %scan3A_19 = %scan3A_1 to %scan3A_3 step %scan3A_4 iter_args(%scan3A_20 = %scan3A) -> (i32)  : i32 {
      %mul3A_21 = arith.constant 640 : i32
      %mul3A_22 = arith.muli %arg1, %mul3A_21 : i32
      %mul3A_23 = arith.constant 80 : i32
      %mul3A_24 = arith.muli %scan3A_19, %mul3A_23 : i32
      %add3A_25 = arith.addi %mul3A_22, %mul3A_24 : i32
      "tpu.region"() ({
        %run_scoped3A_27 = tpu.sem_alloc : memref<!tpu.dma_semaphore, #tpu.memory_space<semaphore_mem>>
        %dma_start3A = arith.constant 0 : i32
        %dma_start3A_28 = arith.constant 0 : i32
        %dma_start3A_29 = tpu.memref_slice %arg6[%dma_start3A, %dma_start3A_28] : memref<160x8xf32, #tpu.memory_space<vmem>> -> memref<80x8xf32, #tpu.memory_space<vmem>>
        %dma_start3A_30 = arith.constant 0 : i32
        %dma_start3A_31 = tpu.memref_slice %arg7[%add3A_25, %dma_start3A_30] : memref<10240x8xf32, #tpu.memory_space<vmem_shared>> -> memref<80x8xf32, #tpu.memory_space<vmem_shared>>
        %dma_start3A_32 = arith.constant 0 : i32
        %dma_start3A_33 = tpu.memref_slice %arg7[%add3A_25, %dma_start3A_32] : memref<10240x8xf32, #tpu.memory_space<vmem_shared>> -> memref<80x8xf32, #tpu.memory_space<vmem_shared>>
        %dma_start3A_34 = arith.constant 0 : i32
        %dma_start3A_35 = arith.constant 0 : i32
        %dma_start3A_36 = tpu.memref_slice %arg6[%dma_start3A_34, %dma_start3A_35] : memref<160x8xf32, #tpu.memory_space<vmem>> -> memref<80x8xf32, #tpu.memory_space<vmem>>
        tpu.enqueue_dma source(%dma_start3A_36 : memref<80x8xf32, #tpu.memory_space<vmem>>) target(%dma_start3A_33 : memref<80x8xf32, #tpu.memory_space<vmem_shared>>) target_semaphore(%run_scoped3A_27 : memref<!tpu.dma_semaphore, #tpu.memory_space<semaphore_mem>>)
        %dma_wait3A = arith.constant 0 : i32
        %dma_wait3A_37 = arith.constant 0 : i32
        %dma_wait3A_38 = tpu.memref_slice %arg6[%dma_wait3A, %dma_wait3A_37] : memref<160x8xf32, #tpu.memory_space<vmem>> -> memref<80x8xf32, #tpu.memory_space<vmem>>
        %dma_wait3A_39 = arith.constant 0 : i32
        %dma_wait3A_40 = tpu.memref_slice %arg7[%add3A_25, %dma_wait3A_39] : memref<10240x8xf32, #tpu.memory_space<vmem_shared>> -> memref<80x8xf32, #tpu.memory_space<vmem_shared>>
        %dma_wait3A_41 = arith.constant 0 : i32
        %dma_wait3A_42 = tpu.memref_slice %arg7[%add3A_25, %dma_wait3A_41] : memref<10240x8xf32, #tpu.memory_space<vmem_shared>> -> memref<80x8xf32, #tpu.memory_space<vmem_shared>>
        %dma_wait3A_43 = arith.constant 0 : i32
        %dma_wait3A_44 = arith.constant 0 : i32
        %dma_wait3A_45 = tpu.memref_slice %arg6[%dma_wait3A_43, %dma_wait3A_44] : memref<160x8xf32, #tpu.memory_space<vmem>> -> memref<80x8xf32, #tpu.memory_space<vmem>>
        tpu.wait_dma2 semaphore(%run_scoped3A_27 : memref<!tpu.dma_semaphore, #tpu.memory_space<semaphore_mem>>) src(%dma_wait3A_45 : memref<80x8xf32, #tpu.memory_space<vmem>>) dst(%dma_wait3A_42 : memref<80x8xf32, #tpu.memory_space<vmem_shared>>)
        tpu.yield
      }) : () -> ()
      %scan3A_26 = arith.constant 0 : i32
      scf.yield %scan3A_26 : i32
    }
    %scan3A_6 = arith.constant 8 : i32
    %barrier3A = arith.constant 0 : index
    tpu.barrier barrier_id(%barrier3A)
    %scan3A_7 = arith.constant 0 : i32
    %scan3A_8 = arith.constant 0 : i32
    %scan3A_9 = arith.constant 125 : i32
    %scan3A_10 = arith.addi %scan3A_8, %scan3A_9 : i32
    %scan3A_11 = arith.constant 1 : i32
    %scan3A_12 = scf.for %scan3A_19 = %scan3A_8 to %scan3A_10 step %scan3A_11 iter_args(%scan3A_20 = %scan3A_7) -> (i32)  : i32 {
      "tpu.region"() ({
        %run_scoped3A_22 = tpu.sem_alloc : memref<!tpu.dma_semaphore, #tpu.memory_space<semaphore_mem>>
        %dma_start3A = arith.constant 80 : i32
        %dma_start3A_23 = arith.constant 0 : i32
        %dma_start3A_24 = tpu.memref_slice %arg6[%dma_start3A, %dma_start3A_23] : memref<160x8xf32, #tpu.memory_space<vmem>> -> memref<80x8xf32, #tpu.memory_space<vmem>>
        %dma_start3A_25 = arith.constant 0 : i32
        %dma_start3A_26 = tpu.memref_slice %arg5[%scan3A_19, %dma_start3A_25] : memref<125x80xi32, #tpu.memory_space<vmem>> -> memref<1x80xi32, #tpu.memory_space<vmem>>
        %dma_start3A_27 = tpu.memref_squeeze %dma_start3A_26 : memref<1x80xi32, #tpu.memory_space<vmem>> -> memref<80xi32, #tpu.memory_space<vmem>>
        %dma_start3A_28 = arith.constant 0 : i32
        %dma_start3A_29 = arith.constant 0 : i32
        %dma_start3A_30 = tpu.memref_slice %arg7[%dma_start3A_28, %dma_start3A_29] : memref<10240x8xf32, #tpu.memory_space<vmem_shared>> -> memref<10240x8xf32, #tpu.memory_space<vmem_shared>>
        tpu.enqueue_indirect_dma source(%dma_start3A_24 : memref<80x8xf32, #tpu.memory_space<vmem>>) target(%dma_start3A_30 : memref<10240x8xf32, #tpu.memory_space<vmem_shared>>) offsets(%dma_start3A_27 : memref<80xi32, #tpu.memory_space<vmem>>) semaphore(%run_scoped3A_22 : memref<!tpu.dma_semaphore, #tpu.memory_space<semaphore_mem>>) {add = true}
        %dma_wait3A = arith.constant 80 : i32
        %dma_wait3A_31 = arith.constant 0 : i32
        %dma_wait3A_32 = tpu.memref_slice %arg6[%dma_wait3A, %dma_wait3A_31] : memref<160x8xf32, #tpu.memory_space<vmem>> -> memref<80x8xf32, #tpu.memory_space<vmem>>
        %dma_wait3A_33 = arith.constant 0 : i32
        %dma_wait3A_34 = tpu.memref_slice %arg5[%scan3A_19, %dma_wait3A_33] : memref<125x80xi32, #tpu.memory_space<vmem>> -> memref<1x80xi32, #tpu.memory_space<vmem>>
        %dma_wait3A_35 = tpu.memref_squeeze %dma_wait3A_34 : memref<1x80xi32, #tpu.memory_space<vmem>> -> memref<80xi32, #tpu.memory_space<vmem>>
        %dma_wait3A_36 = arith.constant 0 : i32
        %dma_wait3A_37 = arith.constant 0 : i32
        %dma_wait3A_38 = tpu.memref_slice %arg7[%dma_wait3A_36, %dma_wait3A_37] : memref<10240x8xf32, #tpu.memory_space<vmem_shared>> -> memref<10240x8xf32, #tpu.memory_space<vmem_shared>>
        tpu.wait_indirect_dma semaphore(%run_scoped3A_22 : memref<!tpu.dma_semaphore, #tpu.memory_space<semaphore_mem>>) src(%dma_wait3A_32 : memref<80x8xf32, #tpu.memory_space<vmem>>) dst(%dma_wait3A_38 : memref<10240x8xf32, #tpu.memory_space<vmem_shared>>)
        tpu.yield
      }) : () -> ()
      %scan3A_21 = arith.constant 0 : i32
      scf.yield %scan3A_21 : i32
    }
    %scan3A_13 = arith.constant 125 : i32
    %barrier3A_14 = arith.constant 0 : index
    tpu.barrier barrier_id(%barrier3A_14)
    %mul3A_15 = arith.constant 640 : i32
    %mul3A_16 = arith.muli %arg1, %mul3A_15 : i32
    %mul3A_17 = arith.constant 640 : i32
    %mul3A_18 = arith.muli %arg1, %mul3A_17 : i32
    "tpu.region"() ({
      %run_scoped3A_19 = tpu.sem_alloc : memref<!tpu.dma_semaphore, #tpu.memory_space<semaphore_mem>>
      %dma_start3A = arith.constant 0 : i32
      %dma_start3A_20 = tpu.memref_slice %arg4[%arg0, %mul3A_18, %dma_start3A] : memref<2x10240x8xf32, #tpu.memory_space<hbm>> -> memref<1x640x8xf32, #tpu.memory_space<hbm>>
      %dma_start3A_21 = tpu.memref_squeeze %dma_start3A_20 : memref<1x640x8xf32, #tpu.memory_space<hbm>> -> memref<640x8xf32, #tpu.memory_space<hbm>>
      %dma_start3A_22 = arith.constant 0 : i32
      %dma_start3A_23 = tpu.memref_slice %arg7[%mul3A_16, %dma_start3A_22] : memref<10240x8xf32, #tpu.memory_space<vmem_shared>> -> memref<640x8xf32, #tpu.memory_space<vmem_shared>>
      tpu.enqueue_dma source(%dma_start3A_23 : memref<640x8xf32, #tpu.memory_space<vmem_shared>>) target(%dma_start3A_21 : memref<640x8xf32, #tpu.memory_space<hbm>>) target_semaphore(%run_scoped3A_19 : memref<!tpu.dma_semaphore, #tpu.memory_space<semaphore_mem>>)
      %dma_wait3A = arith.constant 0 : i32
      %dma_wait3A_24 = tpu.memref_slice %arg4[%arg0, %mul3A_18, %dma_wait3A] : memref<2x10240x8xf32, #tpu.memory_space<hbm>> -> memref<1x640x8xf32, #tpu.memory_space<hbm>>
      %dma_wait3A_25 = tpu.memref_squeeze %dma_wait3A_24 : memref<1x640x8xf32, #tpu.memory_space<hbm>> -> memref<640x8xf32, #tpu.memory_space<hbm>>
      %dma_wait3A_26 = arith.constant 0 : i32
      %dma_wait3A_27 = tpu.memref_slice %arg7[%mul3A_16, %dma_wait3A_26] : memref<10240x8xf32, #tpu.memory_space<vmem_shared>> -> memref<640x8xf32, #tpu.memory_space<vmem_shared>>
      tpu.wait_dma2 semaphore(%run_scoped3A_19 : memref<!tpu.dma_semaphore, #tpu.memory_space<semaphore_mem>>) src(%dma_wait3A_27 : memref<640x8xf32, #tpu.memory_space<vmem_shared>>) dst(%dma_wait3A_25 : memref<640x8xf32, #tpu.memory_space<hbm>>)
      tpu.yield
    }) : () -> ()
    return
  }
}

#map = affine_map<(d0, d1) -> (0, 0)>
#map1 = affine_map<(d0, d1) -> (0, 0, 0, 0)>
#map2 = affine_map<(d0, d1) -> (0, 0, 0)>
module attributes {stable_mosaic.version = 14 : i64} {
  func.func @segsum_kernel(%arg0: i32, %arg1: i32, %arg2: memref<10000x128xf32, #tpu.memory_space<hbm>>, %arg3: memref<2x32x125x80xi32, #tpu.memory_space<hbm>>, %arg4: memref<2x10240x128xf32, #tpu.memory_space<hbm>>, %arg5: memref<125x80xi32, #tpu.memory_space<vmem>>, %arg6: memref<125x80xi32, #tpu.memory_space<vmem>>, %arg7: memref<2x80x128xf32, #tpu.memory_space<vmem>>, %arg8: memref<10240x128xf32, #tpu.memory_space<vmem_shared>>, %arg9: memref<2x!tpu.dma_semaphore, #tpu.memory_space<semaphore_mem>>, %arg10: memref<2x!tpu.dma_semaphore, #tpu.memory_space<semaphore_mem>>) attributes {dimension_semantics = [#tpu.dimension_semantics<core_parallel>, #tpu.dimension_semantics<subcore_parallel>], iteration_bounds = array<i64: 2, 16>, scalar_prefetch = 0 : i64, scratch_operands = 6 : i64, tpu.core_type = #tpu.core_type<sc_vector_subcore>, window_params = [{transform_indices = #map}, {transform_indices = #map1}, {transform_indices = #map2}]} {
    %mul3A = arith.constant 2 : i32
    %mul3A_0 = arith.muli %arg1, %mul3A : i32
    %add3A = arith.addi %mul3A_0, %arg0 : i32
    %run_scoped3A = arith.constant 0 : i32
    "tpu.region"() ({
      %run_scoped3A_205 = tpu.sem_alloc : memref<!tpu.dma_semaphore, #tpu.memory_space<semaphore_mem>>
      %dma_start3A_206 = arith.constant 0 : i32
      %dma_start3A_207 = arith.constant 0 : i32
      %dma_start3A_208 = tpu.memref_slice %arg3[%run_scoped3A, %add3A, %dma_start3A_206, %dma_start3A_207] : memref<2x32x125x80xi32, #tpu.memory_space<hbm>> -> memref<1x1x125x80xi32, #tpu.memory_space<hbm>>
      %dma_start3A_209 = tpu.memref_squeeze %dma_start3A_208 : memref<1x1x125x80xi32, #tpu.memory_space<hbm>> -> memref<125x80xi32, #tpu.memory_space<hbm>>
      %dma_start3A_210 = arith.constant 0 : i32
      %dma_start3A_211 = arith.constant 0 : i32
      %dma_start3A_212 = tpu.memref_slice %arg3[%run_scoped3A, %add3A, %dma_start3A_210, %dma_start3A_211] : memref<2x32x125x80xi32, #tpu.memory_space<hbm>> -> memref<1x1x125x80xi32, #tpu.memory_space<hbm>>
      %dma_start3A_213 = tpu.memref_squeeze %dma_start3A_212 : memref<1x1x125x80xi32, #tpu.memory_space<hbm>> -> memref<125x80xi32, #tpu.memory_space<hbm>>
      tpu.enqueue_dma source(%dma_start3A_213 : memref<125x80xi32, #tpu.memory_space<hbm>>) target(%arg5 : memref<125x80xi32, #tpu.memory_space<vmem>>) target_semaphore(%run_scoped3A_205 : memref<!tpu.dma_semaphore, #tpu.memory_space<semaphore_mem>>)
      %dma_wait3A_214 = arith.constant 0 : i32
      %dma_wait3A_215 = arith.constant 0 : i32
      %dma_wait3A_216 = tpu.memref_slice %arg3[%run_scoped3A, %add3A, %dma_wait3A_214, %dma_wait3A_215] : memref<2x32x125x80xi32, #tpu.memory_space<hbm>> -> memref<1x1x125x80xi32, #tpu.memory_space<hbm>>
      %dma_wait3A_217 = tpu.memref_squeeze %dma_wait3A_216 : memref<1x1x125x80xi32, #tpu.memory_space<hbm>> -> memref<125x80xi32, #tpu.memory_space<hbm>>
      %dma_wait3A_218 = arith.constant 0 : i32
      %dma_wait3A_219 = arith.constant 0 : i32
      %dma_wait3A_220 = tpu.memref_slice %arg3[%run_scoped3A, %add3A, %dma_wait3A_218, %dma_wait3A_219] : memref<2x32x125x80xi32, #tpu.memory_space<hbm>> -> memref<1x1x125x80xi32, #tpu.memory_space<hbm>>
      %dma_wait3A_221 = tpu.memref_squeeze %dma_wait3A_220 : memref<1x1x125x80xi32, #tpu.memory_space<hbm>> -> memref<125x80xi32, #tpu.memory_space<hbm>>
      tpu.wait_dma2 semaphore(%run_scoped3A_205 : memref<!tpu.dma_semaphore, #tpu.memory_space<semaphore_mem>>) src(%dma_wait3A_221 : memref<125x80xi32, #tpu.memory_space<hbm>>) dst(%arg5 : memref<125x80xi32, #tpu.memory_space<vmem>>)
      tpu.yield
    }) : () -> ()
    %run_scoped3A_1 = arith.constant 1 : i32
    "tpu.region"() ({
      %run_scoped3A_205 = tpu.sem_alloc : memref<!tpu.dma_semaphore, #tpu.memory_space<semaphore_mem>>
      %dma_start3A_206 = arith.constant 0 : i32
      %dma_start3A_207 = arith.constant 0 : i32
      %dma_start3A_208 = tpu.memref_slice %arg3[%run_scoped3A_1, %add3A, %dma_start3A_206, %dma_start3A_207] : memref<2x32x125x80xi32, #tpu.memory_space<hbm>> -> memref<1x1x125x80xi32, #tpu.memory_space<hbm>>
      %dma_start3A_209 = tpu.memref_squeeze %dma_start3A_208 : memref<1x1x125x80xi32, #tpu.memory_space<hbm>> -> memref<125x80xi32, #tpu.memory_space<hbm>>
      %dma_start3A_210 = arith.constant 0 : i32
      %dma_start3A_211 = arith.constant 0 : i32
      %dma_start3A_212 = tpu.memref_slice %arg3[%run_scoped3A_1, %add3A, %dma_start3A_210, %dma_start3A_211] : memref<2x32x125x80xi32, #tpu.memory_space<hbm>> -> memref<1x1x125x80xi32, #tpu.memory_space<hbm>>
      %dma_start3A_213 = tpu.memref_squeeze %dma_start3A_212 : memref<1x1x125x80xi32, #tpu.memory_space<hbm>> -> memref<125x80xi32, #tpu.memory_space<hbm>>
      tpu.enqueue_dma source(%dma_start3A_213 : memref<125x80xi32, #tpu.memory_space<hbm>>) target(%arg6 : memref<125x80xi32, #tpu.memory_space<vmem>>) target_semaphore(%run_scoped3A_205 : memref<!tpu.dma_semaphore, #tpu.memory_space<semaphore_mem>>)
      %dma_wait3A_214 = arith.constant 0 : i32
      %dma_wait3A_215 = arith.constant 0 : i32
      %dma_wait3A_216 = tpu.memref_slice %arg3[%run_scoped3A_1, %add3A, %dma_wait3A_214, %dma_wait3A_215] : memref<2x32x125x80xi32, #tpu.memory_space<hbm>> -> memref<1x1x125x80xi32, #tpu.memory_space<hbm>>
      %dma_wait3A_217 = tpu.memref_squeeze %dma_wait3A_216 : memref<1x1x125x80xi32, #tpu.memory_space<hbm>> -> memref<125x80xi32, #tpu.memory_space<hbm>>
      %dma_wait3A_218 = arith.constant 0 : i32
      %dma_wait3A_219 = arith.constant 0 : i32
      %dma_wait3A_220 = tpu.memref_slice %arg3[%run_scoped3A_1, %add3A, %dma_wait3A_218, %dma_wait3A_219] : memref<2x32x125x80xi32, #tpu.memory_space<hbm>> -> memref<1x1x125x80xi32, #tpu.memory_space<hbm>>
      %dma_wait3A_221 = tpu.memref_squeeze %dma_wait3A_220 : memref<1x1x125x80xi32, #tpu.memory_space<hbm>> -> memref<125x80xi32, #tpu.memory_space<hbm>>
      tpu.wait_dma2 semaphore(%run_scoped3A_205 : memref<!tpu.dma_semaphore, #tpu.memory_space<semaphore_mem>>) src(%dma_wait3A_221 : memref<125x80xi32, #tpu.memory_space<hbm>>) dst(%arg6 : memref<125x80xi32, #tpu.memory_space<vmem>>)
      tpu.yield
    }) : () -> ()
    %scan3A = arith.constant 0 : i32
    %scan3A_2 = arith.constant 0 : i32
    %scan3A_3 = arith.constant 80 : i32
    %scan3A_4 = arith.addi %scan3A_2, %scan3A_3 : i32
    %scan3A_5 = arith.constant 1 : i32
    %scan3A_6 = scf.for %scan3A_205 = %scan3A_2 to %scan3A_4 step %scan3A_5 iter_args(%scan3A_206 = %scan3A) -> (i32)  : i32 {
      %broadcast_in_dim3A = arith.constant 0.000000e+00 : f32
      %broadcast_in_dim3A_207 = vector.broadcast %broadcast_in_dim3A : f32 to vector<16xf32>
      %swap3A = arith.constant 0 : i32
      %swap3A_208 = arith.index_cast %swap3A : i32 to index
      %swap3A_209 = arith.index_cast %scan3A_205 : i32 to index
      %swap3A_210 = arith.constant 0 : index
      %swap3A_211 = tpu.vector_load %arg7[%swap3A_208, %swap3A_209, %swap3A_210] {strides = array<i32>} : memref<2x80x128xf32, #tpu.memory_space<vmem>>, vector<1x1x16xf32>,
      %swap3A_212 = vector.shape_cast %swap3A_211 : vector<1x1x16xf32> to vector<16xf32>
      %swap3A_213 = vector.shape_cast %broadcast_in_dim3A_207 : vector<16xf32> to vector<1x1x16xf32>
      tpu.vector_store %arg7[%swap3A_208, %swap3A_209, %swap3A_210], %swap3A_213 {strides = array<i32>} : memref<2x80x128xf32, #tpu.memory_space<vmem>>, vector<1x1x16xf32>,
      %broadcast_in_dim3A_214 = arith.constant 0.000000e+00 : f32
      %broadcast_in_dim3A_215 = vector.broadcast %broadcast_in_dim3A_214 : f32 to vector<16xf32>
      %swap3A_216 = arith.constant 0 : i32
      %swap3A_217 = arith.index_cast %swap3A_216 : i32 to index
      %swap3A_218 = arith.index_cast %scan3A_205 : i32 to index
      %swap3A_219 = arith.constant 16 : index
      %swap3A_220 = tpu.vector_load %arg7[%swap3A_217, %swap3A_218, %swap3A_219] {strides = array<i32>} : memref<2x80x128xf32, #tpu.memory_space<vmem>>, vector<1x1x16xf32>,
      %swap3A_221 = vector.shape_cast %swap3A_220 : vector<1x1x16xf32> to vector<16xf32>
      %swap3A_222 = vector.shape_cast %broadcast_in_dim3A_215 : vector<16xf32> to vector<1x1x16xf32>
      tpu.vector_store %arg7[%swap3A_217, %swap3A_218, %swap3A_219], %swap3A_222 {strides = array<i32>} : memref<2x80x128xf32, #tpu.memory_space<vmem>>, vector<1x1x16xf32>,
      %broadcast_in_dim3A_223 = arith.constant 0.000000e+00 : f32
      %broadcast_in_dim3A_224 = vector.broadcast %broadcast_in_dim3A_223 : f32 to vector<16xf32>
      %swap3A_225 = arith.constant 0 : i32
      %swap3A_226 = arith.index_cast %swap3A_225 : i32 to index
      %swap3A_227 = arith.index_cast %scan3A_205 : i32 to index
      %swap3A_228 = arith.constant 32 : index
      %swap3A_229 = tpu.vector_load %arg7[%swap3A_226, %swap3A_227, %swap3A_228] {strides = array<i32>} : memref<2x80x128xf32, #tpu.memory_space<vmem>>, vector<1x1x16xf32>,
      %swap3A_230 = vector.shape_cast %swap3A_229 : vector<1x1x16xf32> to vector<16xf32>
      %swap3A_231 = vector.shape_cast %broadcast_in_dim3A_224 : vector<16xf32> to vector<1x1x16xf32>
      tpu.vector_store %arg7[%swap3A_226, %swap3A_227, %swap3A_228], %swap3A_231 {strides = array<i32>} : memref<2x80x128xf32, #tpu.memory_space<vmem>>, vector<1x1x16xf32>,
      %broadcast_in_dim3A_232 = arith.constant 0.000000e+00 : f32
      %broadcast_in_dim3A_233 = vector.broadcast %broadcast_in_dim3A_232 : f32 to vector<16xf32>
      %swap3A_234 = arith.constant 0 : i32
      %swap3A_235 = arith.index_cast %swap3A_234 : i32 to index
      %swap3A_236 = arith.index_cast %scan3A_205 : i32 to index
      %swap3A_237 = arith.constant 48 : index
      %swap3A_238 = tpu.vector_load %arg7[%swap3A_235, %swap3A_236, %swap3A_237] {strides = array<i32>} : memref<2x80x128xf32, #tpu.memory_space<vmem>>, vector<1x1x16xf32>,
      %swap3A_239 = vector.shape_cast %swap3A_238 : vector<1x1x16xf32> to vector<16xf32>
      %swap3A_240 = vector.shape_cast %broadcast_in_dim3A_233 : vector<16xf32> to vector<1x1x16xf32>
      tpu.vector_store %arg7[%swap3A_235, %swap3A_236, %swap3A_237], %swap3A_240 {strides = array<i32>} : memref<2x80x128xf32, #tpu.memory_space<vmem>>, vector<1x1x16xf32>,
      %broadcast_in_dim3A_241 = arith.constant 0.000000e+00 : f32
      %broadcast_in_dim3A_242 = vector.broadcast %broadcast_in_dim3A_241 : f32 to vector<16xf32>
      %swap3A_243 = arith.constant 0 : i32
      %swap3A_244 = arith.index_cast %swap3A_243 : i32 to index
      %swap3A_245 = arith.index_cast %scan3A_205 : i32 to index
      %swap3A_246 = arith.constant 64 : index
      %swap3A_247 = tpu.vector_load %arg7[%swap3A_244, %swap3A_245, %swap3A_246] {strides = array<i32>} : memref<2x80x128xf32, #tpu.memory_space<vmem>>, vector<1x1x16xf32>,
      %swap3A_248 = vector.shape_cast %swap3A_247 : vector<1x1x16xf32> to vector<16xf32>
      %swap3A_249 = vector.shape_cast %broadcast_in_dim3A_242 : vector<16xf32> to vector<1x1x16xf32>
      tpu.vector_store %arg7[%swap3A_244, %swap3A_245, %swap3A_246], %swap3A_249 {strides = array<i32>} : memref<2x80x128xf32, #tpu.memory_space<vmem>>, vector<1x1x16xf32>,
      %broadcast_in_dim3A_250 = arith.constant 0.000000e+00 : f32
      %broadcast_in_dim3A_251 = vector.broadcast %broadcast_in_dim3A_250 : f32 to vector<16xf32>
      %swap3A_252 = arith.constant 0 : i32
      %swap3A_253 = arith.index_cast %swap3A_252 : i32 to index
      %swap3A_254 = arith.index_cast %scan3A_205 : i32 to index
      %swap3A_255 = arith.constant 80 : index
      %swap3A_256 = tpu.vector_load %arg7[%swap3A_253, %swap3A_254, %swap3A_255] {strides = array<i32>} : memref<2x80x128xf32, #tpu.memory_space<vmem>>, vector<1x1x16xf32>,
      %swap3A_257 = vector.shape_cast %swap3A_256 : vector<1x1x16xf32> to vector<16xf32>
      %swap3A_258 = vector.shape_cast %broadcast_in_dim3A_251 : vector<16xf32> to vector<1x1x16xf32>
      tpu.vector_store %arg7[%swap3A_253, %swap3A_254, %swap3A_255], %swap3A_258 {strides = array<i32>} : memref<2x80x128xf32, #tpu.memory_space<vmem>>, vector<1x1x16xf32>,
      %broadcast_in_dim3A_259 = arith.constant 0.000000e+00 : f32
      %broadcast_in_dim3A_260 = vector.broadcast %broadcast_in_dim3A_259 : f32 to vector<16xf32>
      %swap3A_261 = arith.constant 0 : i32
      %swap3A_262 = arith.index_cast %swap3A_261 : i32 to index
      %swap3A_263 = arith.index_cast %scan3A_205 : i32 to index
      %swap3A_264 = arith.constant 96 : index
      %swap3A_265 = tpu.vector_load %arg7[%swap3A_262, %swap3A_263, %swap3A_264] {strides = array<i32>} : memref<2x80x128xf32, #tpu.memory_space<vmem>>, vector<1x1x16xf32>,
      %swap3A_266 = vector.shape_cast %swap3A_265 : vector<1x1x16xf32> to vector<16xf32>
      %swap3A_267 = vector.shape_cast %broadcast_in_dim3A_260 : vector<16xf32> to vector<1x1x16xf32>
      tpu.vector_store %arg7[%swap3A_262, %swap3A_263, %swap3A_264], %swap3A_267 {strides = array<i32>} : memref<2x80x128xf32, #tpu.memory_space<vmem>>, vector<1x1x16xf32>,
      %broadcast_in_dim3A_268 = arith.constant 0.000000e+00 : f32
      %broadcast_in_dim3A_269 = vector.broadcast %broadcast_in_dim3A_268 : f32 to vector<16xf32>
      %swap3A_270 = arith.constant 0 : i32
      %swap3A_271 = arith.index_cast %swap3A_270 : i32 to index
      %swap3A_272 = arith.index_cast %scan3A_205 : i32 to index
      %swap3A_273 = arith.constant 112 : index
      %swap3A_274 = tpu.vector_load %arg7[%swap3A_271, %swap3A_272, %swap3A_273] {strides = array<i32>} : memref<2x80x128xf32, #tpu.memory_space<vmem>>, vector<1x1x16xf32>,
      %swap3A_275 = vector.shape_cast %swap3A_274 : vector<1x1x16xf32> to vector<16xf32>
      %swap3A_276 = vector.shape_cast %broadcast_in_dim3A_269 : vector<16xf32> to vector<1x1x16xf32>
      tpu.vector_store %arg7[%swap3A_271, %swap3A_272, %swap3A_273], %swap3A_276 {strides = array<i32>} : memref<2x80x128xf32, #tpu.memory_space<vmem>>, vector<1x1x16xf32>,
      %scan3A_277 = arith.constant 0 : i32
      scf.yield %scan3A_277 : i32
    }
    %scan3A_7 = arith.constant 80 : i32
    %scan3A_8 = arith.constant 0 : i32
    %scan3A_9 = arith.constant 0 : i32
    %scan3A_10 = arith.constant 8 : i32
    %scan3A_11 = arith.addi %scan3A_9, %scan3A_10 : i32
    %scan3A_12 = arith.constant 1 : i32
    %scan3A_13 = scf.for %scan3A_205 = %scan3A_9 to %scan3A_11 step %scan3A_12 iter_args(%scan3A_206 = %scan3A_8) -> (i32)  : i32 {
      %mul3A_207 = arith.constant 640 : i32
      %mul3A_208 = arith.muli %arg1, %mul3A_207 : i32
      %mul3A_209 = arith.constant 80 : i32
      %mul3A_210 = arith.muli %scan3A_205, %mul3A_209 : i32
      %add3A_211 = arith.addi %mul3A_208, %mul3A_210 : i32
      %run_scoped3A_212 = arith.constant 0 : i32
      "tpu.region"() ({
        %run_scoped3A_214 = tpu.sem_alloc : memref<!tpu.dma_semaphore, #tpu.memory_space<semaphore_mem>>
        %dma_start3A_215 = arith.constant 0 : i32
        %dma_start3A_216 = arith.constant 0 : i32
        %dma_start3A_217 = tpu.memref_slice %arg7[%run_scoped3A_212, %dma_start3A_215, %dma_start3A_216] : memref<2x80x128xf32, #tpu.memory_space<vmem>> -> memref<1x80x128xf32, #tpu.memory_space<vmem>>
        %dma_start3A_218 = tpu.memref_squeeze %dma_start3A_217 : memref<1x80x128xf32, #tpu.memory_space<vmem>> -> memref<80x128xf32, #tpu.memory_space<vmem>>
        %dma_start3A_219 = arith.constant 0 : i32
        %dma_start3A_220 = tpu.memref_slice %arg8[%add3A_211, %dma_start3A_219] : memref<10240x128xf32, #tpu.memory_space<vmem_shared>> -> memref<80x128xf32, #tpu.memory_space<vmem_shared>>
        %dma_start3A_221 = arith.constant 0 : i32
        %dma_start3A_222 = tpu.memref_slice %arg8[%add3A_211, %dma_start3A_221] : memref<10240x128xf32, #tpu.memory_space<vmem_shared>> -> memref<80x128xf32, #tpu.memory_space<vmem_shared>>
        %dma_start3A_223 = arith.constant 0 : i32
        %dma_start3A_224 = arith.constant 0 : i32
        %dma_start3A_225 = tpu.memref_slice %arg7[%run_scoped3A_212, %dma_start3A_223, %dma_start3A_224] : memref<2x80x128xf32, #tpu.memory_space<vmem>> -> memref<1x80x128xf32, #tpu.memory_space<vmem>>
        %dma_start3A_226 = tpu.memref_squeeze %dma_start3A_225 : memref<1x80x128xf32, #tpu.memory_space<vmem>> -> memref<80x128xf32, #tpu.memory_space<vmem>>
        tpu.enqueue_dma source(%dma_start3A_226 : memref<80x128xf32, #tpu.memory_space<vmem>>) target(%dma_start3A_222 : memref<80x128xf32, #tpu.memory_space<vmem_shared>>) target_semaphore(%run_scoped3A_214 : memref<!tpu.dma_semaphore, #tpu.memory_space<semaphore_mem>>)
        %dma_wait3A_227 = arith.constant 0 : i32
        %dma_wait3A_228 = arith.constant 0 : i32
        %dma_wait3A_229 = tpu.memref_slice %arg7[%run_scoped3A_212, %dma_wait3A_227, %dma_wait3A_228] : memref<2x80x128xf32, #tpu.memory_space<vmem>> -> memref<1x80x128xf32, #tpu.memory_space<vmem>>
        %dma_wait3A_230 = tpu.memref_squeeze %dma_wait3A_229 : memref<1x80x128xf32, #tpu.memory_space<vmem>> -> memref<80x128xf32, #tpu.memory_space<vmem>>
        %dma_wait3A_231 = arith.constant 0 : i32
        %dma_wait3A_232 = tpu.memref_slice %arg8[%add3A_211, %dma_wait3A_231] : memref<10240x128xf32, #tpu.memory_space<vmem_shared>> -> memref<80x128xf32, #tpu.memory_space<vmem_shared>>
        %dma_wait3A_233 = arith.constant 0 : i32
        %dma_wait3A_234 = tpu.memref_slice %arg8[%add3A_211, %dma_wait3A_233] : memref<10240x128xf32, #tpu.memory_space<vmem_shared>> -> memref<80x128xf32, #tpu.memory_space<vmem_shared>>
        %dma_wait3A_235 = arith.constant 0 : i32
        %dma_wait3A_236 = arith.constant 0 : i32
        %dma_wait3A_237 = tpu.memref_slice %arg7[%run_scoped3A_212, %dma_wait3A_235, %dma_wait3A_236] : memref<2x80x128xf32, #tpu.memory_space<vmem>> -> memref<1x80x128xf32, #tpu.memory_space<vmem>>
        %dma_wait3A_238 = tpu.memref_squeeze %dma_wait3A_237 : memref<1x80x128xf32, #tpu.memory_space<vmem>> -> memref<80x128xf32, #tpu.memory_space<vmem>>
        tpu.wait_dma2 semaphore(%run_scoped3A_214 : memref<!tpu.dma_semaphore, #tpu.memory_space<semaphore_mem>>) src(%dma_wait3A_238 : memref<80x128xf32, #tpu.memory_space<vmem>>) dst(%dma_wait3A_234 : memref<80x128xf32, #tpu.memory_space<vmem_shared>>)
        tpu.yield
      }) : () -> ()
      %scan3A_213 = arith.constant 0 : i32
      scf.yield %scan3A_213 : i32
    }
    %scan3A_14 = arith.constant 8 : i32
    %barrier3A = arith.constant 0 : index
    tpu.barrier barrier_id(%barrier3A)
    %dma_start3A = arith.constant 0 : i32
    %dma_start3A_15 = arith.constant 0 : i32
    %dma_start3A_16 = arith.constant 0 : i32
    %dma_start3A_17 = arith.constant 0 : i32
    %dma_start3A_18 = arith.constant 0 : i32
    %dma_start3A_19 = tpu.memref_slice %arg7[%dma_start3A_15, %dma_start3A_17, %dma_start3A_18] : memref<2x80x128xf32, #tpu.memory_space<vmem>> -> memref<1x80x128xf32, #tpu.memory_space<vmem>>
    %dma_start3A_20 = tpu.memref_squeeze %dma_start3A_19 : memref<1x80x128xf32, #tpu.memory_space<vmem>> -> memref<80x128xf32, #tpu.memory_space<vmem>>
    %dma_start3A_21 = arith.constant 0 : i32
    %dma_start3A_22 = tpu.memref_slice %arg5[%dma_start3A, %dma_start3A_21] : memref<125x80xi32, #tpu.memory_space<vmem>> -> memref<1x80xi32, #tpu.memory_space<vmem>>
    %dma_start3A_23 = tpu.memref_squeeze %dma_start3A_22 : memref<1x80xi32, #tpu.memory_space<vmem>> -> memref<80xi32, #tpu.memory_space<vmem>>
    %dma_start3A_24 = arith.constant 0 : i32
    %dma_start3A_25 = arith.constant 0 : i32
    %dma_start3A_26 = tpu.memref_slice %arg2[%dma_start3A_24, %dma_start3A_25] : memref<10000x128xf32, #tpu.memory_space<hbm>> -> memref<10000x128xf32, #tpu.memory_space<hbm>>
    %dma_start3A_27 = tpu.memref_slice %arg9[%dma_start3A_16] : memref<2x!tpu.dma_semaphore, #tpu.memory_space<semaphore_mem>> -> memref<1x!tpu.dma_semaphore, #tpu.memory_space<semaphore_mem>>
    %dma_start3A_28 = tpu.memref_squeeze %dma_start3A_27 : memref<1x!tpu.dma_semaphore, #tpu.memory_space<semaphore_mem>> -> memref<!tpu.dma_semaphore, #tpu.memory_space<semaphore_mem>>
    tpu.enqueue_indirect_dma source(%dma_start3A_26 : memref<10000x128xf32, #tpu.memory_space<hbm>>) target(%dma_start3A_20 : memref<80x128xf32, #tpu.memory_space<vmem>>) offsets(%dma_start3A_23 : memref<80xi32, #tpu.memory_space<vmem>>) semaphore(%dma_start3A_28 : memref<!tpu.dma_semaphore, #tpu.memory_space<semaphore_mem>>)
    %dma_start3A_29 = arith.constant 1 : i32
    %dma_start3A_30 = arith.constant 1 : i32
    %dma_start3A_31 = arith.constant 1 : i32
    %dma_start3A_32 = arith.constant 0 : i32
    %dma_start3A_33 = arith.constant 0 : i32
    %dma_start3A_34 = tpu.memref_slice %arg7[%dma_start3A_30, %dma_start3A_32, %dma_start3A_33] : memref<2x80x128xf32, #tpu.memory_space<vmem>> -> memref<1x80x128xf32, #tpu.memory_space<vmem>>
    %dma_start3A_35 = tpu.memref_squeeze %dma_start3A_34 : memref<1x80x128xf32, #tpu.memory_space<vmem>> -> memref<80x128xf32, #tpu.memory_space<vmem>>
    %dma_start3A_36 = arith.constant 0 : i32
    %dma_start3A_37 = tpu.memref_slice %arg5[%dma_start3A_29, %dma_start3A_36] : memref<125x80xi32, #tpu.memory_space<vmem>> -> memref<1x80xi32, #tpu.memory_space<vmem>>
    %dma_start3A_38 = tpu.memref_squeeze %dma_start3A_37 : memref<1x80xi32, #tpu.memory_space<vmem>> -> memref<80xi32, #tpu.memory_space<vmem>>
    %dma_start3A_39 = arith.constant 0 : i32
    %dma_start3A_40 = arith.constant 0 : i32
    %dma_start3A_41 = tpu.memref_slice %arg2[%dma_start3A_39, %dma_start3A_40] : memref<10000x128xf32, #tpu.memory_space<hbm>> -> memref<10000x128xf32, #tpu.memory_space<hbm>>
    %dma_start3A_42 = tpu.memref_slice %arg9[%dma_start3A_31] : memref<2x!tpu.dma_semaphore, #tpu.memory_space<semaphore_mem>> -> memref<1x!tpu.dma_semaphore, #tpu.memory_space<semaphore_mem>>
    %dma_start3A_43 = tpu.memref_squeeze %dma_start3A_42 : memref<1x!tpu.dma_semaphore, #tpu.memory_space<semaphore_mem>> -> memref<!tpu.dma_semaphore, #tpu.memory_space<semaphore_mem>>
    tpu.enqueue_indirect_dma source(%dma_start3A_41 : memref<10000x128xf32, #tpu.memory_space<hbm>>) target(%dma_start3A_35 : memref<80x128xf32, #tpu.memory_space<vmem>>) offsets(%dma_start3A_38 : memref<80xi32, #tpu.memory_space<vmem>>) semaphore(%dma_start3A_43 : memref<!tpu.dma_semaphore, #tpu.memory_space<semaphore_mem>>)
    %scan3A_44 = arith.constant 0 : i32
    %scan3A_45 = arith.constant 0 : i32
    %scan3A_46 = arith.constant 61 : i32
    %scan3A_47 = arith.addi %scan3A_45, %scan3A_46 : i32
    %scan3A_48 = arith.constant 1 : i32
    %scan3A_49 = scf.for %scan3A_205 = %scan3A_45 to %scan3A_47 step %scan3A_48 iter_args(%scan3A_206 = %scan3A_44) -> (i32)  : i32 {
      %mul3A_207 = arith.constant 2 : i32
      %mul3A_208 = arith.muli %scan3A_205, %mul3A_207 : i32
      %add3A_209 = arith.constant 0 : i32
      %add3A_210 = arith.addi %mul3A_208, %add3A_209 : i32
      %dma_wait3A_211 = arith.constant 0 : i32
      %dma_wait3A_212 = arith.constant 0 : i32
      %dma_wait3A_213 = arith.constant 0 : i32
      %dma_wait3A_214 = arith.constant 0 : i32
      %dma_wait3A_215 = tpu.memref_slice %arg7[%dma_wait3A_211, %dma_wait3A_213, %dma_wait3A_214] : memref<2x80x128xf32, #tpu.memory_space<vmem>> -> memref<1x80x128xf32, #tpu.memory_space<vmem>>
      %dma_wait3A_216 = tpu.memref_squeeze %dma_wait3A_215 : memref<1x80x128xf32, #tpu.memory_space<vmem>> -> memref<80x128xf32, #tpu.memory_space<vmem>>
      %dma_wait3A_217 = arith.constant 0 : i32
      %dma_wait3A_218 = tpu.memref_slice %arg5[%add3A_210, %dma_wait3A_217] : memref<125x80xi32, #tpu.memory_space<vmem>> -> memref<1x80xi32, #tpu.memory_space<vmem>>
      %dma_wait3A_219 = tpu.memref_squeeze %dma_wait3A_218 : memref<1x80xi32, #tpu.memory_space<vmem>> -> memref<80xi32, #tpu.memory_space<vmem>>
      %dma_wait3A_220 = arith.constant 0 : i32
      %dma_wait3A_221 = arith.constant 0 : i32
      %dma_wait3A_222 = tpu.memref_slice %arg2[%dma_wait3A_220, %dma_wait3A_221] : memref<10000x128xf32, #tpu.memory_space<hbm>> -> memref<10000x128xf32, #tpu.memory_space<hbm>>
      %dma_wait3A_223 = tpu.memref_slice %arg9[%dma_wait3A_212] : memref<2x!tpu.dma_semaphore, #tpu.memory_space<semaphore_mem>> -> memref<1x!tpu.dma_semaphore, #tpu.memory_space<semaphore_mem>>
      %dma_wait3A_224 = tpu.memref_squeeze %dma_wait3A_223 : memref<1x!tpu.dma_semaphore, #tpu.memory_space<semaphore_mem>> -> memref<!tpu.dma_semaphore, #tpu.memory_space<semaphore_mem>>
      tpu.wait_indirect_dma semaphore(%dma_wait3A_224 : memref<!tpu.dma_semaphore, #tpu.memory_space<semaphore_mem>>) src(%dma_wait3A_222 : memref<10000x128xf32, #tpu.memory_space<hbm>>) dst(%dma_wait3A_216 : memref<80x128xf32, #tpu.memory_space<vmem>>)
      %dma_start3A_225 = arith.constant 0 : i32
      %dma_start3A_226 = arith.constant 0 : i32
      %dma_start3A_227 = arith.constant 0 : i32
      %dma_start3A_228 = arith.constant 0 : i32
      %dma_start3A_229 = tpu.memref_slice %arg7[%dma_start3A_225, %dma_start3A_227, %dma_start3A_228] : memref<2x80x128xf32, #tpu.memory_space<vmem>> -> memref<1x80x128xf32, #tpu.memory_space<vmem>>
      %dma_start3A_230 = tpu.memref_squeeze %dma_start3A_229 : memref<1x80x128xf32, #tpu.memory_space<vmem>> -> memref<80x128xf32, #tpu.memory_space<vmem>>
      %dma_start3A_231 = arith.constant 0 : i32
      %dma_start3A_232 = tpu.memref_slice %arg6[%add3A_210, %dma_start3A_231] : memref<125x80xi32, #tpu.memory_space<vmem>> -> memref<1x80xi32, #tpu.memory_space<vmem>>
      %dma_start3A_233 = tpu.memref_squeeze %dma_start3A_232 : memref<1x80xi32, #tpu.memory_space<vmem>> -> memref<80xi32, #tpu.memory_space<vmem>>
      %dma_start3A_234 = arith.constant 0 : i32
      %dma_start3A_235 = arith.constant 0 : i32
      %dma_start3A_236 = tpu.memref_slice %arg8[%dma_start3A_234, %dma_start3A_235] : memref<10240x128xf32, #tpu.memory_space<vmem_shared>> -> memref<10240x128xf32, #tpu.memory_space<vmem_shared>>
      %dma_start3A_237 = tpu.memref_slice %arg10[%dma_start3A_226] : memref<2x!tpu.dma_semaphore, #tpu.memory_space<semaphore_mem>> -> memref<1x!tpu.dma_semaphore, #tpu.memory_space<semaphore_mem>>
      %dma_start3A_238 = tpu.memref_squeeze %dma_start3A_237 : memref<1x!tpu.dma_semaphore, #tpu.memory_space<semaphore_mem>> -> memref<!tpu.dma_semaphore, #tpu.memory_space<semaphore_mem>>
      tpu.enqueue_indirect_dma source(%dma_start3A_230 : memref<80x128xf32, #tpu.memory_space<vmem>>) target(%dma_start3A_236 : memref<10240x128xf32, #tpu.memory_space<vmem_shared>>) offsets(%dma_start3A_233 : memref<80xi32, #tpu.memory_space<vmem>>) semaphore(%dma_start3A_238 : memref<!tpu.dma_semaphore, #tpu.memory_space<semaphore_mem>>) {add = true}
      %mul3A_239 = arith.constant 2 : i32
      %mul3A_240 = arith.muli %scan3A_205, %mul3A_239 : i32
      %add3A_241 = arith.constant 1 : i32
      %add3A_242 = arith.addi %mul3A_240, %add3A_241 : i32
      %dma_wait3A_243 = arith.constant 1 : i32
      %dma_wait3A_244 = arith.constant 1 : i32
      %dma_wait3A_245 = arith.constant 0 : i32
      %dma_wait3A_246 = arith.constant 0 : i32
      %dma_wait3A_247 = tpu.memref_slice %arg7[%dma_wait3A_243, %dma_wait3A_245, %dma_wait3A_246] : memref<2x80x128xf32, #tpu.memory_space<vmem>> -> memref<1x80x128xf32, #tpu.memory_space<vmem>>
      %dma_wait3A_248 = tpu.memref_squeeze %dma_wait3A_247 : memref<1x80x128xf32, #tpu.memory_space<vmem>> -> memref<80x128xf32, #tpu.memory_space<vmem>>
      %dma_wait3A_249 = arith.constant 0 : i32
      %dma_wait3A_250 = tpu.memref_slice %arg5[%add3A_242, %dma_wait3A_249] : memref<125x80xi32, #tpu.memory_space<vmem>> -> memref<1x80xi32, #tpu.memory_space<vmem>>
      %dma_wait3A_251 = tpu.memref_squeeze %dma_wait3A_250 : memref<1x80xi32, #tpu.memory_space<vmem>> -> memref<80xi32, #tpu.memory_space<vmem>>
      %dma_wait3A_252 = arith.constant 0 : i32
      %dma_wait3A_253 = arith.constant 0 : i32
      %dma_wait3A_254 = tpu.memref_slice %arg2[%dma_wait3A_252, %dma_wait3A_253] : memref<10000x128xf32, #tpu.memory_space<hbm>> -> memref<10000x128xf32, #tpu.memory_space<hbm>>
      %dma_wait3A_255 = tpu.memref_slice %arg9[%dma_wait3A_244] : memref<2x!tpu.dma_semaphore, #tpu.memory_space<semaphore_mem>> -> memref<1x!tpu.dma_semaphore, #tpu.memory_space<semaphore_mem>>
      %dma_wait3A_256 = tpu.memref_squeeze %dma_wait3A_255 : memref<1x!tpu.dma_semaphore, #tpu.memory_space<semaphore_mem>> -> memref<!tpu.dma_semaphore, #tpu.memory_space<semaphore_mem>>
      tpu.wait_indirect_dma semaphore(%dma_wait3A_256 : memref<!tpu.dma_semaphore, #tpu.memory_space<semaphore_mem>>) src(%dma_wait3A_254 : memref<10000x128xf32, #tpu.memory_space<hbm>>) dst(%dma_wait3A_248 : memref<80x128xf32, #tpu.memory_space<vmem>>)
      %dma_start3A_257 = arith.constant 1 : i32
      %dma_start3A_258 = arith.constant 1 : i32
      %dma_start3A_259 = arith.constant 0 : i32
      %dma_start3A_260 = arith.constant 0 : i32
      %dma_start3A_261 = tpu.memref_slice %arg7[%dma_start3A_257, %dma_start3A_259, %dma_start3A_260] : memref<2x80x128xf32, #tpu.memory_space<vmem>> -> memref<1x80x128xf32, #tpu.memory_space<vmem>>
      %dma_start3A_262 = tpu.memref_squeeze %dma_start3A_261 : memref<1x80x128xf32, #tpu.memory_space<vmem>> -> memref<80x128xf32, #tpu.memory_space<vmem>>
      %dma_start3A_263 = arith.constant 0 : i32
      %dma_start3A_264 = tpu.memref_slice %arg6[%add3A_242, %dma_start3A_263] : memref<125x80xi32, #tpu.memory_space<vmem>> -> memref<1x80xi32, #tpu.memory_space<vmem>>
      %dma_start3A_265 = tpu.memref_squeeze %dma_start3A_264 : memref<1x80xi32, #tpu.memory_space<vmem>> -> memref<80xi32, #tpu.memory_space<vmem>>
      %dma_start3A_266 = arith.constant 0 : i32
      %dma_start3A_267 = arith.constant 0 : i32
      %dma_start3A_268 = tpu.memref_slice %arg8[%dma_start3A_266, %dma_start3A_267] : memref<10240x128xf32, #tpu.memory_space<vmem_shared>> -> memref<10240x128xf32, #tpu.memory_space<vmem_shared>>
      %dma_start3A_269 = tpu.memref_slice %arg10[%dma_start3A_258] : memref<2x!tpu.dma_semaphore, #tpu.memory_space<semaphore_mem>> -> memref<1x!tpu.dma_semaphore, #tpu.memory_space<semaphore_mem>>
      %dma_start3A_270 = tpu.memref_squeeze %dma_start3A_269 : memref<1x!tpu.dma_semaphore, #tpu.memory_space<semaphore_mem>> -> memref<!tpu.dma_semaphore, #tpu.memory_space<semaphore_mem>>
      tpu.enqueue_indirect_dma source(%dma_start3A_262 : memref<80x128xf32, #tpu.memory_space<vmem>>) target(%dma_start3A_268 : memref<10240x128xf32, #tpu.memory_space<vmem_shared>>) offsets(%dma_start3A_265 : memref<80xi32, #tpu.memory_space<vmem>>) semaphore(%dma_start3A_270 : memref<!tpu.dma_semaphore, #tpu.memory_space<semaphore_mem>>) {add = true}
      %mul3A_271 = arith.constant 2 : i32
      %mul3A_272 = arith.muli %scan3A_205, %mul3A_271 : i32
      %add3A_273 = arith.constant 0 : i32
      %add3A_274 = arith.addi %mul3A_272, %add3A_273 : i32
      %dma_wait3A_275 = arith.constant 0 : i32
      %dma_wait3A_276 = arith.constant 0 : i32
      %dma_wait3A_277 = arith.constant 0 : i32
      %dma_wait3A_278 = arith.constant 0 : i32
      %dma_wait3A_279 = tpu.memref_slice %arg7[%dma_wait3A_275, %dma_wait3A_277, %dma_wait3A_278] : memref<2x80x128xf32, #tpu.memory_space<vmem>> -> memref<1x80x128xf32, #tpu.memory_space<vmem>>
      %dma_wait3A_280 = tpu.memref_squeeze %dma_wait3A_279 : memref<1x80x128xf32, #tpu.memory_space<vmem>> -> memref<80x128xf32, #tpu.memory_space<vmem>>
      %dma_wait3A_281 = arith.constant 0 : i32
      %dma_wait3A_282 = tpu.memref_slice %arg6[%add3A_274, %dma_wait3A_281] : memref<125x80xi32, #tpu.memory_space<vmem>> -> memref<1x80xi32, #tpu.memory_space<vmem>>
      %dma_wait3A_283 = tpu.memref_squeeze %dma_wait3A_282 : memref<1x80xi32, #tpu.memory_space<vmem>> -> memref<80xi32, #tpu.memory_space<vmem>>
      %dma_wait3A_284 = arith.constant 0 : i32
      %dma_wait3A_285 = arith.constant 0 : i32
      %dma_wait3A_286 = tpu.memref_slice %arg8[%dma_wait3A_284, %dma_wait3A_285] : memref<10240x128xf32, #tpu.memory_space<vmem_shared>> -> memref<10240x128xf32, #tpu.memory_space<vmem_shared>>
      %dma_wait3A_287 = tpu.memref_slice %arg10[%dma_wait3A_276] : memref<2x!tpu.dma_semaphore, #tpu.memory_space<semaphore_mem>> -> memref<1x!tpu.dma_semaphore, #tpu.memory_space<semaphore_mem>>
      %dma_wait3A_288 = tpu.memref_squeeze %dma_wait3A_287 : memref<1x!tpu.dma_semaphore, #tpu.memory_space<semaphore_mem>> -> memref<!tpu.dma_semaphore, #tpu.memory_space<semaphore_mem>>
      tpu.wait_indirect_dma semaphore(%dma_wait3A_288 : memref<!tpu.dma_semaphore, #tpu.memory_space<semaphore_mem>>) src(%dma_wait3A_280 : memref<80x128xf32, #tpu.memory_space<vmem>>) dst(%dma_wait3A_286 : memref<10240x128xf32, #tpu.memory_space<vmem_shared>>)
      %add3A_289 = arith.constant 2 : i32
      %add3A_290 = arith.addi %add3A_274, %add3A_289 : i32
      %dma_start3A_291 = arith.constant 0 : i32
      %dma_start3A_292 = arith.constant 0 : i32
      %dma_start3A_293 = arith.constant 0 : i32
      %dma_start3A_294 = arith.constant 0 : i32
      %dma_start3A_295 = tpu.memref_slice %arg7[%dma_start3A_291, %dma_start3A_293, %dma_start3A_294] : memref<2x80x128xf32, #tpu.memory_space<vmem>> -> memref<1x80x128xf32, #tpu.memory_space<vmem>>
      %dma_start3A_296 = tpu.memref_squeeze %dma_start3A_295 : memref<1x80x128xf32, #tpu.memory_space<vmem>> -> memref<80x128xf32, #tpu.memory_space<vmem>>
      %dma_start3A_297 = arith.constant 0 : i32
      %dma_start3A_298 = tpu.memref_slice %arg5[%add3A_290, %dma_start3A_297] : memref<125x80xi32, #tpu.memory_space<vmem>> -> memref<1x80xi32, #tpu.memory_space<vmem>>
      %dma_start3A_299 = tpu.memref_squeeze %dma_start3A_298 : memref<1x80xi32, #tpu.memory_space<vmem>> -> memref<80xi32, #tpu.memory_space<vmem>>
      %dma_start3A_300 = arith.constant 0 : i32
      %dma_start3A_301 = arith.constant 0 : i32
      %dma_start3A_302 = tpu.memref_slice %arg2[%dma_start3A_300, %dma_start3A_301] : memref<10000x128xf32, #tpu.memory_space<hbm>> -> memref<10000x128xf32, #tpu.memory_space<hbm>>
      %dma_start3A_303 = tpu.memref_slice %arg9[%dma_start3A_292] : memref<2x!tpu.dma_semaphore, #tpu.memory_space<semaphore_mem>> -> memref<1x!tpu.dma_semaphore, #tpu.memory_space<semaphore_mem>>
      %dma_start3A_304 = tpu.memref_squeeze %dma_start3A_303 : memref<1x!tpu.dma_semaphore, #tpu.memory_space<semaphore_mem>> -> memref<!tpu.dma_semaphore, #tpu.memory_space<semaphore_mem>>
      tpu.enqueue_indirect_dma source(%dma_start3A_302 : memref<10000x128xf32, #tpu.memory_space<hbm>>) target(%dma_start3A_296 : memref<80x128xf32, #tpu.memory_space<vmem>>) offsets(%dma_start3A_299 : memref<80xi32, #tpu.memory_space<vmem>>) semaphore(%dma_start3A_304 : memref<!tpu.dma_semaphore, #tpu.memory_space<semaphore_mem>>)
      %mul3A_305 = arith.constant 2 : i32
      %mul3A_306 = arith.muli %scan3A_205, %mul3A_305 : i32
      %add3A_307 = arith.constant 1 : i32
      %add3A_308 = arith.addi %mul3A_306, %add3A_307 : i32
      %dma_wait3A_309 = arith.constant 1 : i32
      %dma_wait3A_310 = arith.constant 1 : i32
      %dma_wait3A_311 = arith.constant 0 : i32
      %dma_wait3A_312 = arith.constant 0 : i32
      %dma_wait3A_313 = tpu.memref_slice %arg7[%dma_wait3A_309, %dma_wait3A_311, %dma_wait3A_312] : memref<2x80x128xf32, #tpu.memory_space<vmem>> -> memref<1x80x128xf32, #tpu.memory_space<vmem>>
      %dma_wait3A_314 = tpu.memref_squeeze %dma_wait3A_313 : memref<1x80x128xf32, #tpu.memory_space<vmem>> -> memref<80x128xf32, #tpu.memory_space<vmem>>
      %dma_wait3A_315 = arith.constant 0 : i32
      %dma_wait3A_316 = tpu.memref_slice %arg6[%add3A_308, %dma_wait3A_315] : memref<125x80xi32, #tpu.memory_space<vmem>> -> memref<1x80xi32, #tpu.memory_space<vmem>>
      %dma_wait3A_317 = tpu.memref_squeeze %dma_wait3A_316 : memref<1x80xi32, #tpu.memory_space<vmem>> -> memref<80xi32, #tpu.memory_space<vmem>>
      %dma_wait3A_318 = arith.constant 0 : i32
      %dma_wait3A_319 = arith.constant 0 : i32
      %dma_wait3A_320 = tpu.memref_slice %arg8[%dma_wait3A_318, %dma_wait3A_319] : memref<10240x128xf32, #tpu.memory_space<vmem_shared>> -> memref<10240x128xf32, #tpu.memory_space<vmem_shared>>
      %dma_wait3A_321 = tpu.memref_slice %arg10[%dma_wait3A_310] : memref<2x!tpu.dma_semaphore, #tpu.memory_space<semaphore_mem>> -> memref<1x!tpu.dma_semaphore, #tpu.memory_space<semaphore_mem>>
      %dma_wait3A_322 = tpu.memref_squeeze %dma_wait3A_321 : memref<1x!tpu.dma_semaphore, #tpu.memory_space<semaphore_mem>> -> memref<!tpu.dma_semaphore, #tpu.memory_space<semaphore_mem>>
      tpu.wait_indirect_dma semaphore(%dma_wait3A_322 : memref<!tpu.dma_semaphore, #tpu.memory_space<semaphore_mem>>) src(%dma_wait3A_314 : memref<80x128xf32, #tpu.memory_space<vmem>>) dst(%dma_wait3A_320 : memref<10240x128xf32, #tpu.memory_space<vmem_shared>>)
      %add3A_323 = arith.constant 2 : i32
      %add3A_324 = arith.addi %add3A_308, %add3A_323 : i32
      %dma_start3A_325 = arith.constant 1 : i32
      %dma_start3A_326 = arith.constant 1 : i32
      %dma_start3A_327 = arith.constant 0 : i32
      %dma_start3A_328 = arith.constant 0 : i32
      %dma_start3A_329 = tpu.memref_slice %arg7[%dma_start3A_325, %dma_start3A_327, %dma_start3A_328] : memref<2x80x128xf32, #tpu.memory_space<vmem>> -> memref<1x80x128xf32, #tpu.memory_space<vmem>>
      %dma_start3A_330 = tpu.memref_squeeze %dma_start3A_329 : memref<1x80x128xf32, #tpu.memory_space<vmem>> -> memref<80x128xf32, #tpu.memory_space<vmem>>
      %dma_start3A_331 = arith.constant 0 : i32
      %dma_start3A_332 = tpu.memref_slice %arg5[%add3A_324, %dma_start3A_331] : memref<125x80xi32, #tpu.memory_space<vmem>> -> memref<1x80xi32, #tpu.memory_space<vmem>>
      %dma_start3A_333 = tpu.memref_squeeze %dma_start3A_332 : memref<1x80xi32, #tpu.memory_space<vmem>> -> memref<80xi32, #tpu.memory_space<vmem>>
      %dma_start3A_334 = arith.constant 0 : i32
      %dma_start3A_335 = arith.constant 0 : i32
      %dma_start3A_336 = tpu.memref_slice %arg2[%dma_start3A_334, %dma_start3A_335] : memref<10000x128xf32, #tpu.memory_space<hbm>> -> memref<10000x128xf32, #tpu.memory_space<hbm>>
      %dma_start3A_337 = tpu.memref_slice %arg9[%dma_start3A_326] : memref<2x!tpu.dma_semaphore, #tpu.memory_space<semaphore_mem>> -> memref<1x!tpu.dma_semaphore, #tpu.memory_space<semaphore_mem>>
      %dma_start3A_338 = tpu.memref_squeeze %dma_start3A_337 : memref<1x!tpu.dma_semaphore, #tpu.memory_space<semaphore_mem>> -> memref<!tpu.dma_semaphore, #tpu.memory_space<semaphore_mem>>
      tpu.enqueue_indirect_dma source(%dma_start3A_336 : memref<10000x128xf32, #tpu.memory_space<hbm>>) target(%dma_start3A_330 : memref<80x128xf32, #tpu.memory_space<vmem>>) offsets(%dma_start3A_333 : memref<80xi32, #tpu.memory_space<vmem>>) semaphore(%dma_start3A_338 : memref<!tpu.dma_semaphore, #tpu.memory_space<semaphore_mem>>)
      %scan3A_339 = arith.constant 0 : i32
      scf.yield %scan3A_339 : i32
    }
    %scan3A_50 = arith.constant 61 : i32
    %dma_wait3A = arith.constant 122 : i32
    %dma_wait3A_51 = arith.constant 0 : i32
    %dma_wait3A_52 = arith.constant 0 : i32
    %dma_wait3A_53 = arith.constant 0 : i32
    %dma_wait3A_54 = arith.constant 0 : i32
    %dma_wait3A_55 = tpu.memref_slice %arg7[%dma_wait3A_51, %dma_wait3A_53, %dma_wait3A_54] : memref<2x80x128xf32, #tpu.memory_space<vmem>> -> memref<1x80x128xf32, #tpu.memory_space<vmem>>
    %dma_wait3A_56 = tpu.memref_squeeze %dma_wait3A_55 : memref<1x80x128xf32, #tpu.memory_space<vmem>> -> memref<80x128xf32, #tpu.memory_space<vmem>>
    %dma_wait3A_57 = arith.constant 0 : i32
    %dma_wait3A_58 = tpu.memref_slice %arg5[%dma_wait3A, %dma_wait3A_57] : memref<125x80xi32, #tpu.memory_space<vmem>> -> memref<1x80xi32, #tpu.memory_space<vmem>>
    %dma_wait3A_59 = tpu.memref_squeeze %dma_wait3A_58 : memref<1x80xi32, #tpu.memory_space<vmem>> -> memref<80xi32, #tpu.memory_space<vmem>>
    %dma_wait3A_60 = arith.constant 0 : i32
    %dma_wait3A_61 = arith.constant 0 : i32
    %dma_wait3A_62 = tpu.memref_slice %arg2[%dma_wait3A_60, %dma_wait3A_61] : memref<10000x128xf32, #tpu.memory_space<hbm>> -> memref<10000x128xf32, #tpu.memory_space<hbm>>
    %dma_wait3A_63 = tpu.memref_slice %arg9[%dma_wait3A_52] : memref<2x!tpu.dma_semaphore, #tpu.memory_space<semaphore_mem>> -> memref<1x!tpu.dma_semaphore, #tpu.memory_space<semaphore_mem>>
    %dma_wait3A_64 = tpu.memref_squeeze %dma_wait3A_63 : memref<1x!tpu.dma_semaphore, #tpu.memory_space<semaphore_mem>> -> memref<!tpu.dma_semaphore, #tpu.memory_space<semaphore_mem>>
    tpu.wait_indirect_dma semaphore(%dma_wait3A_64 : memref<!tpu.dma_semaphore, #tpu.memory_space<semaphore_mem>>) src(%dma_wait3A_62 : memref<10000x128xf32, #tpu.memory_space<hbm>>) dst(%dma_wait3A_56 : memref<80x128xf32, #tpu.memory_space<vmem>>)
    %dma_start3A_65 = arith.constant 0 : i32
    %dma_start3A_66 = arith.constant 122 : i32
    %dma_start3A_67 = arith.constant 0 : i32
    %dma_start3A_68 = arith.constant 0 : i32
    %dma_start3A_69 = arith.constant 0 : i32
    %dma_start3A_70 = tpu.memref_slice %arg7[%dma_start3A_65, %dma_start3A_68, %dma_start3A_69] : memref<2x80x128xf32, #tpu.memory_space<vmem>> -> memref<1x80x128xf32, #tpu.memory_space<vmem>>
    %dma_start3A_71 = tpu.memref_squeeze %dma_start3A_70 : memref<1x80x128xf32, #tpu.memory_space<vmem>> -> memref<80x128xf32, #tpu.memory_space<vmem>>
    %dma_start3A_72 = arith.constant 0 : i32
    %dma_start3A_73 = tpu.memref_slice %arg6[%dma_start3A_66, %dma_start3A_72] : memref<125x80xi32, #tpu.memory_space<vmem>> -> memref<1x80xi32, #tpu.memory_space<vmem>>
    %dma_start3A_74 = tpu.memref_squeeze %dma_start3A_73 : memref<1x80xi32, #tpu.memory_space<vmem>> -> memref<80xi32, #tpu.memory_space<vmem>>
    %dma_start3A_75 = arith.constant 0 : i32
    %dma_start3A_76 = arith.constant 0 : i32
    %dma_start3A_77 = tpu.memref_slice %arg8[%dma_start3A_75, %dma_start3A_76] : memref<10240x128xf32, #tpu.memory_space<vmem_shared>> -> memref<10240x128xf32, #tpu.memory_space<vmem_shared>>
    %dma_start3A_78 = tpu.memref_slice %arg10[%dma_start3A_67] : memref<2x!tpu.dma_semaphore, #tpu.memory_space<semaphore_mem>> -> memref<1x!tpu.dma_semaphore, #tpu.memory_space<semaphore_mem>>
    %dma_start3A_79 = tpu.memref_squeeze %dma_start3A_78 : memref<1x!tpu.dma_semaphore, #tpu.memory_space<semaphore_mem>> -> memref<!tpu.dma_semaphore, #tpu.memory_space<semaphore_mem>>
    tpu.enqueue_indirect_dma source(%dma_start3A_71 : memref<80x128xf32, #tpu.memory_space<vmem>>) target(%dma_start3A_77 : memref<10240x128xf32, #tpu.memory_space<vmem_shared>>) offsets(%dma_start3A_74 : memref<80xi32, #tpu.memory_space<vmem>>) semaphore(%dma_start3A_79 : memref<!tpu.dma_semaphore, #tpu.memory_space<semaphore_mem>>) {add = true}
    %dma_wait3A_80 = arith.constant 123 : i32
    %dma_wait3A_81 = arith.constant 1 : i32
    %dma_wait3A_82 = arith.constant 1 : i32
    %dma_wait3A_83 = arith.constant 0 : i32
    %dma_wait3A_84 = arith.constant 0 : i32
    %dma_wait3A_85 = tpu.memref_slice %arg7[%dma_wait3A_81, %dma_wait3A_83, %dma_wait3A_84] : memref<2x80x128xf32, #tpu.memory_space<vmem>> -> memref<1x80x128xf32, #tpu.memory_space<vmem>>
    %dma_wait3A_86 = tpu.memref_squeeze %dma_wait3A_85 : memref<1x80x128xf32, #tpu.memory_space<vmem>> -> memref<80x128xf32, #tpu.memory_space<vmem>>
    %dma_wait3A_87 = arith.constant 0 : i32
    %dma_wait3A_88 = tpu.memref_slice %arg5[%dma_wait3A_80, %dma_wait3A_87] : memref<125x80xi32, #tpu.memory_space<vmem>> -> memref<1x80xi32, #tpu.memory_space<vmem>>
    %dma_wait3A_89 = tpu.memref_squeeze %dma_wait3A_88 : memref<1x80xi32, #tpu.memory_space<vmem>> -> memref<80xi32, #tpu.memory_space<vmem>>
    %dma_wait3A_90 = arith.constant 0 : i32
    %dma_wait3A_91 = arith.constant 0 : i32
    %dma_wait3A_92 = tpu.memref_slice %arg2[%dma_wait3A_90, %dma_wait3A_91] : memref<10000x128xf32, #tpu.memory_space<hbm>> -> memref<10000x128xf32, #tpu.memory_space<hbm>>
    %dma_wait3A_93 = tpu.memref_slice %arg9[%dma_wait3A_82] : memref<2x!tpu.dma_semaphore, #tpu.memory_space<semaphore_mem>> -> memref<1x!tpu.dma_semaphore, #tpu.memory_space<semaphore_mem>>
    %dma_wait3A_94 = tpu.memref_squeeze %dma_wait3A_93 : memref<1x!tpu.dma_semaphore, #tpu.memory_space<semaphore_mem>> -> memref<!tpu.dma_semaphore, #tpu.memory_space<semaphore_mem>>
    tpu.wait_indirect_dma semaphore(%dma_wait3A_94 : memref<!tpu.dma_semaphore, #tpu.memory_space<semaphore_mem>>) src(%dma_wait3A_92 : memref<10000x128xf32, #tpu.memory_space<hbm>>) dst(%dma_wait3A_86 : memref<80x128xf32, #tpu.memory_space<vmem>>)
    %dma_start3A_95 = arith.constant 1 : i32
    %dma_start3A_96 = arith.constant 123 : i32
    %dma_start3A_97 = arith.constant 1 : i32
    %dma_start3A_98 = arith.constant 0 : i32
    %dma_start3A_99 = arith.constant 0 : i32
    %dma_start3A_100 = tpu.memref_slice %arg7[%dma_start3A_95, %dma_start3A_98, %dma_start3A_99] : memref<2x80x128xf32, #tpu.memory_space<vmem>> -> memref<1x80x128xf32, #tpu.memory_space<vmem>>
    %dma_start3A_101 = tpu.memref_squeeze %dma_start3A_100 : memref<1x80x128xf32, #tpu.memory_space<vmem>> -> memref<80x128xf32, #tpu.memory_space<vmem>>
    %dma_start3A_102 = arith.constant 0 : i32
    %dma_start3A_103 = tpu.memref_slice %arg6[%dma_start3A_96, %dma_start3A_102] : memref<125x80xi32, #tpu.memory_space<vmem>> -> memref<1x80xi32, #tpu.memory_space<vmem>>
    %dma_start3A_104 = tpu.memref_squeeze %dma_start3A_103 : memref<1x80xi32, #tpu.memory_space<vmem>> -> memref<80xi32, #tpu.memory_space<vmem>>
    %dma_start3A_105 = arith.constant 0 : i32
    %dma_start3A_106 = arith.constant 0 : i32
    %dma_start3A_107 = tpu.memref_slice %arg8[%dma_start3A_105, %dma_start3A_106] : memref<10240x128xf32, #tpu.memory_space<vmem_shared>> -> memref<10240x128xf32, #tpu.memory_space<vmem_shared>>
    %dma_start3A_108 = tpu.memref_slice %arg10[%dma_start3A_97] : memref<2x!tpu.dma_semaphore, #tpu.memory_space<semaphore_mem>> -> memref<1x!tpu.dma_semaphore, #tpu.memory_space<semaphore_mem>>
    %dma_start3A_109 = tpu.memref_squeeze %dma_start3A_108 : memref<1x!tpu.dma_semaphore, #tpu.memory_space<semaphore_mem>> -> memref<!tpu.dma_semaphore, #tpu.memory_space<semaphore_mem>>
    tpu.enqueue_indirect_dma source(%dma_start3A_101 : memref<80x128xf32, #tpu.memory_space<vmem>>) target(%dma_start3A_107 : memref<10240x128xf32, #tpu.memory_space<vmem_shared>>) offsets(%dma_start3A_104 : memref<80xi32, #tpu.memory_space<vmem>>) semaphore(%dma_start3A_109 : memref<!tpu.dma_semaphore, #tpu.memory_space<semaphore_mem>>) {add = true}
    %dma_wait3A_110 = arith.constant 0 : i32
    %dma_wait3A_111 = arith.constant 122 : i32
    %dma_wait3A_112 = arith.constant 0 : i32
    %dma_wait3A_113 = arith.constant 0 : i32
    %dma_wait3A_114 = arith.constant 0 : i32
    %dma_wait3A_115 = tpu.memref_slice %arg7[%dma_wait3A_110, %dma_wait3A_113, %dma_wait3A_114] : memref<2x80x128xf32, #tpu.memory_space<vmem>> -> memref<1x80x128xf32, #tpu.memory_space<vmem>>
    %dma_wait3A_116 = tpu.memref_squeeze %dma_wait3A_115 : memref<1x80x128xf32, #tpu.memory_space<vmem>> -> memref<80x128xf32, #tpu.memory_space<vmem>>
    %dma_wait3A_117 = arith.constant 0 : i32
    %dma_wait3A_118 = tpu.memref_slice %arg6[%dma_wait3A_111, %dma_wait3A_117] : memref<125x80xi32, #tpu.memory_space<vmem>> -> memref<1x80xi32, #tpu.memory_space<vmem>>
    %dma_wait3A_119 = tpu.memref_squeeze %dma_wait3A_118 : memref<1x80xi32, #tpu.memory_space<vmem>> -> memref<80xi32, #tpu.memory_space<vmem>>
    %dma_wait3A_120 = arith.constant 0 : i32
    %dma_wait3A_121 = arith.constant 0 : i32
    %dma_wait3A_122 = tpu.memref_slice %arg8[%dma_wait3A_120, %dma_wait3A_121] : memref<10240x128xf32, #tpu.memory_space<vmem_shared>> -> memref<10240x128xf32, #tpu.memory_space<vmem_shared>>
    %dma_wait3A_123 = tpu.memref_slice %arg10[%dma_wait3A_112] : memref<2x!tpu.dma_semaphore, #tpu.memory_space<semaphore_mem>> -> memref<1x!tpu.dma_semaphore, #tpu.memory_space<semaphore_mem>>
    %dma_wait3A_124 = tpu.memref_squeeze %dma_wait3A_123 : memref<1x!tpu.dma_semaphore, #tpu.memory_space<semaphore_mem>> -> memref<!tpu.dma_semaphore, #tpu.memory_space<semaphore_mem>>
    tpu.wait_indirect_dma semaphore(%dma_wait3A_124 : memref<!tpu.dma_semaphore, #tpu.memory_space<semaphore_mem>>) src(%dma_wait3A_116 : memref<80x128xf32, #tpu.memory_space<vmem>>) dst(%dma_wait3A_122 : memref<10240x128xf32, #tpu.memory_space<vmem_shared>>)
    %dma_start3A_125 = arith.constant 124 : i32
    %dma_start3A_126 = arith.constant 0 : i32
    %dma_start3A_127 = arith.constant 0 : i32
    %dma_start3A_128 = arith.constant 0 : i32
    %dma_start3A_129 = arith.constant 0 : i32
    %dma_start3A_130 = tpu.memref_slice %arg7[%dma_start3A_126, %dma_start3A_128, %dma_start3A_129] : memref<2x80x128xf32, #tpu.memory_space<vmem>> -> memref<1x80x128xf32, #tpu.memory_space<vmem>>
    %dma_start3A_131 = tpu.memref_squeeze %dma_start3A_130 : memref<1x80x128xf32, #tpu.memory_space<vmem>> -> memref<80x128xf32, #tpu.memory_space<vmem>>
    %dma_start3A_132 = arith.constant 0 : i32
    %dma_start3A_133 = tpu.memref_slice %arg5[%dma_start3A_125, %dma_start3A_132] : memref<125x80xi32, #tpu.memory_space<vmem>> -> memref<1x80xi32, #tpu.memory_space<vmem>>
    %dma_start3A_134 = tpu.memref_squeeze %dma_start3A_133 : memref<1x80xi32, #tpu.memory_space<vmem>> -> memref<80xi32, #tpu.memory_space<vmem>>
    %dma_start3A_135 = arith.constant 0 : i32
    %dma_start3A_136 = arith.constant 0 : i32
    %dma_start3A_137 = tpu.memref_slice %arg2[%dma_start3A_135, %dma_start3A_136] : memref<10000x128xf32, #tpu.memory_space<hbm>> -> memref<10000x128xf32, #tpu.memory_space<hbm>>
    %dma_start3A_138 = tpu.memref_slice %arg9[%dma_start3A_127] : memref<2x!tpu.dma_semaphore, #tpu.memory_space<semaphore_mem>> -> memref<1x!tpu.dma_semaphore, #tpu.memory_space<semaphore_mem>>
    %dma_start3A_139 = tpu.memref_squeeze %dma_start3A_138 : memref<1x!tpu.dma_semaphore, #tpu.memory_space<semaphore_mem>> -> memref<!tpu.dma_semaphore, #tpu.memory_space<semaphore_mem>>
    tpu.enqueue_indirect_dma source(%dma_start3A_137 : memref<10000x128xf32, #tpu.memory_space<hbm>>) target(%dma_start3A_131 : memref<80x128xf32, #tpu.memory_space<vmem>>) offsets(%dma_start3A_134 : memref<80xi32, #tpu.memory_space<vmem>>) semaphore(%dma_start3A_139 : memref<!tpu.dma_semaphore, #tpu.memory_space<semaphore_mem>>)
    %dma_wait3A_140 = arith.constant 124 : i32
    %dma_wait3A_141 = arith.constant 0 : i32
    %dma_wait3A_142 = arith.constant 0 : i32
    %dma_wait3A_143 = arith.constant 0 : i32
    %dma_wait3A_144 = arith.constant 0 : i32
    %dma_wait3A_145 = tpu.memref_slice %arg7[%dma_wait3A_141, %dma_wait3A_143, %dma_wait3A_144] : memref<2x80x128xf32, #tpu.memory_space<vmem>> -> memref<1x80x128xf32, #tpu.memory_space<vmem>>
    %dma_wait3A_146 = tpu.memref_squeeze %dma_wait3A_145 : memref<1x80x128xf32, #tpu.memory_space<vmem>> -> memref<80x128xf32, #tpu.memory_space<vmem>>
    %dma_wait3A_147 = arith.constant 0 : i32
    %dma_wait3A_148 = tpu.memref_slice %arg5[%dma_wait3A_140, %dma_wait3A_147] : memref<125x80xi32, #tpu.memory_space<vmem>> -> memref<1x80xi32, #tpu.memory_space<vmem>>
    %dma_wait3A_149 = tpu.memref_squeeze %dma_wait3A_148 : memref<1x80xi32, #tpu.memory_space<vmem>> -> memref<80xi32, #tpu.memory_space<vmem>>
    %dma_wait3A_150 = arith.constant 0 : i32
    %dma_wait3A_151 = arith.constant 0 : i32
    %dma_wait3A_152 = tpu.memref_slice %arg2[%dma_wait3A_150, %dma_wait3A_151] : memref<10000x128xf32, #tpu.memory_space<hbm>> -> memref<10000x128xf32, #tpu.memory_space<hbm>>
    %dma_wait3A_153 = tpu.memref_slice %arg9[%dma_wait3A_142] : memref<2x!tpu.dma_semaphore, #tpu.memory_space<semaphore_mem>> -> memref<1x!tpu.dma_semaphore, #tpu.memory_space<semaphore_mem>>
    %dma_wait3A_154 = tpu.memref_squeeze %dma_wait3A_153 : memref<1x!tpu.dma_semaphore, #tpu.memory_space<semaphore_mem>> -> memref<!tpu.dma_semaphore, #tpu.memory_space<semaphore_mem>>
    tpu.wait_indirect_dma semaphore(%dma_wait3A_154 : memref<!tpu.dma_semaphore, #tpu.memory_space<semaphore_mem>>) src(%dma_wait3A_152 : memref<10000x128xf32, #tpu.memory_space<hbm>>) dst(%dma_wait3A_146 : memref<80x128xf32, #tpu.memory_space<vmem>>)
    %dma_start3A_155 = arith.constant 0 : i32
    %dma_start3A_156 = arith.constant 124 : i32
    %dma_start3A_157 = arith.constant 0 : i32
    %dma_start3A_158 = arith.constant 0 : i32
    %dma_start3A_159 = arith.constant 0 : i32
    %dma_start3A_160 = tpu.memref_slice %arg7[%dma_start3A_155, %dma_start3A_158, %dma_start3A_159] : memref<2x80x128xf32, #tpu.memory_space<vmem>> -> memref<1x80x128xf32, #tpu.memory_space<vmem>>
    %dma_start3A_161 = tpu.memref_squeeze %dma_start3A_160 : memref<1x80x128xf32, #tpu.memory_space<vmem>> -> memref<80x128xf32, #tpu.memory_space<vmem>>
    %dma_start3A_162 = arith.constant 0 : i32
    %dma_start3A_163 = tpu.memref_slice %arg6[%dma_start3A_156, %dma_start3A_162] : memref<125x80xi32, #tpu.memory_space<vmem>> -> memref<1x80xi32, #tpu.memory_space<vmem>>
    %dma_start3A_164 = tpu.memref_squeeze %dma_start3A_163 : memref<1x80xi32, #tpu.memory_space<vmem>> -> memref<80xi32, #tpu.memory_space<vmem>>
    %dma_start3A_165 = arith.constant 0 : i32
    %dma_start3A_166 = arith.constant 0 : i32
    %dma_start3A_167 = tpu.memref_slice %arg8[%dma_start3A_165, %dma_start3A_166] : memref<10240x128xf32, #tpu.memory_space<vmem_shared>> -> memref<10240x128xf32, #tpu.memory_space<vmem_shared>>
    %dma_start3A_168 = tpu.memref_slice %arg10[%dma_start3A_157] : memref<2x!tpu.dma_semaphore, #tpu.memory_space<semaphore_mem>> -> memref<1x!tpu.dma_semaphore, #tpu.memory_space<semaphore_mem>>
    %dma_start3A_169 = tpu.memref_squeeze %dma_start3A_168 : memref<1x!tpu.dma_semaphore, #tpu.memory_space<semaphore_mem>> -> memref<!tpu.dma_semaphore, #tpu.memory_space<semaphore_mem>>
    tpu.enqueue_indirect_dma source(%dma_start3A_161 : memref<80x128xf32, #tpu.memory_space<vmem>>) target(%dma_start3A_167 : memref<10240x128xf32, #tpu.memory_space<vmem_shared>>) offsets(%dma_start3A_164 : memref<80xi32, #tpu.memory_space<vmem>>) semaphore(%dma_start3A_169 : memref<!tpu.dma_semaphore, #tpu.memory_space<semaphore_mem>>) {add = true}
    %dma_wait3A_170 = arith.constant 1 : i32
    %dma_wait3A_171 = arith.constant 123 : i32
    %dma_wait3A_172 = arith.constant 1 : i32
    %dma_wait3A_173 = arith.constant 0 : i32
    %dma_wait3A_174 = arith.constant 0 : i32
    %dma_wait3A_175 = tpu.memref_slice %arg7[%dma_wait3A_170, %dma_wait3A_173, %dma_wait3A_174] : memref<2x80x128xf32, #tpu.memory_space<vmem>> -> memref<1x80x128xf32, #tpu.memory_space<vmem>>
    %dma_wait3A_176 = tpu.memref_squeeze %dma_wait3A_175 : memref<1x80x128xf32, #tpu.memory_space<vmem>> -> memref<80x128xf32, #tpu.memory_space<vmem>>
    %dma_wait3A_177 = arith.constant 0 : i32
    %dma_wait3A_178 = tpu.memref_slice %arg6[%dma_wait3A_171, %dma_wait3A_177] : memref<125x80xi32, #tpu.memory_space<vmem>> -> memref<1x80xi32, #tpu.memory_space<vmem>>
    %dma_wait3A_179 = tpu.memref_squeeze %dma_wait3A_178 : memref<1x80xi32, #tpu.memory_space<vmem>> -> memref<80xi32, #tpu.memory_space<vmem>>
    %dma_wait3A_180 = arith.constant 0 : i32
    %dma_wait3A_181 = arith.constant 0 : i32
    %dma_wait3A_182 = tpu.memref_slice %arg8[%dma_wait3A_180, %dma_wait3A_181] : memref<10240x128xf32, #tpu.memory_space<vmem_shared>> -> memref<10240x128xf32, #tpu.memory_space<vmem_shared>>
    %dma_wait3A_183 = tpu.memref_slice %arg10[%dma_wait3A_172] : memref<2x!tpu.dma_semaphore, #tpu.memory_space<semaphore_mem>> -> memref<1x!tpu.dma_semaphore, #tpu.memory_space<semaphore_mem>>
    %dma_wait3A_184 = tpu.memref_squeeze %dma_wait3A_183 : memref<1x!tpu.dma_semaphore, #tpu.memory_space<semaphore_mem>> -> memref<!tpu.dma_semaphore, #tpu.memory_space<semaphore_mem>>
    tpu.wait_indirect_dma semaphore(%dma_wait3A_184 : memref<!tpu.dma_semaphore, #tpu.memory_space<semaphore_mem>>) src(%dma_wait3A_176 : memref<80x128xf32, #tpu.memory_space<vmem>>) dst(%dma_wait3A_182 : memref<10240x128xf32, #tpu.memory_space<vmem_shared>>)
    %dma_wait3A_185 = arith.constant 0 : i32
    %dma_wait3A_186 = arith.constant 124 : i32
    %dma_wait3A_187 = arith.constant 0 : i32
    %dma_wait3A_188 = arith.constant 0 : i32
    %dma_wait3A_189 = arith.constant 0 : i32
    %dma_wait3A_190 = tpu.memref_slice %arg7[%dma_wait3A_185, %dma_wait3A_188, %dma_wait3A_189] : memref<2x80x128xf32, #tpu.memory_space<vmem>> -> memref<1x80x128xf32, #tpu.memory_space<vmem>>
    %dma_wait3A_191 = tpu.memref_squeeze %dma_wait3A_190 : memref<1x80x128xf32, #tpu.memory_space<vmem>> -> memref<80x128xf32, #tpu.memory_space<vmem>>
    %dma_wait3A_192 = arith.constant 0 : i32
    %dma_wait3A_193 = tpu.memref_slice %arg6[%dma_wait3A_186, %dma_wait3A_192] : memref<125x80xi32, #tpu.memory_space<vmem>> -> memref<1x80xi32, #tpu.memory_space<vmem>>
    %dma_wait3A_194 = tpu.memref_squeeze %dma_wait3A_193 : memref<1x80xi32, #tpu.memory_space<vmem>> -> memref<80xi32, #tpu.memory_space<vmem>>
    %dma_wait3A_195 = arith.constant 0 : i32
    %dma_wait3A_196 = arith.constant 0 : i32
    %dma_wait3A_197 = tpu.memref_slice %arg8[%dma_wait3A_195, %dma_wait3A_196] : memref<10240x128xf32, #tpu.memory_space<vmem_shared>> -> memref<10240x128xf32, #tpu.memory_space<vmem_shared>>
    %dma_wait3A_198 = tpu.memref_slice %arg10[%dma_wait3A_187] : memref<2x!tpu.dma_semaphore, #tpu.memory_space<semaphore_mem>> -> memref<1x!tpu.dma_semaphore, #tpu.memory_space<semaphore_mem>>
    %dma_wait3A_199 = tpu.memref_squeeze %dma_wait3A_198 : memref<1x!tpu.dma_semaphore, #tpu.memory_space<semaphore_mem>> -> memref<!tpu.dma_semaphore, #tpu.memory_space<semaphore_mem>>
    tpu.wait_indirect_dma semaphore(%dma_wait3A_199 : memref<!tpu.dma_semaphore, #tpu.memory_space<semaphore_mem>>) src(%dma_wait3A_191 : memref<80x128xf32, #tpu.memory_space<vmem>>) dst(%dma_wait3A_197 : memref<10240x128xf32, #tpu.memory_space<vmem_shared>>)
    %barrier3A_200 = arith.constant 0 : index
    tpu.barrier barrier_id(%barrier3A_200)
    %mul3A_201 = arith.constant 640 : i32
    %mul3A_202 = arith.muli %arg1, %mul3A_201 : i32
    %mul3A_203 = arith.constant 640 : i32
    %mul3A_204 = arith.muli %arg1, %mul3A_203 : i32
    "tpu.region"() ({
      %run_scoped3A_205 = tpu.sem_alloc : memref<!tpu.dma_semaphore, #tpu.memory_space<semaphore_mem>>
      %dma_start3A_206 = arith.constant 0 : i32
      %dma_start3A_207 = tpu.memref_slice %arg4[%arg0, %mul3A_204, %dma_start3A_206] : memref<2x10240x128xf32, #tpu.memory_space<hbm>> -> memref<1x640x128xf32, #tpu.memory_space<hbm>>
      %dma_start3A_208 = tpu.memref_squeeze %dma_start3A_207 : memref<1x640x128xf32, #tpu.memory_space<hbm>> -> memref<640x128xf32, #tpu.memory_space<hbm>>
      %dma_start3A_209 = arith.constant 0 : i32
      %dma_start3A_210 = tpu.memref_slice %arg8[%mul3A_202, %dma_start3A_209] : memref<10240x128xf32, #tpu.memory_space<vmem_shared>> -> memref<640x128xf32, #tpu.memory_space<vmem_shared>>
      tpu.enqueue_dma source(%dma_start3A_210 : memref<640x128xf32, #tpu.memory_space<vmem_shared>>) target(%dma_start3A_208 : memref<640x128xf32, #tpu.memory_space<hbm>>) target_semaphore(%run_scoped3A_205 : memref<!tpu.dma_semaphore, #tpu.memory_space<semaphore_mem>>)
      %dma_wait3A_211 = arith.constant 0 : i32
      %dma_wait3A_212 = tpu.memref_slice %arg4[%arg0, %mul3A_204, %dma_wait3A_211] : memref<2x10240x128xf32, #tpu.memory_space<hbm>> -> memref<1x640x128xf32, #tpu.memory_space<hbm>>
      %dma_wait3A_213 = tpu.memref_squeeze %dma_wait3A_212 : memref<1x640x128xf32, #tpu.memory_space<hbm>> -> memref<640x128xf32, #tpu.memory_space<hbm>>
      %dma_wait3A_214 = arith.constant 0 : i32
      %dma_wait3A_215 = tpu.memref_slice %arg8[%mul3A_202, %dma_wait3A_214] : memref<10240x128xf32, #tpu.memory_space<vmem_shared>> -> memref<640x128xf32, #tpu.memory_space<vmem_shared>>
      tpu.wait_dma2 semaphore(%run_scoped3A_205 : memref<!tpu.dma_semaphore, #tpu.memory_space<semaphore_mem>>) src(%dma_wait3A_215 : memref<640x128xf32, #tpu.memory_space<vmem_shared>>) dst(%dma_wait3A_213 : memref<640x128xf32, #tpu.memory_space<hbm>>)
      tpu.yield
    }) : () -> ()
    return
  }
}

module attributes {stable_mosaic.version = 14 : i64} {
  func.func @_t1a_body(%arg0: i32, %arg1: memref<1000x128xf32, #tpu.memory_space<vmem>>, %arg2: memref<128x128xf32, #tpu.memory_space<vmem>>, %arg3: memref<1000x128xf32, #tpu.memory_space<vmem>>) attributes {dimension_semantics = [#tpu.dimension_semantics<arbitrary>], iteration_bounds = array<i64: 10>, scalar_prefetch = 0 : i64, scratch_operands = 0 : i64, tpu.core_type = #tpu.core_type<tc>, window_params = [{transform_indices = @transform_0, window_bounds = array<i64: 1000, 128>}, {pipeline_mode = #tpu.pipeline_mode<synchronous>, transform_indices = @transform_1, window_bounds = array<i64: 128, 128>}, {transform_indices = @transform_2, window_bounds = array<i64: 1000, 128>}]} {
    %get3A = arith.constant 0 : index
    %get3A_0 = arith.constant 0 : index
    %get3A_1 = vector.load %arg1[%get3A, %get3A_0] : memref<1000x128xf32, #tpu.memory_space<vmem>>, vector<1000x128xf32>
    %get3A_2 = arith.constant 0 : index
    %get3A_3 = arith.constant 0 : index
    %get3A_4 = vector.load %arg2[%get3A_2, %get3A_3] : memref<128x128xf32, #tpu.memory_space<vmem>>, vector<128x128xf32>
    %dot_general3A = arith.constant dense<0.000000e+00> : vector<1000x128xf32>
    %dot_general3A_5 = tpu.matmul %get3A_1, %get3A_4, %dot_general3A {dimension_numbers = #tpu.dot_dimension_numbers<[1], [0], [0], [1], [0, 0, 1, 1], [], []>, transpose_lhs_hint = false} : vector<1000x128xf32>, vector<128x128xf32>, vector<1000x128xf32> -> vector<1000x128xf32>
    %swap3A = arith.constant 0 : index
    %swap3A_6 = arith.constant 0 : index
    %swap3A_7 = vector.load %arg3[%swap3A, %swap3A_6] : memref<1000x128xf32, #tpu.memory_space<vmem>>, vector<1000x128xf32>
    tpu.vector_store %arg3[%swap3A, %swap3A_6], %dot_general3A_5 {strides = array<i32>} : memref<1000x128xf32, #tpu.memory_space<vmem>>, vector<1000x128xf32>,
    return
  }
  func.func @transform_0(%arg0: i32) -> (i32, i32) {
    %c0_i32 = arith.constant 0 : i32
    %c0_i32_0 = arith.constant 0 : i32
    return %arg0, %c0_i32 : i32, i32
  }
  func.func @transform_1(%arg0: i32) -> (i32, i32) {
    %c0_i32 = arith.constant 0 : i32
    %c0_i32_0 = arith.constant 0 : i32
    %c0_i32_1 = arith.constant 0 : i32
    return %c0_i32, %c0_i32_0 : i32, i32
  }
  func.func @transform_2(%arg0: i32) -> (i32, i32) {
    %c0_i32 = arith.constant 0 : i32
    %c0_i32_0 = arith.constant 0 : i32
    return %arg0, %c0_i32 : i32, i32
  }
}

module attributes {stable_mosaic.version = 14 : i64} {
  func.func @_t1b_body(%arg0: i32, %arg1: memref<2x1000x8xf32, #tpu.memory_space<vmem>>, %arg2: memref<1000x128xf32, #tpu.memory_space<vmem>>, %arg3: memref<1000x1xf32, #tpu.memory_space<vmem>>, %arg4: memref<1000x128xf32, #tpu.memory_space<vmem>>) attributes {dimension_semantics = [#tpu.dimension_semantics<arbitrary>], iteration_bounds = array<i64: 10>, scalar_prefetch = 0 : i64, scratch_operands = 0 : i64, tpu.core_type = #tpu.core_type<tc>, window_params = [{transform_indices = @transform_0, window_bounds = array<i64: 2, 1000, 8>}, {transform_indices = @transform_1, window_bounds = array<i64: 1000, 128>}, {transform_indices = @transform_2, window_bounds = array<i64: 1000, 1>}, {transform_indices = @transform_3, window_bounds = array<i64: 1000, 128>}]} {
    %get3A = arith.constant 0 : index
    %get3A_0 = arith.constant 0 : index
    %get3A_1 = arith.constant 0 : index
    %get3A_2 = vector.load %arg1[%get3A, %get3A_0, %get3A_1] : memref<2x1000x8xf32, #tpu.memory_space<vmem>>, vector<1x1000x1xf32>
    %get3A_3 = vector.shape_cast %get3A_2 : vector<1x1000x1xf32> to vector<1000xf32>
    %get3A_4 = arith.constant 1 : index
    %get3A_5 = arith.constant 0 : index
    %get3A_6 = arith.constant 0 : index
    %get3A_7 = vector.load %arg1[%get3A_4, %get3A_5, %get3A_6] : memref<2x1000x8xf32, #tpu.memory_space<vmem>>, vector<1x1000x1xf32>
    %get3A_8 = vector.shape_cast %get3A_7 : vector<1x1000x1xf32> to vector<1000xf32>
    %add3A = arith.addf %get3A_3, %get3A_8 : vector<1000xf32>
    %add3A_9 = arith.constant 1.000000e+00 : f32
    %add3A_10 = vector.broadcast %add3A_9 : f32 to vector<1000xf32>
    %add3A_11 = arith.addf %add3A, %add3A_10 : vector<1000xf32>
    %rsqrt3A = math.rsqrt %add3A_11 : vector<1000xf32>
    %broadcast_in_dim3A = vector.shape_cast %rsqrt3A : vector<1000xf32> to vector<1000x1xf32>
    %swap3A = arith.constant 0 : index
    %swap3A_12 = arith.constant 0 : index
    %swap3A_13 = vector.load %arg3[%swap3A, %swap3A_12] : memref<1000x1xf32, #tpu.memory_space<vmem>>, vector<1000x1xf32>
    tpu.vector_store %arg3[%swap3A, %swap3A_12], %broadcast_in_dim3A {strides = array<i32>} : memref<1000x1xf32, #tpu.memory_space<vmem>>, vector<1000x1xf32>,
    %broadcast_in_dim3A_14 = vector.shape_cast %rsqrt3A : vector<1000xf32> to vector<1000x1xf32>
    %get3A_15 = arith.constant 0 : index
    %get3A_16 = arith.constant 0 : index
    %get3A_17 = vector.load %arg2[%get3A_15, %get3A_16] : memref<1000x128xf32, #tpu.memory_space<vmem>>, vector<1000x128xf32>
    %mul3A = vector.broadcast %broadcast_in_dim3A_14 : vector<1000x1xf32> to vector<1000x128xf32>
    %mul3A_18 = arith.mulf %mul3A, %get3A_17 : vector<1000x128xf32>
    %swap3A_19 = arith.constant 0 : index
    %swap3A_20 = arith.constant 0 : index
    %swap3A_21 = vector.load %arg4[%swap3A_19, %swap3A_20] : memref<1000x128xf32, #tpu.memory_space<vmem>>, vector<1000x128xf32>
    tpu.vector_store %arg4[%swap3A_19, %swap3A_20], %mul3A_18 {strides = array<i32>} : memref<1000x128xf32, #tpu.memory_space<vmem>>, vector<1000x128xf32>,
    return
  }
  func.func @transform_0(%arg0: i32) -> (i32, i32, i32) {
    %c0_i32 = arith.constant 0 : i32
    %c0_i32_0 = arith.constant 0 : i32
    %c0_i32_1 = arith.constant 0 : i32
    return %c0_i32, %arg0, %c0_i32_0 : i32, i32, i32
  }
  func.func @transform_1(%arg0: i32) -> (i32, i32) {
    %c0_i32 = arith.constant 0 : i32
    %c0_i32_0 = arith.constant 0 : i32
    return %arg0, %c0_i32 : i32, i32
  }
  func.func @transform_2(%arg0: i32) -> (i32, i32) {
    %c0_i32 = arith.constant 0 : i32
    %c0_i32_0 = arith.constant 0 : i32
    return %arg0, %c0_i32 : i32, i32
  }
  func.func @transform_3(%arg0: i32) -> (i32, i32) {
    %c0_i32 = arith.constant 0 : i32
    %c0_i32_0 = arith.constant 0 : i32
    return %arg0, %c0_i32 : i32, i32
  }
}

module attributes {stable_mosaic.version = 14 : i64} {
  func.func @_t2_body(%arg0: i32, %arg1: memref<2x1000x128xf32, #tpu.memory_space<vmem>>, %arg2: memref<1000x128xf32, #tpu.memory_space<vmem>>, %arg3: memref<1000x1xf32, #tpu.memory_space<vmem>>, %arg4: memref<1x128xf32, #tpu.memory_space<vmem>>, %arg5: memref<128x16xf32, #tpu.memory_space<vmem>>, %arg6: memref<1000x16xf32, #tpu.memory_space<vmem>>) attributes {dimension_semantics = [#tpu.dimension_semantics<arbitrary>], iteration_bounds = array<i64: 10>, scalar_prefetch = 0 : i64, scratch_operands = 0 : i64, tpu.core_type = #tpu.core_type<tc>, window_params = [{transform_indices = @transform_0, window_bounds = array<i64: 2, 1000, 128>}, {transform_indices = @transform_1, window_bounds = array<i64: 1000, 128>}, {transform_indices = @transform_2, window_bounds = array<i64: 1000, 1>}, {pipeline_mode = #tpu.pipeline_mode<synchronous>, transform_indices = @transform_3, window_bounds = array<i64: 1, 128>}, {pipeline_mode = #tpu.pipeline_mode<synchronous>, transform_indices = @transform_4, window_bounds = array<i64: 128, 16>}, {transform_indices = @transform_5, window_bounds = array<i64: 1000, 16>}]} {
    %get3A = arith.constant 0 : index
    %get3A_0 = arith.constant 0 : index
    %get3A_1 = arith.constant 0 : index
    %get3A_2 = vector.load %arg1[%get3A, %get3A_0, %get3A_1] : memref<2x1000x128xf32, #tpu.memory_space<vmem>>, vector<1x1000x128xf32>
    %get3A_3 = vector.shape_cast %get3A_2 : vector<1x1000x128xf32> to vector<1000x128xf32>
    %get3A_4 = arith.constant 1 : index
    %get3A_5 = arith.constant 0 : index
    %get3A_6 = arith.constant 0 : index
    %get3A_7 = vector.load %arg1[%get3A_4, %get3A_5, %get3A_6] : memref<2x1000x128xf32, #tpu.memory_space<vmem>>, vector<1x1000x128xf32>
    %get3A_8 = vector.shape_cast %get3A_7 : vector<1x1000x128xf32> to vector<1000x128xf32>
    %add3A = arith.addf %get3A_3, %get3A_8 : vector<1000x128xf32>
    %get3A_9 = arith.constant 0 : index
    %get3A_10 = arith.constant 0 : index
    %get3A_11 = vector.load %arg2[%get3A_9, %get3A_10] : memref<1000x128xf32, #tpu.memory_space<vmem>>, vector<1000x128xf32>
    %add3A_12 = arith.addf %add3A, %get3A_11 : vector<1000x128xf32>
    %get3A_13 = arith.constant 0 : index
    %get3A_14 = arith.constant 0 : index
    %get3A_15 = vector.load %arg3[%get3A_13, %get3A_14] : memref<1000x1xf32, #tpu.memory_space<vmem>>, vector<1000x1xf32>
    %mul3A = vector.broadcast %get3A_15 : vector<1000x1xf32> to vector<1000x128xf32>
    %mul3A_16 = arith.mulf %mul3A, %add3A_12 : vector<1000x128xf32>
    %get3A_17 = arith.constant 0 : index
    %get3A_18 = arith.constant 0 : index
    %get3A_19 = vector.load %arg4[%get3A_17, %get3A_18] : memref<1x128xf32, #tpu.memory_space<vmem>>, vector<1x128xf32>
    %add3A_20 = vector.broadcast %get3A_19 : vector<1x128xf32> to vector<1000x128xf32>
    %add3A_21 = arith.addf %mul3A_16, %add3A_20 : vector<1000x128xf32>
    %max3A = arith.constant 0.000000e+00 : f32
    %max3A_22 = vector.broadcast %max3A : f32 to vector<1000x128xf32>
    %max3A_23 = arith.maximumf %add3A_21, %max3A_22 : vector<1000x128xf32>
    %get3A_24 = arith.constant 0 : index
    %get3A_25 = arith.constant 0 : index
    %get3A_26 = vector.load %arg3[%get3A_24, %get3A_25] : memref<1000x1xf32, #tpu.memory_space<vmem>>, vector<1000x1xf32>
    %get3A_27 = arith.constant 0 : index
    %get3A_28 = arith.constant 0 : index
    %get3A_29 = vector.load %arg5[%get3A_27, %get3A_28] : memref<128x16xf32, #tpu.memory_space<vmem>>, vector<128x16xf32>
    %dot_general3A = arith.constant dense<0.000000e+00> : vector<1000x16xf32>
    %dot_general3A_30 = tpu.matmul %max3A_23, %get3A_29, %dot_general3A {dimension_numbers = #tpu.dot_dimension_numbers<[1], [0], [0], [1], [0, 0, 1, 1], [], []>, transpose_lhs_hint = false} : vector<1000x128xf32>, vector<128x16xf32>, vector<1000x16xf32> -> vector<1000x16xf32>
    %mul3A_31 = vector.broadcast %get3A_26 : vector<1000x1xf32> to vector<1000x16xf32>
    %mul3A_32 = arith.mulf %mul3A_31, %dot_general3A_30 : vector<1000x16xf32>
    %swap3A = arith.constant 0 : index
    %swap3A_33 = arith.constant 0 : index
    %swap3A_34 = vector.load %arg6[%swap3A, %swap3A_33] : memref<1000x16xf32, #tpu.memory_space<vmem>>, vector<1000x16xf32>
    tpu.vector_store %arg6[%swap3A, %swap3A_33], %mul3A_32 {strides = array<i32>} : memref<1000x16xf32, #tpu.memory_space<vmem>>, vector<1000x16xf32>,
    return
  }
  func.func @transform_0(%arg0: i32) -> (i32, i32, i32) {
    %c0_i32 = arith.constant 0 : i32
    %c0_i32_0 = arith.constant 0 : i32
    %c0_i32_1 = arith.constant 0 : i32
    return %c0_i32, %arg0, %c0_i32_0 : i32, i32, i32
  }
  func.func @transform_1(%arg0: i32) -> (i32, i32) {
    %c0_i32 = arith.constant 0 : i32
    %c0_i32_0 = arith.constant 0 : i32
    return %arg0, %c0_i32 : i32, i32
  }
  func.func @transform_2(%arg0: i32) -> (i32, i32) {
    %c0_i32 = arith.constant 0 : i32
    %c0_i32_0 = arith.constant 0 : i32
    return %arg0, %c0_i32 : i32, i32
  }
  func.func @transform_3(%arg0: i32) -> (i32, i32) {
    %c0_i32 = arith.constant 0 : i32
    %c0_i32_0 = arith.constant 0 : i32
    %c0_i32_1 = arith.constant 0 : i32
    return %c0_i32, %c0_i32_0 : i32, i32
  }
  func.func @transform_4(%arg0: i32) -> (i32, i32) {
    %c0_i32 = arith.constant 0 : i32
    %c0_i32_0 = arith.constant 0 : i32
    %c0_i32_1 = arith.constant 0 : i32
    return %c0_i32, %c0_i32_0 : i32, i32
  }
  func.func @transform_5(%arg0: i32) -> (i32, i32) {
    %c0_i32 = arith.constant 0 : i32
    %c0_i32_0 = arith.constant 0 : i32
    return %arg0, %c0_i32 : i32, i32
  }
}

module attributes {stable_mosaic.version = 14 : i64} {
  func.func @_t1c_body(%arg0: i32, %arg1: memref<1000x128xf32, #tpu.memory_space<vmem>>, %arg2: memref<128x16xf32, #tpu.memory_space<vmem>>, %arg3: memref<1000x16xf32, #tpu.memory_space<vmem>>) attributes {dimension_semantics = [#tpu.dimension_semantics<arbitrary>], iteration_bounds = array<i64: 10>, scalar_prefetch = 0 : i64, scratch_operands = 0 : i64, tpu.core_type = #tpu.core_type<tc>, window_params = [{transform_indices = @transform_0, window_bounds = array<i64: 1000, 128>}, {pipeline_mode = #tpu.pipeline_mode<synchronous>, transform_indices = @transform_1, window_bounds = array<i64: 128, 16>}, {transform_indices = @transform_2, window_bounds = array<i64: 1000, 16>}]} {
    %get3A = arith.constant 0 : index
    %get3A_0 = arith.constant 0 : index
    %get3A_1 = vector.load %arg1[%get3A, %get3A_0] : memref<1000x128xf32, #tpu.memory_space<vmem>>, vector<1000x128xf32>
    %get3A_2 = arith.constant 0 : index
    %get3A_3 = arith.constant 0 : index
    %get3A_4 = vector.load %arg2[%get3A_2, %get3A_3] : memref<128x16xf32, #tpu.memory_space<vmem>>, vector<128x16xf32>
    %dot_general3A = arith.constant dense<0.000000e+00> : vector<1000x16xf32>
    %dot_general3A_5 = tpu.matmul %get3A_1, %get3A_4, %dot_general3A {dimension_numbers = #tpu.dot_dimension_numbers<[1], [0], [0], [1], [0, 0, 1, 1], [], []>, transpose_lhs_hint = false} : vector<1000x128xf32>, vector<128x16xf32>, vector<1000x16xf32> -> vector<1000x16xf32>
    %swap3A = arith.constant 0 : index
    %swap3A_6 = arith.constant 0 : index
    %swap3A_7 = vector.load %arg3[%swap3A, %swap3A_6] : memref<1000x16xf32, #tpu.memory_space<vmem>>, vector<1000x16xf32>
    tpu.vector_store %arg3[%swap3A, %swap3A_6], %dot_general3A_5 {strides = array<i32>} : memref<1000x16xf32, #tpu.memory_space<vmem>>, vector<1000x16xf32>,
    return
  }
  func.func @transform_0(%arg0: i32) -> (i32, i32) {
    %c0_i32 = arith.constant 0 : i32
    %c0_i32_0 = arith.constant 0 : i32
    return %arg0, %c0_i32 : i32, i32
  }
  func.func @transform_1(%arg0: i32) -> (i32, i32) {
    %c0_i32 = arith.constant 0 : i32
    %c0_i32_0 = arith.constant 0 : i32
    %c0_i32_1 = arith.constant 0 : i32
    return %c0_i32, %c0_i32_0 : i32, i32
  }
  func.func @transform_2(%arg0: i32) -> (i32, i32) {
    %c0_i32 = arith.constant 0 : i32
    %c0_i32_0 = arith.constant 0 : i32
    return %arg0, %c0_i32 : i32, i32
  }
}

module attributes {stable_mosaic.version = 14 : i64} {
  func.func @_t3_body(%arg0: i32, %arg1: memref<2x1000x16xf32, #tpu.memory_space<vmem>>, %arg2: memref<1000x16xf32, #tpu.memory_space<vmem>>, %arg3: memref<1000x16xf32, #tpu.memory_space<vmem>>, %arg4: memref<1000x1xf32, #tpu.memory_space<vmem>>, %arg5: memref<1x16xf32, #tpu.memory_space<vmem>>, %arg6: memref<1000x16xf32, #tpu.memory_space<vmem>>, %arg7: memref<1000x16xf32, #tpu.memory_space<vmem>>) attributes {dimension_semantics = [#tpu.dimension_semantics<arbitrary>], iteration_bounds = array<i64: 10>, scalar_prefetch = 0 : i64, scratch_operands = 0 : i64, tpu.core_type = #tpu.core_type<tc>, window_params = [{transform_indices = @transform_0, window_bounds = array<i64: 2, 1000, 16>}, {transform_indices = @transform_1, window_bounds = array<i64: 1000, 16>}, {transform_indices = @transform_2, window_bounds = array<i64: 1000, 16>}, {transform_indices = @transform_3, window_bounds = array<i64: 1000, 1>}, {pipeline_mode = #tpu.pipeline_mode<synchronous>, transform_indices = @transform_4, window_bounds = array<i64: 1, 16>}, {transform_indices = @transform_5, window_bounds = array<i64: 1000, 16>}, {transform_indices = @transform_6, window_bounds = array<i64: 1000, 16>}]} {
    %get3A = arith.constant 0 : index
    %get3A_0 = arith.constant 0 : index
    %get3A_1 = vector.load %arg4[%get3A, %get3A_0] : memref<1000x1xf32, #tpu.memory_space<vmem>>, vector<1000x1xf32>
    %get3A_2 = arith.constant 0 : index
    %get3A_3 = arith.constant 0 : index
    %get3A_4 = arith.constant 0 : index
    %get3A_5 = vector.load %arg1[%get3A_2, %get3A_3, %get3A_4] : memref<2x1000x16xf32, #tpu.memory_space<vmem>>, vector<1x1000x16xf32>
    %get3A_6 = vector.shape_cast %get3A_5 : vector<1x1000x16xf32> to vector<1000x16xf32>
    %get3A_7 = arith.constant 1 : index
    %get3A_8 = arith.constant 0 : index
    %get3A_9 = arith.constant 0 : index
    %get3A_10 = vector.load %arg1[%get3A_7, %get3A_8, %get3A_9] : memref<2x1000x16xf32, #tpu.memory_space<vmem>>, vector<1x1000x16xf32>
    %get3A_11 = vector.shape_cast %get3A_10 : vector<1x1000x16xf32> to vector<1000x16xf32>
    %add3A = arith.addf %get3A_6, %get3A_11 : vector<1000x16xf32>
    %get3A_12 = arith.constant 0 : index
    %get3A_13 = arith.constant 0 : index
    %get3A_14 = vector.load %arg2[%get3A_12, %get3A_13] : memref<1000x16xf32, #tpu.memory_space<vmem>>, vector<1000x16xf32>
    %add3A_15 = arith.addf %add3A, %get3A_14 : vector<1000x16xf32>
    %mul3A = vector.broadcast %get3A_1 : vector<1000x1xf32> to vector<1000x16xf32>
    %mul3A_16 = arith.mulf %mul3A, %add3A_15 : vector<1000x16xf32>
    %get3A_17 = arith.constant 0 : index
    %get3A_18 = arith.constant 0 : index
    %get3A_19 = vector.load %arg5[%get3A_17, %get3A_18] : memref<1x16xf32, #tpu.memory_space<vmem>>, vector<1x16xf32>
    %add3A_20 = vector.broadcast %get3A_19 : vector<1x16xf32> to vector<1000x16xf32>
    %add3A_21 = arith.addf %mul3A_16, %add3A_20 : vector<1000x16xf32>
    %get3A_22 = arith.constant 0 : index
    %get3A_23 = arith.constant 0 : index
    %get3A_24 = vector.load %arg3[%get3A_22, %get3A_23] : memref<1000x16xf32, #tpu.memory_space<vmem>>, vector<1000x16xf32>
    %add3A_25 = arith.addf %add3A_21, %get3A_24 : vector<1000x16xf32>
    %mul3A_26 = arith.mulf %add3A_25, %add3A_25 : vector<1000x16xf32>
    %reduce_sum3A = arith.constant dense<0.000000e+00> : vector<1000xf32>
    %reduce_sum3A_27 = vector.multi_reduction <add>, %mul3A_26, %reduce_sum3A [1] : vector<1000x16xf32> to vector<1000xf32>
    %broadcast_in_dim3A = vector.shape_cast %reduce_sum3A_27 : vector<1000xf32> to vector<1000x1xf32>
    %sqrt3A = math.sqrt %broadcast_in_dim3A : vector<1000x1xf32>
    %max3A = arith.constant 9.99999996E-13 : f32
    %max3A_28 = vector.broadcast %max3A : f32 to vector<1000x1xf32>
    %max3A_29 = arith.maximumf %sqrt3A, %max3A_28 : vector<1000x1xf32>
    %div3A = vector.broadcast %max3A_29 : vector<1000x1xf32> to vector<1000x16xf32>
    %div3A_30 = arith.divf %add3A_25, %div3A : vector<1000x16xf32>
    %reduce_max3A = arith.constant dense<0xFF800000> : vector<1000xf32>
    %reduce_max3A_31 = vector.multi_reduction <maximumf>, %div3A_30, %reduce_max3A [1] : vector<1000x16xf32> to vector<1000xf32>
    %broadcast_in_dim3A_32 = vector.shape_cast %reduce_max3A_31 : vector<1000xf32> to vector<1000x1xf32>
    %sub3A = vector.broadcast %broadcast_in_dim3A_32 : vector<1000x1xf32> to vector<1000x16xf32>
    %sub3A_33 = arith.subf %div3A_30, %sub3A : vector<1000x16xf32>
    %exp3A = math.exp %sub3A_33 : vector<1000x16xf32>
    %reduce_sum3A_34 = arith.constant dense<0.000000e+00> : vector<1000xf32>
    %reduce_sum3A_35 = vector.multi_reduction <add>, %exp3A, %reduce_sum3A_34 [1] : vector<1000x16xf32> to vector<1000xf32>
    %broadcast_in_dim3A_36 = vector.shape_cast %reduce_sum3A_35 : vector<1000xf32> to vector<1000x1xf32>
    %div3A_37 = vector.broadcast %broadcast_in_dim3A_36 : vector<1000x1xf32> to vector<1000x16xf32>
    %div3A_38 = arith.divf %exp3A, %div3A_37 : vector<1000x16xf32>
    %swap3A = arith.constant 0 : index
    %swap3A_39 = arith.constant 0 : index
    %swap3A_40 = vector.load %arg7[%swap3A, %swap3A_39] : memref<1000x16xf32, #tpu.memory_space<vmem>>, vector<1000x16xf32>
    tpu.vector_store %arg7[%swap3A, %swap3A_39], %div3A_38 {strides = array<i32>} : memref<1000x16xf32, #tpu.memory_space<vmem>>, vector<1000x16xf32>,
    %swap3A_41 = arith.constant 0 : index
    %swap3A_42 = arith.constant 0 : index
    %swap3A_43 = vector.load %arg6[%swap3A_41, %swap3A_42] : memref<1000x16xf32, #tpu.memory_space<vmem>>, vector<1000x16xf32>
    tpu.vector_store %arg6[%swap3A_41, %swap3A_42], %div3A_30 {strides = array<i32>} : memref<1000x16xf32, #tpu.memory_space<vmem>>, vector<1000x16xf32>,
    return
  }
  func.func @transform_0(%arg0: i32) -> (i32, i32, i32) {
    %c0_i32 = arith.constant 0 : i32
    %c0_i32_0 = arith.constant 0 : i32
    %c0_i32_1 = arith.constant 0 : i32
    return %c0_i32, %arg0, %c0_i32_0 : i32, i32, i32
  }
  func.func @transform_1(%arg0: i32) -> (i32, i32) {
    %c0_i32 = arith.constant 0 : i32
    %c0_i32_0 = arith.constant 0 : i32
    return %arg0, %c0_i32 : i32, i32
  }
  func.func @transform_2(%arg0: i32) -> (i32, i32) {
    %c0_i32 = arith.constant 0 : i32
    %c0_i32_0 = arith.constant 0 : i32
    return %arg0, %c0_i32 : i32, i32
  }
  func.func @transform_3(%arg0: i32) -> (i32, i32) {
    %c0_i32 = arith.constant 0 : i32
    %c0_i32_0 = arith.constant 0 : i32
    return %arg0, %c0_i32 : i32, i32
  }
  func.func @transform_4(%arg0: i32) -> (i32, i32) {
    %c0_i32 = arith.constant 0 : i32
    %c0_i32_0 = arith.constant 0 : i32
    %c0_i32_1 = arith.constant 0 : i32
    return %c0_i32, %c0_i32_0 : i32, i32
  }
  func.func @transform_5(%arg0: i32) -> (i32, i32) {
    %c0_i32 = arith.constant 0 : i32
    %c0_i32_0 = arith.constant 0 : i32
    return %arg0, %c0_i32 : i32, i32
  }
  func.func @transform_6(%arg0: i32) -> (i32, i32) {
    %c0_i32 = arith.constant 0 : i32
    %c0_i32_0 = arith.constant 0 : i32
    return %arg0, %c0_i32 : i32, i32
  }
}

</mosaic_0001>

<sc_bundles>
// kernel: kernel.10.cloned.1.call-start
scs
__scs_entry_jumppad:
0x0: {  	(pc) =	sbr.rel $0x88, $3  }
0x1: {  	(tag) =	ssettag $0x0;
	lr =	simm.s32 $0x1  }
0x2: {  	[smem:$0x3F9A] =	sst lr;
	_ =	strace $0xD0000000  }
0x3: {  	_ = 	snop  }
0x4: {  	_ = 	snop  }
0x5: {  	_ = 	snop  }
0x6: {  	_ = 	snop  }
0x7: {  	_ = 	snop  }
__scs_overlays_trampoline_lowered:
0x8: {  	[smem:$0x3FA9] =	sst s0  }
0x9: {  	[smem:$0x3FAA] =	sst s1  }
0xa: {  	[smem:$0x3FAB] =	sst s2  }
0xb: {  	[smem:$0x3FAC] =	sst s3  }
0xc: {  	[smem:$0x3FAD] =	sst s4  }
0xd: {  	[smem:$0x3FAE] =	sst s5  }
0xe: {  	[smem:$0x3FAF] =	sst s6  }
0xf: {  	[smem:$0x3FB0] =	sst s7  }
0x10: {  	[smem:$0x3FB1] =	sst s8  }
0x11: {  	[smem:$0x3FB2] =	sst s9;
	s0 =	simm.s32 @!p0 $0x0  }
0x12: {  	s1 =	sld [smem:$0x3F98];
	s0 =	simm.s32 @p0 $0x1  }
0x13: {  	[smem:$0x3FB3] =	sst s0;
	s0 =	simm.s32 @!p1 $0x0  }
0x14: {  	s2 =	sld [smem:$0x3F97];
	s0 =	simm.s32 @p1 $0x1  }
0x15: {  	[smem:$0x3FB4] =	sst s0;
	s0 =	simm.s32 @!p2 $0x0  }
0x16: {  	s3 =	sld [smem:$0x3FDB];
	s0 =	simm.s32 @p2 $0x1  }
0x17: {  	s4 =	simm.s32 $0x1BF5;
	[smem:$0x3FB6] =	sst s0  }
0x18: {  	s0 =	sld [smem:$0x3F99];
	_ =	swait.ge [sflag:s4], $0x0  }
0x19: {  	s7 =	sld [smem:$0x3F9A]  }
0x1a: {  	s8 =	sadd.s32 $0xFFFFE003, lr  }
0x1b: {  	s9 =	sadd.s32 $0xFFFFFEF7, lr;
	s5 =	simm.s32 $0xFFFFFFFF;
	p2 =	slt.u32 s8, $0xFFFFF086  }
0x1c: {  	p1 =	slt.u32 s9, $0xF7A;
	s5 =	simm.s32 @!p2 $0x0  }
0x1d: {  	s5 =	simm.s32 @p1 $0x1;
	p0 =	seq.s32 s7, s2  }
0x1e: {  	s7 =	smul.u32 @!p0 $0xF7A, s2;
	p2 =	seq.s32 @!p0 s5, $0x0  }
0x1f: {  	s9 =	smul.u32 $0xF7A, s1;
	s8 =	simm.s32 @!p0 $0x1BF5;
	p2 =	por !p2, p0  }
0x20: {  	[sflag:s8] =	ssyncset.s32 @!p0 $0xFFFFF086;
	s6 =	sadd.s32 @!p0 s3, s7;
	s7 =	simm.s32 @!p0 $0x108  }
0x21: {  	s3 =	sadd.s32 s3, s9;
	s6 =	sadd.s32 @!p0 $0x88, s6;
	s7 =	simm.s32 @p2 $0x1082  }
0x22: {  	[simem:s7], [sflag:s8] =	dma.local @!p0 [hbm:s6], $0xF7A  }
0x23: {  	s9 =	sor.u32 $0xD0000000, s2;
	s6 =	simm.s32 $0x108;
	_ =	swait.ge @!p0 [sflag:s8], $0x0  }
0x24: {  	s3 =	sadd.s32 $0x88, s3;
	s6 =	simm.s32 @!p1 $0x1082;
	[sflag:s4] =	ssyncset.s32 $0xFFFFF086  }
0x25: {  	[simem:s6], [sflag:s4] =	dma.local [hbm:s3], $0xF7A  }
0x26: {  	[smem:$0x3F9A] =	sst s1;
	(tag) =	ssettag s2;
	_ =	strace s9  }
0x27: {  	s1 =	sld [smem:$0x3FAA]  }
0x28: {  	s2 =	sld [smem:$0x3FAB]  }
0x29: {  	s4 =	sld [smem:$0x3FAD]  }
0x2a: {  	p0 =	seq.s32 s5, $0x0;
	s5 =	sld [smem:$0x3FAE]  }
0x2b: {  	s6 =	sld [smem:$0x3FAF]  }
0x2c: {  	s7 =	sld [smem:$0x3FB0]  }
0x2d: {  	s3 =	simm.s32 $0x108;
	s8 =	sld [smem:$0x3FB1]  }
0x2e: {  	s3 =	simm.s32 @!p0 $0x1082;
	s9 =	sld [smem:$0x3FB2]  }
0x2f: {  	lr =	sadd.s32 s0, s3;
	s0 =	sld [smem:$0x3FA9]  }
0x30: {  	s3 =	sld [smem:$0x3FAC]  }
0x31: {  	[smem:$0x3FB5] =	sst s10  }
0x32: {  	s10 =	sld [smem:$0x3FB3];
	_ =	sdelay $0x3  }
0x33: {  	p0 =	seq.s32 s10, $0x1;
	s10 =	sld [smem:$0x3FB5];
	_ =	sdelay $0x3  }
0x34: {  	[smem:$0x3FB5] =	sst s10  }
0x35: {  	s10 =	sld [smem:$0x3FB4];
	_ =	sdelay $0x3  }
0x36: {  	p1 =	seq.s32 s10, $0x1;
	s10 =	sld [smem:$0x3FB5];
	_ =	sdelay $0x3  }
0x37: {  	[smem:$0x3FB5] =	sst s10  }
0x38: {  	s10 =	sld [smem:$0x3FB6]  }
0x39: {  	_ = 	snop;
	(pc) =	sbr.ind lr, $3  }
0x3a: {  	_ = 	snop  }
0x3b: {  	_ = 	snop  }
0x3c: {  	p2 =	seq.s32 s10, $0x1;
	s10 =	sld [smem:$0x3FB5]  }
0x3d: {  	_ =	shalt  }
0x3e: {  	_ =	shalt  }
0x3f: {  	_ =	shalt  }
0x40: {  	_ =	shalt  }
0x41: {  	_ =	shalt  }
0x42: {  	_ =	shalt  }
0x43: {  	_ =	shalt  }
0x44: {  	_ =	shalt  }
0x45: {  	_ =	shalt  }
0x46: {  	_ =	shalt  }
0x47: {  	_ =	shalt  }
0x48: {  	_ =	shalt  }
0x49: {  	_ =	shalt  }
0x4a: {  	_ =	shalt  }
0x4b: {  	_ =	shalt  }
0x4c: {  	_ =	shalt  }
0x4d: {  	_ =	shalt  }
0x4e: {  	_ =	shalt  }
0x4f: {  	_ =	shalt  }
0x50: {  	_ =	shalt  }
0x51: {  	_ =	shalt  }
0x52: {  	_ =	shalt  }
0x53: {  	_ =	shalt  }
0x54: {  	_ =	shalt  }
0x55: {  	_ =	shalt  }
0x56: {  	_ =	shalt  }
0x57: {  	_ =	shalt  }
0x58: {  	_ =	shalt  }
0x59: {  	_ =	shalt  }
0x5a: {  	_ =	shalt  }
0x5b: {  	_ =	shalt  }
0x5c: {  	_ =	shalt  }
0x5d: {  	_ =	shalt  }
0x5e: {  	_ =	shalt  }
0x5f: {  	_ =	shalt  }
0x60: {  	_ =	shalt  }
0x61: {  	_ =	shalt  }
0x62: {  	_ =	shalt  }
0x63: {  	_ =	shalt  }
0x64: {  	_ =	shalt  }
0x65: {  	_ =	shalt  }
0x66: {  	_ =	shalt  }
0x67: {  	_ =	shalt  }
0x68: {  	_ =	shalt  }
0x69: {  	_ =	shalt  }
0x6a: {  	_ =	shalt  }
0x6b: {  	_ =	shalt  }
0x6c: {  	_ =	shalt  }
0x6d: {  	_ =	shalt  }
0x6e: {  	_ =	shalt  }
0x6f: {  	_ =	shalt  }
0x70: {  	_ =	shalt  }
0x71: {  	_ =	shalt  }
0x72: {  	_ =	shalt  }
0x73: {  	_ =	shalt  }
0x74: {  	_ =	shalt  }
0x75: {  	_ =	shalt  }
0x76: {  	_ =	shalt  }
0x77: {  	_ =	shalt  }
0x78: {  	_ =	shalt  }
0x79: {  	_ =	shalt  }
0x7a: {  	_ =	shalt  }
0x7b: {  	_ =	shalt  }
0x7c: {  	_ =	shalt  }
0x7d: {  	_ =	shalt  }
0x7e: {  	_ =	shalt  }
0x7f: {  	_ =	shalt  }
0x80: {  	_ =	shalt  }
0x81: {  	_ =	shalt  }
0x82: {  	_ =	shalt  }
0x83: {  	_ =	shalt  }
0x84: {  	_ =	shalt  }
0x85: {  	_ =	shalt  }
0x86: {  	_ =	shalt  }
0x87: {  	_ =	shalt  }
.Lfunc_end0:
.L_simem_size_0:
called_computation_lowered:
.L_overlay_start_0:
0x88: {  	s2 =	sld [smem:$0x3FD9]  }
0x89: {  	s3 =	sld [smem:$0x3FFE];
	_ =	sdelay $0x1  }
0x8a: {  	s1 =	srdreg.scid  }
0x8b: {  	s0 =	sand.u32 $0x1, s1  }
0x8c: {  	s14 =	sshll.u32 s0, $0xA;
	s2 =	sadd.s32 s3, s2  }
0x8d: {  	s2 =	sadd.s32 s2, s14  }
0x8e: {  	[smem:$0x3FC1] =	sst s2  }
0x8f: {  	_ = 	snop  }
0x90: {  	s2 =	sld [smem:$0x3FD0];
	_ =	sdelay $0x2  }
0x91: {  	s15 =	simm.s32 $0xA;
	s4 =	simm.s32 $0x10  }
0x92: {  	[smem:s4], [sflag:s15] =	dma.local [hbm:s2], $0x1  }
0x93: {  	_ =	swait.eq [sflag:s15], $0x1  }
0x94: {  	[sflag:s15] =	ssyncset.done $0x0  }
0x95: {  	[sflag:s15] =	ssyncadd.s32 $0xFFFFFFFF  }
0x96: {  	s16 =	sld [smem:$0x11];
	(tm) =	ssettm $0x1  }
0x97: {  	s17 =	sld [smem:$0x3FFB];
	_ =	sdelay $0x3  }
0x98: {  	_ =	strace s17  }
0x99: {  	s3 =	sld [smem:$0x3FFC];
	_ =	sdelay $0x3  }
0x9a: {  	_ =	strace s3  }
0x9b: {  	s3 =	sld [smem:$0x3FFD];
	_ =	sdelay $0x3  }
0x9c: {  	_ =	strace s3  }
0x9d: {  	_ =	strace $0x8FFFFFFF  }
0x9e: {  	s18 =	sld [smem:$0x3FDB];
	_ =	sdelay $0x1  }
0x9f: {  	s19 =	simm.s32 $_scs_section_size  }
0xa0: {  	s5 =	simm.s32 $_size__tile_overlayer_lowered;
	s6 =	simm.s32 $_tile_overlayer_lowered  }
0xa1: {  	s22 =	simm.s32 $0x1BFF;
	s21 =	sshll.u32 s6, $0x1;
	s3 =	sadd.s32 s19, s18  }
0xa2: {  	s7 =	simm.s32 $0x0;
	s20 =	sshll.u32 s5, $0x1;
	s5 =	sadd.s32 s21, s3  }
0xa3: {  	[timem:s7], [sflag:s22] =	dma.local [hbm:s5], s20  }
0xa4: {  	_ =	swait.ge [sflag:s22], s20  }
0xa5: {  	s4 =	ssub.s32 $0x0, s20;
	[sflag:s22] =	ssyncset.done $0x0  }
0xa6: {  	[sflag:s22] =	ssyncadd.s32 s4;
	_ =	sdelay $0x1  }
0xa7: {  	s23 =	simm.s32 $0x1B8B  }
0xa8: {  	_ =	swait.ge [sflag:s23], $0x1  }
0xa9: {  	[sflag:s23] =	ssyncset.done $0x0  }
0xaa: {  	s25 =	simm.s32 $0x1B8E;
	s24 =	sld [smem:$0x3FFE];
	[sflag:s23] =	ssyncadd.s32 $0xFFFFFFFF  }
0xab: {  	s26 =	simm.s32 $execute0_lowered;
	[smem:$0x3FD2] =	sst s25  }
0xac: {  	s5 =	sshll.u32 s26, $0x1;
	_ =	strace $0x80000046;
	[dreg:$0x1] =	wrdreg $0xFFFFFFFF  }
0xad: {  	s28 =	simm.s32 $_size_execute0_lowered;
	s3 =	sadd.s32 s3, s5;
	[dreg:$0x0] =	wrdreg $0x0  }
0xae: {  	s5 =	sshll.u32 s28, $0x1;
	[dreg:$0x2] =	wrdreg s3  }
0xaf: {  	[dreg:$0x3] =	wrdreg s5  }
0xb0: {  	[dreg:$0x4] =	wrdreg $0xC0  }
0xb1: {  	_ =	task [dreg:s7], $0x5FFFF  }
0xb2: {  	[dreg:$0x1] =	wrdreg $0xFFFFFFFF  }
0xb3: {  	[dreg:$0x0] =	wrdreg $0x60  }
0xb4: {  	[dreg:$0x2] =	wrdreg s16  }
0xb5: {  	[dreg:$0x3] =	wrdreg s24  }
0xb6: {  	[dreg:$0x4] =	wrdreg $0x2C100  }
0xb7: {  	[dreg:$0x5] =	wrdreg $0x9  }
0xb8: {  	_ =	task.clear_ibuf [dreg:s7], $0x6FFFF;
	_ =	strace $0x90000046  }
0xb9: {  	s29 =	simm.s32 $0x9;
	_ =	strace $0x80000048  }
0xba: {  	_ =	swait.ge [sflag:s29], $0x1  }
0xbb: {  	[sflag:s29] =	ssyncadd.s32 $0xFFFFFFFF  }
0xbc: {  	_ =	strace $0x90000048  }
0xbd: {  	_ =	sfence  }
0xbe: {  	s30 =	sld [smem:$0x0];
	_ =	sdelay $0x2  }
0xbf: {  	s31 =	sshll.u32 s1, $0xD;
	s1 =	sshrl.u32 s1, $0x2  }
0xc0: {  	s3 =	sand.u32 $0x4000, s31;
	s1 =	sadd.s32 s1, s30  }
0xc1: {  	s0 =	sor.u32 s3, s0;
	s1 =	sshll.u32 s1, $0x11  }
0xc2: {  	s0 =	sor.u32 s1, s0  }
0xc3: {  	s0 =	sadd.s32 $0x8F2B, s0  }
0xc4: {  	[sflag:s0] =	ssyncadd.remote.s32 $0x1  }
0xc5: {  	_ =	sfence.sel $0xFFFF  }
0xc6: {  	[dreg:$0x0] =	wrdreg $0xFFFFFFFF;
	(pc) =	sbr.abs _section_cstart, $3  }
0xc7: {  	[dreg:$0x1] =	wrdreg $0xFFFFFFFF  }
0xc8: {  	_ =	task.clear_ibuf [dreg:s7], $0x2FFFF;
	_ =	strace $0x9FFFFFFF  }
0xc9: {  	(tm) =	ssettm $0x7FFFFFFF  }
tec
execute0_lowered:
.L_overlay_start_1:
0x0: {  	(tag) =	ssettag $0x1  }
0x1: {  	s1 =	rddreg [dreg:$0x0]  }
0x2: {  	s5 =	rddreg [dreg:$0x1]  }
0x3: {  	s3 =	rddreg [dreg:$0x2]  }
0x4: {  	s0 =	srdreg.scid;
	s2 =	rddreg [dreg:$0x3];
	s4 =	simm.s32 $0x0  }
0x5: {  	s16 =	simm.s32 $0x1;
	s17 =	simm.s32 $0x2710;
	s18 =	simm.s32 $0x50  }
0x6: {  	s19 =	simm.s32 $0x2990;
	s6 =	sand.u32 $0x1, s0;
	s0 =	stileid.u32  }
0x7: {  	s22 =	simm.s32 $0x0;
	[smem:$0x7FF] =	sst s4;
	s7 =	smul.u32 $0x14000, s6  }
0x8: {  	s8 =	smul.u32 $0x1400, s0;
	s9 =	sshll.u32 s0, $0x1;
	_ =	strace $0x80000047  }
0x9: {  	s11 =	smul.u32 $0x5000, s0;
	s20 =	sshll.u32 s0, $0x6;
	s9 =	sor.u32 s6, s9  }
0xa: {  	s6 =	ssub.s32 $0x2, s6;
	s20 =	sor.u32 $0x1C01, s20;
	s7 =	sadd.s32 s8, s7  }
0xb: {  	s9 =	smul.u32 $0x2710, s9;
	s10 =	sshrl.u32 s6, $0x1;
	s31 =	sshrl.u32 s11, $0x2  }
0xc: {  	s21 =	sadd.s32 s8, s3;
	s7 =	sshrl.u32 s7, $0x3;
	s10 =	ssub.s32 s6, s10  }
0xd: {  	s8 =	sadd.s32 s31, s3;
	s21 =	sshrl.u32 s21, $0x3;
	s9 =	sshrl.u32 s9, $0x3  }
0xe: {  	s7 =	sadd.s32 s7, s5;
	s11 =	sadd.s32 $0x780, s8;
	s12 =	sadd.s32 $0xA00, s8  }
0xf: {  	s13 =	sadd.s32 $0xC80, s8;
	s14 =	sadd.s32 $0xF00, s8;
	s15 =	sadd.s32 $0x1180, s8  }
0x10: {  	s5 =	sadd.s32 s5, s9;
	s6 =	sadd.s32 $0x16200, s7;
	s7 =	smax.u32 s10, $0x1  }
0x11: {  	s9 =	sadd.s32 $0x280, s8;
	s10 =	sadd.s32 $0x500, s8;
	s5 =	sadd.s32 $0xC440, s5  }
.LBB2_1:
0x12: {  	[tilespmem:s4], [sflag:$0x1] =	stream.linear.gather [hbm4b:s5+s4], $0x2710, $0x38;
	[tilespmem:$0x4010] =	vst v63  }
0x13: {  	_ =	swait.ge [sflag:s16], $0x2710  }
0x14: {  	[sflag:s16] =	ssyncset.done $0x0  }
0x15: {  	[sflag:s16] =	ssyncadd.s32 $0xFFFFD8F0  }
0x16: {  	[tilespmem:s17], [sflag:$0x1] =	stream.linear.gather [hbm4b:s1+s4], $0x500, $0x38;
	[tilespmem:$0x4010] =	vst v63  }
0x17: {  	_ =	swait.ge [sflag:s16], $0x500  }
0x18: {  	[sflag:s16] =	ssyncset.done $0x0  }
0x19: {  	[sflag:s16] =	ssyncadd.s32 $0xFFFFFB00  }
0x1a: {  	[spmem:s8] =	stream.linear.scatter [tilespmem:s17], [sflag:$0x1], $0x280, $0x38;
	[tilespmem:$0x4010] =	vst v63  }
0x1b: {  	_ =	swait.ge [sflag:s16], $0x280  }
0x1c: {  	[sflag:s16] =	ssyncset.done $0x0  }
0x1d: {  	[sflag:s16] =	ssyncadd.s32 $0xFFFFFD80  }
0x1e: {  	[spmem:s9] =	stream.linear.scatter [tilespmem:s17], [sflag:$0x1], $0x280, $0x38;
	[tilespmem:$0x4010] =	vst v63  }
0x1f: {  	_ =	swait.ge [sflag:s16], $0x280  }
0x20: {  	[sflag:s16] =	ssyncset.done $0x0  }
0x21: {  	[sflag:s16] =	ssyncadd.s32 $0xFFFFFD80  }
0x22: {  	[spmem:s10] =	stream.linear.scatter [tilespmem:s17], [sflag:$0x1], $0x280, $0x38;
	[tilespmem:$0x4010] =	vst v63  }
0x23: {  	_ =	swait.ge [sflag:s16], $0x280  }
0x24: {  	[sflag:s16] =	ssyncset.done $0x0  }
0x25: {  	[sflag:s16] =	ssyncadd.s32 $0xFFFFFD80  }
0x26: {  	[spmem:s11] =	stream.linear.scatter [tilespmem:s17], [sflag:$0x1], $0x280, $0x38;
	[tilespmem:$0x4010] =	vst v63  }
0x27: {  	_ =	swait.ge [sflag:s16], $0x280  }
0x28: {  	[sflag:s16] =	ssyncset.done $0x0  }
0x29: {  	[sflag:s16] =	ssyncadd.s32 $0xFFFFFD80  }
0x2a: {  	[spmem:s12] =	stream.linear.scatter [tilespmem:s17], [sflag:$0x1], $0x280, $0x38;
	[tilespmem:$0x4010] =	vst v63  }
0x2b: {  	_ =	swait.ge [sflag:s16], $0x280  }
0x2c: {  	[sflag:s16] =	ssyncset.done $0x0  }
0x2d: {  	[sflag:s16] =	ssyncadd.s32 $0xFFFFFD80  }
0x2e: {  	[spmem:s13] =	stream.linear.scatter [tilespmem:s17], [sflag:$0x1], $0x280, $0x38;
	[tilespmem:$0x4010] =	vst v63  }
0x2f: {  	_ =	swait.ge [sflag:s16], $0x280  }
0x30: {  	[sflag:s16] =	ssyncset.done $0x0  }
0x31: {  	[sflag:s16] =	ssyncadd.s32 $0xFFFFFD80  }
0x32: {  	[spmem:s14] =	stream.linear.scatter [tilespmem:s17], [sflag:$0x1], $0x280, $0x38;
	[tilespmem:$0x4010] =	vst v63  }
0x33: {  	_ =	swait.ge [sflag:s16], $0x280  }
0x34: {  	[sflag:s16] =	ssyncset.done $0x0  }
0x35: {  	[sflag:s16] =	ssyncadd.s32 $0xFFFFFD80  }
0x36: {  	[spmem:s15] =	stream.linear.scatter [tilespmem:s17], [sflag:$0x1], $0x280, $0x38;
	[tilespmem:$0x4010] =	vst v63  }
0x37: {  	_ =	swait.ge [sflag:s16], $0x280  }
0x38: {  	[sflag:s16] =	ssyncset.done $0x0  }
0x39: {  	[sflag:s16] =	ssyncadd.s32 $0xFFFFFD80  }
0x3a: {  	s23 =	simm.s32 $0x0;
	[bflag:$0x0] =	sbarrier.arrive $0xFFFF  }
0x3b: {  	[spmem:s3] =	stream.indirect.scatter.add.f32 [tilespmem:s19], [sflag:$0x1], $0x8, s23, s18, $0xb8;
	[tilespmem:$0x4010] =	vst v63  }
0x3c: {  	_ =	swait.ge [sflag:s16], $0x280  }
0x3d: {  	s23 =	simm.s32 $0x140;
	[sflag:s16] =	ssyncset.done $0x0  }
.LBB2_2:
0x3e: {  	s24 =	sshra.s32 s23, $0x2;
	[sflag:s16] =	ssyncadd.s32 $0xFFFFFD80;
	p0 =	sne.s32 s23, $0x9B00  }
0x3f: {  	[spmem:s3] =	stream.indirect.scatter.add.f32 [tilespmem:s19], [sflag:$0x1], $0x8, s24, s18, $0xb8;
	[tilespmem:$0x4010] =	vst v63  }
.Ltmp0:
0x40: {  	_ = 	snop;
	(pc) =	sbr.rel @p0 .LBB2_2-.Ltmp0, $4  }
0x41: {  	_ = 	snop  }
0x42: {  	s23 =	sadd.s32 $0x140, s23  }
0x43: {  	_ =	swait.ge [sflag:s16], $0x280  }
0x44: {  	[sflag:s16] =	ssyncset.done $0x0  }
0x45: {  	s22 =	sadd.s32 $0x1, s22  }
0x46: {  	[sflag:s16] =	ssyncadd.s32 $0xFFFFFD80;
	p0 =	sne.s32 s22, s7  }
.Ltmp1:
0x47: {  	[bflag:$0x0] =	sbarrier.arrive $0xFFFF;
	(pc) =	sbr.rel @p0 .LBB2_1-.Ltmp1, $4  }
0x48: {  	[hbm:s6], [sflag:s20] =	dma.local [spmem:s21], $0x280  }
0x49: {  	_ =	swait.ge [sflag:s16], $0x280  }
0x4a: {  	[sflag:s16] =	ssyncset.done $0x0  }
0x4b: {  	[sflag:s16] =	ssyncadd.s32 $0xFFFFFD80  }
0x4c: {  	_ =	sfence.sel $0x180000  }
0x4d: {  	[bflag:$0x0] =	sbarrier.arrive $0xFFFF  }
0x4e: {  	p0 =	sne.s32 s0, $0x0;
	_ =	strace $0x90000047  }
0x4f: {  	s0 =	sadd.s32 @!p0 $0x100000, s2;
	[bflag:$0x2] =	sbarrier.arrive $0xFFFF  }
0x50: {  	[sflag:s0] =	ssyncadd.tile.s32 @!p0 $0x1;
	_ =	shalt  }
.Lfunc_end2:
_tile_overlayer_lowered:
.L_overlay_start_2:
0x51: {  	(tag) =	ssettag $0x2  }
0x52: {  	s0 =	rddreg [dreg:$0x0];
	s2 =	stileid.u32  }
0x53: {  	s1 =	rddreg [dreg:$0x1];
	p0 =	sne.s32 s2, $0x0  }
0x54: {  	s3 =	rddreg [dreg:$0x2];
	[bflag:$0x3] =	sbarrier.arrive $0xFFFF;
	s2 =	simm.s32 @!p0 $0x1C01  }
0x55: {  	[timem:s3], [sflag:s2] =	dma.local @!p0 [hbm:s0], s1  }
0x56: {  	s0 =	simm.s32 @!p0 $0x1  }
0x57: {  	_ =	swait.ge @!p0 [sflag:s0], s1  }
0x58: {  	s1 =	ssub.s32 @!p0 $0x0, s1;
	[sflag:s0] =	ssyncset.done @!p0 $0x0  }
0x59: {  	[sflag:s0] =	ssyncadd.s32 @!p0 s1  }
0x5a: {  	[bflag:$0x3] =	sbarrier.arrive $0xFFFF  }
0x5b: {  	_ =	shalt  }

// kernel: kernel.13.cloned.1.call-start
scs
__scs_entry_jumppad:
0x0: {  	(pc) =	sbr.rel $0x88, $3  }
0x1: {  	(tag) =	ssettag $0x0;
	lr =	simm.s32 $0x1  }
0x2: {  	[smem:$0x3F9A] =	sst lr;
	_ =	strace $0xD0000000  }
0x3: {  	_ = 	snop  }
0x4: {  	_ = 	snop  }
0x5: {  	_ = 	snop  }
0x6: {  	_ = 	snop  }
0x7: {  	_ = 	snop  }
__scs_overlays_trampoline_lowered:
0x8: {  	[smem:$0x3FA9] =	sst s0  }
0x9: {  	[smem:$0x3FAA] =	sst s1  }
0xa: {  	[smem:$0x3FAB] =	sst s2  }
0xb: {  	[smem:$0x3FAC] =	sst s3  }
0xc: {  	[smem:$0x3FAD] =	sst s4  }
0xd: {  	[smem:$0x3FAE] =	sst s5  }
0xe: {  	[smem:$0x3FAF] =	sst s6  }
0xf: {  	[smem:$0x3FB0] =	sst s7  }
0x10: {  	[smem:$0x3FB1] =	sst s8  }
0x11: {  	[smem:$0x3FB2] =	sst s9;
	s0 =	simm.s32 @!p0 $0x0  }
0x12: {  	s1 =	sld [smem:$0x3F98];
	s0 =	simm.s32 @p0 $0x1  }
0x13: {  	[smem:$0x3FB3] =	sst s0;
	s0 =	simm.s32 @!p1 $0x0  }
0x14: {  	s2 =	sld [smem:$0x3F97];
	s0 =	simm.s32 @p1 $0x1  }
0x15: {  	[smem:$0x3FB4] =	sst s0;
	s0 =	simm.s32 @!p2 $0x0  }
0x16: {  	s3 =	sld [smem:$0x3FDB];
	s0 =	simm.s32 @p2 $0x1  }
0x17: {  	s4 =	simm.s32 $0x1BF5;
	[smem:$0x3FB6] =	sst s0  }
0x18: {  	s0 =	sld [smem:$0x3F99];
	_ =	swait.ge [sflag:s4], $0x0  }
0x19: {  	s7 =	sld [smem:$0x3F9A]  }
0x1a: {  	s8 =	sadd.s32 $0xFFFFE003, lr  }
0x1b: {  	s9 =	sadd.s32 $0xFFFFFEF7, lr;
	s5 =	simm.s32 $0xFFFFFFFF;
	p2 =	slt.u32 s8, $0xFFFFF086  }
0x1c: {  	p1 =	slt.u32 s9, $0xF7A;
	s5 =	simm.s32 @!p2 $0x0  }
0x1d: {  	s5 =	simm.s32 @p1 $0x1;
	p0 =	seq.s32 s7, s2  }
0x1e: {  	s7 =	smul.u32 @!p0 $0xF7A, s2;
	p2 =	seq.s32 @!p0 s5, $0x0  }
0x1f: {  	s9 =	smul.u32 $0xF7A, s1;
	s8 =	simm.s32 @!p0 $0x1BF5;
	p2 =	por !p2, p0  }
0x20: {  	[sflag:s8] =	ssyncset.s32 @!p0 $0xFFFFF086;
	s6 =	sadd.s32 @!p0 s3, s7;
	s7 =	simm.s32 @!p0 $0x108  }
0x21: {  	s3 =	sadd.s32 s3, s9;
	s6 =	sadd.s32 @!p0 $0x88, s6;
	s7 =	simm.s32 @p2 $0x1082  }
0x22: {  	[simem:s7], [sflag:s8] =	dma.local @!p0 [hbm:s6], $0xF7A  }
0x23: {  	s9 =	sor.u32 $0xD0000000, s2;
	s6 =	simm.s32 $0x108;
	_ =	swait.ge @!p0 [sflag:s8], $0x0  }
0x24: {  	s3 =	sadd.s32 $0x88, s3;
	s6 =	simm.s32 @!p1 $0x1082;
	[sflag:s4] =	ssyncset.s32 $0xFFFFF086  }
0x25: {  	[simem:s6], [sflag:s4] =	dma.local [hbm:s3], $0xF7A  }
0x26: {  	[smem:$0x3F9A] =	sst s1;
	(tag) =	ssettag s2;
	_ =	strace s9  }
0x27: {  	s1 =	sld [smem:$0x3FAA]  }
0x28: {  	s2 =	sld [smem:$0x3FAB]  }
0x29: {  	s4 =	sld [smem:$0x3FAD]  }
0x2a: {  	p0 =	seq.s32 s5, $0x0;
	s5 =	sld [smem:$0x3FAE]  }
0x2b: {  	s6 =	sld [smem:$0x3FAF]  }
0x2c: {  	s7 =	sld [smem:$0x3FB0]  }
0x2d: {  	s3 =	simm.s32 $0x108;
	s8 =	sld [smem:$0x3FB1]  }
0x2e: {  	s3 =	simm.s32 @!p0 $0x1082;
	s9 =	sld [smem:$0x3FB2]  }
0x2f: {  	lr =	sadd.s32 s0, s3;
	s0 =	sld [smem:$0x3FA9]  }
0x30: {  	s3 =	sld [smem:$0x3FAC]  }
0x31: {  	[smem:$0x3FB5] =	sst s10  }
0x32: {  	s10 =	sld [smem:$0x3FB3];
	_ =	sdelay $0x3  }
0x33: {  	p0 =	seq.s32 s10, $0x1;
	s10 =	sld [smem:$0x3FB5];
	_ =	sdelay $0x3  }
0x34: {  	[smem:$0x3FB5] =	sst s10  }
0x35: {  	s10 =	sld [smem:$0x3FB4];
	_ =	sdelay $0x3  }
0x36: {  	p1 =	seq.s32 s10, $0x1;
	s10 =	sld [smem:$0x3FB5];
	_ =	sdelay $0x3  }
0x37: {  	[smem:$0x3FB5] =	sst s10  }
0x38: {  	s10 =	sld [smem:$0x3FB6]  }
0x39: {  	_ = 	snop;
	(pc) =	sbr.ind lr, $3  }
0x3a: {  	_ = 	snop  }
0x3b: {  	_ = 	snop  }
0x3c: {  	p2 =	seq.s32 s10, $0x1;
	s10 =	sld [smem:$0x3FB5]  }
0x3d: {  	_ =	shalt  }
0x3e: {  	_ =	shalt  }
0x3f: {  	_ =	shalt  }
0x40: {  	_ =	shalt  }
0x41: {  	_ =	shalt  }
0x42: {  	_ =	shalt  }
0x43: {  	_ =	shalt  }
0x44: {  	_ =	shalt  }
0x45: {  	_ =	shalt  }
0x46: {  	_ =	shalt  }
0x47: {  	_ =	shalt  }
0x48: {  	_ =	shalt  }
0x49: {  	_ =	shalt  }
0x4a: {  	_ =	shalt  }
0x4b: {  	_ =	shalt  }
0x4c: {  	_ =	shalt  }
0x4d: {  	_ =	shalt  }
0x4e: {  	_ =	shalt  }
0x4f: {  	_ =	shalt  }
0x50: {  	_ =	shalt  }
0x51: {  	_ =	shalt  }
0x52: {  	_ =	shalt  }
0x53: {  	_ =	shalt  }
0x54: {  	_ =	shalt  }
0x55: {  	_ =	shalt  }
0x56: {  	_ =	shalt  }
0x57: {  	_ =	shalt  }
0x58: {  	_ =	shalt  }
0x59: {  	_ =	shalt  }
0x5a: {  	_ =	shalt  }
0x5b: {  	_ =	shalt  }
0x5c: {  	_ =	shalt  }
0x5d: {  	_ =	shalt  }
0x5e: {  	_ =	shalt  }
0x5f: {  	_ =	shalt  }
0x60: {  	_ =	shalt  }
0x61: {  	_ =	shalt  }
0x62: {  	_ =	shalt  }
0x63: {  	_ =	shalt  }
0x64: {  	_ =	shalt  }
0x65: {  	_ =	shalt  }
0x66: {  	_ =	shalt  }
0x67: {  	_ =	shalt  }
0x68: {  	_ =	shalt  }
0x69: {  	_ =	shalt  }
0x6a: {  	_ =	shalt  }
0x6b: {  	_ =	shalt  }
0x6c: {  	_ =	shalt  }
0x6d: {  	_ =	shalt  }
0x6e: {  	_ =	shalt  }
0x6f: {  	_ =	shalt  }
0x70: {  	_ =	shalt  }
0x71: {  	_ =	shalt  }
0x72: {  	_ =	shalt  }
0x73: {  	_ =	shalt  }
0x74: {  	_ =	shalt  }
0x75: {  	_ =	shalt  }
0x76: {  	_ =	shalt  }
0x77: {  	_ =	shalt  }
0x78: {  	_ =	shalt  }
0x79: {  	_ =	shalt  }
0x7a: {  	_ =	shalt  }
0x7b: {  	_ =	shalt  }
0x7c: {  	_ =	shalt  }
0x7d: {  	_ =	shalt  }
0x7e: {  	_ =	shalt  }
0x7f: {  	_ =	shalt  }
0x80: {  	_ =	shalt  }
0x81: {  	_ =	shalt  }
0x82: {  	_ =	shalt  }
0x83: {  	_ =	shalt  }
0x84: {  	_ =	shalt  }
0x85: {  	_ =	shalt  }
0x86: {  	_ =	shalt  }
0x87: {  	_ =	shalt  }
.Lfunc_end0:
.L_simem_size_0:
called_computation.1_lowered:
.L_overlay_start_0:
0x88: {  	s2 =	sld [smem:$0x3FD9]  }
0x89: {  	s3 =	sld [smem:$0x3FFE];
	_ =	sdelay $0x1  }
0x8a: {  	s1 =	srdreg.scid  }
0x8b: {  	s0 =	sand.u32 $0x1, s1  }
0x8c: {  	s16 =	sshll.u32 s0, $0xA;
	s2 =	sadd.s32 s3, s2  }
0x8d: {  	s2 =	sadd.s32 s2, s16  }
0x8e: {  	[smem:$0x3FC1] =	sst s2  }
0x8f: {  	_ = 	snop  }
0x90: {  	(tm) =	ssettm $0x1  }
0x91: {  	s17 =	sld [smem:$0x3FFB];
	_ =	sdelay $0x3  }
0x92: {  	_ =	strace s17  }
0x93: {  	s2 =	sld [smem:$0x3FFC];
	_ =	sdelay $0x3  }
0x94: {  	_ =	strace s2  }
0x95: {  	s2 =	sld [smem:$0x3FFD];
	_ =	sdelay $0x3  }
0x96: {  	_ =	strace s2  }
0x97: {  	_ =	strace $0x8FFFFFFF  }
0x98: {  	s18 =	sld [smem:$0x3FDB];
	_ =	sdelay $0x1  }
0x99: {  	s19 =	simm.s32 $_scs_section_size  }
0x9a: {  	s4 =	simm.s32 $_size__tile_overlayer_lowered;
	s5 =	simm.s32 $_tile_overlayer_lowered  }
0x9b: {  	s22 =	simm.s32 $0x1BFF;
	s21 =	sshll.u32 s5, $0x1;
	s2 =	sadd.s32 s19, s18  }
0x9c: {  	s6 =	simm.s32 $0x0;
	s20 =	sshll.u32 s4, $0x1;
	s4 =	sadd.s32 s21, s2  }
0x9d: {  	[timem:s6], [sflag:s22] =	dma.local [hbm:s4], s20  }
0x9e: {  	_ =	swait.ge [sflag:s22], s20  }
0x9f: {  	s3 =	ssub.s32 $0x0, s20;
	[sflag:s22] =	ssyncset.done $0x0  }
0xa0: {  	[sflag:s22] =	ssyncadd.s32 s3;
	_ =	sdelay $0x1  }
0xa1: {  	s23 =	simm.s32 $0x1B8B  }
0xa2: {  	_ =	swait.ge [sflag:s23], $0x1  }
0xa3: {  	[sflag:s23] =	ssyncset.done $0x0  }
0xa4: {  	s25 =	simm.s32 $0x1B8E;
	s24 =	sld [smem:$0x3FFE];
	[sflag:s23] =	ssyncadd.s32 $0xFFFFFFFF  }
0xa5: {  	s26 =	simm.s32 $execute0_lowered;
	[smem:$0x3FD2] =	sst s25  }
0xa6: {  	s4 =	sshll.u32 s26, $0x1;
	_ =	strace $0x80000049;
	[dreg:$0x1] =	wrdreg $0xFFFFFFFF  }
0xa7: {  	s28 =	simm.s32 $_size_execute0_lowered;
	s2 =	sadd.s32 s2, s4;
	[dreg:$0x0] =	wrdreg $0x0  }
0xa8: {  	s4 =	sshll.u32 s28, $0x1;
	[dreg:$0x2] =	wrdreg s2  }
0xa9: {  	[dreg:$0x3] =	wrdreg s4  }
0xaa: {  	[dreg:$0x4] =	wrdreg $0xC0  }
0xab: {  	_ =	task [dreg:s6], $0x5FFFF  }
0xac: {  	[dreg:$0x1] =	wrdreg $0xFFFFFFFF  }
0xad: {  	[dreg:$0x0] =	wrdreg $0x60  }
0xae: {  	[dreg:$0x2] =	wrdreg s24  }
0xaf: {  	[dreg:$0x3] =	wrdreg $0x9E200  }
0xb0: {  	[dreg:$0x4] =	wrdreg $0x9  }
0xb1: {  	_ =	task.clear_ibuf [dreg:s6], $0x5FFFF;
	_ =	strace $0x90000049  }
0xb2: {  	s29 =	simm.s32 $0x9;
	_ =	strace $0x8000004B  }
0xb3: {  	_ =	swait.ge [sflag:s29], $0x1  }
0xb4: {  	[sflag:s29] =	ssyncadd.s32 $0xFFFFFFFF  }
0xb5: {  	_ =	strace $0x9000004B  }
0xb6: {  	_ =	sfence  }
0xb7: {  	s30 =	sld [smem:$0x0];
	_ =	sdelay $0x2  }
0xb8: {  	s31 =	sshll.u32 s1, $0xD;
	s1 =	sshrl.u32 s1, $0x2  }
0xb9: {  	s3 =	sand.u32 $0x4000, s31;
	s1 =	sadd.s32 s1, s30  }
0xba: {  	s0 =	sor.u32 s3, s0;
	s1 =	sshll.u32 s1, $0x11  }
0xbb: {  	s0 =	sor.u32 s1, s0  }
0xbc: {  	s0 =	sadd.s32 $0x8F2B, s0  }
0xbd: {  	[sflag:s0] =	ssyncadd.remote.s32 $0x1  }
0xbe: {  	_ =	sfence.sel $0xFFFF  }
0xbf: {  	[dreg:$0x0] =	wrdreg $0xFFFFFFFF;
	(pc) =	sbr.abs _section_cstart, $3  }
0xc0: {  	[dreg:$0x1] =	wrdreg $0xFFFFFFFF  }
0xc1: {  	_ =	task.clear_ibuf [dreg:s6], $0x2FFFF;
	_ =	strace $0x9FFFFFFF  }
0xc2: {  	(tm) =	ssettm $0x7FFFFFFF  }
0xc3: {  	_ =	shalt  }
tec
execute0_lowered:
.L_overlay_start_1:
0x0: {  	(tag) =	ssettag $0x1  }
0x1: {  	s0 =	srdreg.scid;
	s5 =	rddreg [dreg:$0x0]  }
0x2: {  	s7 =	stileid.u32;
	s2 =	rddreg [dreg:$0x1];
	s3 =	simm.s32 $0x0  }
0x3: {  	s17 =	simm.s32 $0x5;
	s19 =	simm.s32 $0x4E20;
	s20 =	simm.s32 $0x50  }
0x4: {  	s21 =	simm.s32 $0x7620;
	s22 =	simm.s32 $0x1;
	s23 =	simm.s32 $0x2  }
0x5: {  	s24 =	simm.s32 $0x3;
	s29 =	simm.s32 $0x4D80;
	s30 =	simm.s32 $0x26C0  }
0x6: {  	s31 =	simm.s32 $0x4DD0;
	s0 =	sand.u32 $0x1, s0;
	s9 =	smul.u32 $0x14000, s7  }
0x7: {  	s1 =	sshll.u32 s7, $0x1;
	[smem:$0x7FF] =	sst s3;
	s7 =	smul.u32 $0x50000, s7  }
0x8: {  	s4 =	sadd.s32 $0x16200, s5;
	s1 =	sor.u32 s0, s1;
	s6 =	smul.u32 $0x140000, s0  }
0x9: {  	_ =	strace $0x8000004A;
	s0 =	ssub.s32 $0x2, s0;
	s1 =	smul.u32 $0x2710, s1  }
0xa: {  	s26 =	sshrl.u32 s0, $0x1;
	s10 =	sshrl.u32 s7, $0x2;
	s28 =	sadd.s32 s9, s2  }
0xb: {  	s6 =	sadd.s32 s9, s6;
	s0 =	ssub.s32 s0, s26;
	s25 =	sshrl.u32 s28, $0x3  }
0xc: {  	s26 =	simm.s32 $0x4;
	s1 =	sshrl.u32 s1, $0x3;
	s6 =	sshrl.u32 s6, $0x3  }
0xd: {  	s9 =	smax.u32 s0, $0x1;
	s1 =	sadd.s32 s1, s5;
	s8 =	sadd.s32 s6, s5  }
0xe: {  	s5 =	sadd.s32 $0x2800, s1;
	s7 =	sadd.s32 $0x64600, s8;
	s8 =	sadd.s32 s10, s2  }
0xf: {  	s6 =	sadd.s32 $0xC440, s1;
	s1 =	simm.s32 $0x0;
	s10 =	sadd.s32 $0x2800, s8  }
0x10: {  	s11 =	sadd.s32 $0x5000, s8;
	s12 =	sadd.s32 $0x7800, s8;
	s13 =	sadd.s32 $0xA000, s8  }
0x11: {  	v0 =	vimm.f32 $0.0e+00;
	s14 =	sadd.s32 $0xC800, s8;
	s15 =	sadd.s32 $0xF000, s8;
	s16 =	sadd.s32 $0x11800, s8  }
.LBB2_1:
0x12: {  	[tilespmem:s3], [sflag:$0x5] =	stream.linear.gather [hbm4b:s5+s3], $0x2710, $0x38;
	[tilespmem:$0x1DE20] =	vst v63  }
0x13: {  	_ =	swait.ge [sflag:s17], $0x2710  }
0x14: {  	[sflag:s17] =	ssyncset.done $0x0  }
0x15: {  	s0 =	simm.s32 $0x2710;
	[sflag:s17] =	ssyncadd.s32 $0xFFFFD8F0  }
0x16: {  	[tilespmem:s0], [sflag:$0x5] =	stream.linear.gather [hbm4b:s6+s3], $0x2710, $0x38;
	[tilespmem:$0x1DE20] =	vst v63  }
0x17: {  	_ =	swait.ge [sflag:s17], $0x2710  }
0x18: {  	[sflag:s17] =	ssyncset.done $0x0  }
0x19: {  	s18 =	simm.s32 $0x200;
	s0 =	simm.s32 $0x0;
	[sflag:s17] =	ssyncadd.s32 $0xFFFFD8F0  }
.LBB2_2:
0x1a: {  	p0 =	sne.s32 s18, $0x9E00;
	[tilespmem:s0+$0x4E90] =	vst v0  }
0x1b: {  	[tilespmem:s0+$0x4E20] =	vst v0  }
0x1c: {  	[tilespmem:s0+$0x4E30] =	vst v0  }
.Ltmp0:
0x1d: {  	[tilespmem:s0+$0x4E40] =	vst v0;
	(pc) =	sbr.rel @p0 .LBB2_2-.Ltmp0, $4  }
0x1e: {  	[tilespmem:s0+$0x4E50] =	vst v0  }
0x1f: {  	[tilespmem:s0+$0x4E60] =	vst v0  }
0x20: {  	[tilespmem:s0+$0x4E70] =	vst v0  }
0x21: {  	[tilespmem:s0+$0x4E80] =	vst v0;
	s0 =	sshra.s32 s18, $0x2;
	s18 =	sadd.s32 $0x200, s18  }
0x22: {  	[tilespmem:s0+$0x4E90] =	vst v0  }
0x23: {  	[tilespmem:s0+$0x4E20] =	vst v0  }
0x24: {  	[tilespmem:s0+$0x4E30] =	vst v0  }
0x25: {  	[tilespmem:s0+$0x4E40] =	vst v0  }
0x26: {  	[tilespmem:s0+$0x4E50] =	vst v0  }
0x27: {  	[tilespmem:s0+$0x4E60] =	vst v0  }
0x28: {  	[tilespmem:s0+$0x4E70] =	vst v0  }
0x29: {  	[tilespmem:s0+$0x4E80] =	vst v0  }
0x2a: {  	[spmem:s8] =	stream.linear.scatter [tilespmem:s19], [sflag:$0x5], $0x2800, $0x38;
	[tilespmem:$0x1DE20] =	vst v63  }
0x2b: {  	_ =	swait.ge [sflag:s17], $0x2800  }
0x2c: {  	[sflag:s17] =	ssyncset.done $0x0  }
0x2d: {  	[sflag:s17] =	ssyncadd.s32 $0xFFFFD800  }
0x2e: {  	[spmem:s10] =	stream.linear.scatter [tilespmem:s19], [sflag:$0x5], $0x2800, $0x38;
	[tilespmem:$0x1DE20] =	vst v63  }
0x2f: {  	_ =	swait.ge [sflag:s17], $0x2800  }
0x30: {  	[sflag:s17] =	ssyncset.done $0x0  }
0x31: {  	[sflag:s17] =	ssyncadd.s32 $0xFFFFD800  }
0x32: {  	[spmem:s11] =	stream.linear.scatter [tilespmem:s19], [sflag:$0x5], $0x2800, $0x38;
	[tilespmem:$0x1DE20] =	vst v63  }
0x33: {  	_ =	swait.ge [sflag:s17], $0x2800  }
0x34: {  	[sflag:s17] =	ssyncset.done $0x0  }
0x35: {  	[sflag:s17] =	ssyncadd.s32 $0xFFFFD800  }
0x36: {  	[spmem:s12] =	stream.linear.scatter [tilespmem:s19], [sflag:$0x5], $0x2800, $0x38;
	[tilespmem:$0x1DE20] =	vst v63  }
0x37: {  	_ =	swait.ge [sflag:s17], $0x2800  }
0x38: {  	[sflag:s17] =	ssyncset.done $0x0  }
0x39: {  	[sflag:s17] =	ssyncadd.s32 $0xFFFFD800  }
0x3a: {  	[spmem:s13] =	stream.linear.scatter [tilespmem:s19], [sflag:$0x5], $0x2800, $0x38;
	[tilespmem:$0x1DE20] =	vst v63  }
0x3b: {  	_ =	swait.ge [sflag:s17], $0x2800  }
0x3c: {  	[sflag:s17] =	ssyncset.done $0x0  }
0x3d: {  	[sflag:s17] =	ssyncadd.s32 $0xFFFFD800  }
0x3e: {  	[spmem:s14] =	stream.linear.scatter [tilespmem:s19], [sflag:$0x5], $0x2800, $0x38;
	[tilespmem:$0x1DE20] =	vst v63  }
0x3f: {  	_ =	swait.ge [sflag:s17], $0x2800  }
0x40: {  	[sflag:s17] =	ssyncset.done $0x0  }
0x41: {  	[sflag:s17] =	ssyncadd.s32 $0xFFFFD800  }
0x42: {  	[spmem:s15] =	stream.linear.scatter [tilespmem:s19], [sflag:$0x5], $0x2800, $0x38;
	[tilespmem:$0x1DE20] =	vst v63  }
0x43: {  	_ =	swait.ge [sflag:s17], $0x2800  }
0x44: {  	[sflag:s17] =	ssyncset.done $0x0  }
0x45: {  	[sflag:s17] =	ssyncadd.s32 $0xFFFFD800  }
0x46: {  	[spmem:s16] =	stream.linear.scatter [tilespmem:s19], [sflag:$0x5], $0x2800, $0x38;
	[tilespmem:$0x1DE20] =	vst v63  }
0x47: {  	_ =	swait.ge [sflag:s17], $0x2800  }
0x48: {  	[sflag:s17] =	ssyncset.done $0x0  }
0x49: {  	[sflag:s17] =	ssyncadd.s32 $0xFFFFD800  }
0x4a: {  	s18 =	simm.s32 $0x0;
	[bflag:$0x0] =	sbarrier.arrive $0xFFFF  }
0x4b: {  	[tilespmem:s19], [sflag:$0x1] =	stream.indirect.gather [hbm4b:s4+s20], $0x80, s18, s20, $0xb8;
	[tilespmem:$0x1DE20] =	vst v63  }
0x4c: {  	_ = 	snop  }
0x4d: {  	[tilespmem:s21], [sflag:$0x2] =	stream.indirect.gather [hbm4b:s4+s20], $0x80, s20, s20, $0xb8;
	[tilespmem:$0x1DE20] =	vst v63  }
0x4e: {  	_ =	swait.ge [sflag:s22], $0x2800  }
0x4f: {  	[sflag:s22] =	ssyncset.done $0x0  }
0x50: {  	s28 =	simm.s32 $0x2710;
	[sflag:s22] =	ssyncadd.s32 $0xFFFFD800  }
0x51: {  	[spmem:s2] =	stream.indirect.scatter.add.f32 [tilespmem:s19], [sflag:$0x3], $0x80, s28, s20, $0xb8;
	[tilespmem:$0x1DE20] =	vst v63  }
0x52: {  	_ =	swait.ge [sflag:s23], $0x2800  }
0x53: {  	[sflag:s23] =	ssyncset.done $0x0  }
0x54: {  	s18 =	simm.s32 $0x2760;
	[sflag:s23] =	ssyncadd.s32 $0xFFFFD800  }
0x55: {  	[spmem:s2] =	stream.indirect.scatter.add.f32 [tilespmem:s21], [sflag:$0x4], $0x80, s18, s20, $0xb8;
	[tilespmem:$0x1DE20] =	vst v63  }
0x56: {  	_ =	swait.ge [sflag:s24], $0x2800  }
0x57: {  	[sflag:s24] =	ssyncset.done $0x0  }
0x58: {  	s28 =	simm.s32 $0xA0;
	[sflag:s24] =	ssyncadd.s32 $0xFFFFD800  }
0x59: {  	[tilespmem:s19], [sflag:$0x1] =	stream.indirect.gather [hbm4b:s4+s20], $0x80, s28, s20, $0xb8;
	[tilespmem:$0x1DE20] =	vst v63  }
0x5a: {  	_ =	swait.ge [sflag:s26], $0x2800  }
0x5b: {  	[sflag:s26] =	ssyncset.done $0x0  }
0x5c: {  	s0 =	simm.s32 $0x280;
	s18 =	simm.s32 $0xF0;
	[sflag:s26] =	ssyncadd.s32 $0xFFFFD800  }
.LBB2_4:
0x5d: {  	[tilespmem:s21], [sflag:$0x2] =	stream.indirect.gather [hbm4b:s4+s20], $0x80, s18, s20, $0xb8;
	[tilespmem:$0x1DE20] =	vst v63  }
0x5e: {  	s18 =	smov.u32 s0  }
0x5f: {  	p0 =	sne.s32 s0, $0x9600;
	s0 =	sadd.s32 $0x280, s0;
	_ =	swait.ge [sflag:s22], $0x2800  }
0x60: {  	s18 =	sshra.s32 s18, $0x2;
	[sflag:s22] =	ssyncset.done $0x0  }
0x61: {  	s28 =	sadd.s32 $0x2710, s18;
	[sflag:s22] =	ssyncadd.s32 $0xFFFFD800  }
0x62: {  	[spmem:s2] =	stream.indirect.scatter.add.f32 [tilespmem:s19], [sflag:$0x3], $0x80, s28, s20, $0xb8;
	[tilespmem:$0x1DE20] =	vst v63  }
0x63: {  	_ =	swait.ge [sflag:s23], $0x2800  }
0x64: {  	[sflag:s23] =	ssyncset.done $0x0  }
0x65: {  	s28 =	sadd.s32 $0x2760, s18;
	[sflag:s23] =	ssyncadd.s32 $0xFFFFD800  }
0x66: {  	[spmem:s2] =	stream.indirect.scatter.add.f32 [tilespmem:s21], [sflag:$0x4], $0x80, s28, s20, $0xb8;
	[tilespmem:$0x1DE20] =	vst v63  }
0x67: {  	_ =	swait.ge [sflag:s24], $0x2800  }
0x68: {  	[sflag:s24] =	ssyncset.done $0x0  }
.Ltmp1:
0x69: {  	s28 =	sadd.s32 $0xA0, s18;
	[sflag:s24] =	ssyncadd.s32 $0xFFFFD800;
	(pc) =	sbr.rel @p0 .LBB2_4-.Ltmp1, $4  }
0x6a: {  	[tilespmem:s19], [sflag:$0x1] =	stream.indirect.gather [hbm4b:s4+s20], $0x80, s28, s20, $0xb8;
	[tilespmem:$0x1DE20] =	vst v63  }
0x6b: {  	_ =	swait.ge [sflag:s26], $0x2800  }
0x6c: {  	[sflag:s26] =	ssyncset.done $0x0  }
0x6d: {  	s18 =	sadd.s32 $0xF0, s18;
	[sflag:s26] =	ssyncadd.s32 $0xFFFFD800  }
0x6e: {  	[tilespmem:s21], [sflag:$0x2] =	stream.indirect.gather [hbm4b:s4+s20], $0x80, s18, s20, $0xb8;
	[tilespmem:$0x1DE20] =	vst v63  }
0x6f: {  	_ =	swait.ge [sflag:s22], $0x2800  }
0x70: {  	[sflag:s22] =	ssyncset.done $0x0  }
0x71: {  	s0 =	simm.s32 $0x4D30;
	[sflag:s22] =	ssyncadd.s32 $0xFFFFD800  }
0x72: {  	[spmem:s2] =	stream.indirect.scatter.add.f32 [tilespmem:s19], [sflag:$0x3], $0x80, s0, s20, $0xb8;
	[tilespmem:$0x1DE20] =	vst v63  }
0x73: {  	_ =	swait.ge [sflag:s23], $0x2800  }
0x74: {  	[sflag:s23] =	ssyncset.done $0x0  }
0x75: {  	[sflag:s23] =	ssyncadd.s32 $0xFFFFD800  }
0x76: {  	[spmem:s2] =	stream.indirect.scatter.add.f32 [tilespmem:s21], [sflag:$0x4], $0x80, s29, s20, $0xb8;
	[tilespmem:$0x1DE20] =	vst v63  }
0x77: {  	_ =	swait.ge [sflag:s24], $0x2800  }
0x78: {  	[sflag:s24] =	ssyncset.done $0x0  }
0x79: {  	[sflag:s24] =	ssyncadd.s32 $0xFFFFD800  }
0x7a: {  	[tilespmem:s19], [sflag:$0x1] =	stream.indirect.gather [hbm4b:s4+s20], $0x80, s30, s20, $0xb8;
	[tilespmem:$0x1DE20] =	vst v63  }
0x7b: {  	_ =	swait.ge [sflag:s22], $0x2800  }
0x7c: {  	[sflag:s22] =	ssyncset.done $0x0  }
0x7d: {  	[sflag:s22] =	ssyncadd.s32 $0xFFFFD800  }
0x7e: {  	[spmem:s2] =	stream.indirect.scatter.add.f32 [tilespmem:s19], [sflag:$0x3], $0x80, s31, s20, $0xb8;
	[tilespmem:$0x1DE20] =	vst v63  }
0x7f: {  	_ =	swait.ge [sflag:s26], $0x2800  }
0x80: {  	[sflag:s26] =	ssyncset.done $0x0  }
0x81: {  	[sflag:s26] =	ssyncadd.s32 $0xFFFFD800  }
0x82: {  	_ =	swait.ge [sflag:s24], $0x2800  }
0x83: {  	s28 =	stileid.u32;
	s1 =	sadd.s32 $0x1, s1;
	[sflag:s24] =	ssyncset.done $0x0  }
0x84: {  	p0 =	sne.s32 s1, s9;
	s0 =	sshll.u32 s28, $0x6;
	[sflag:s24] =	ssyncadd.s32 $0xFFFFD800  }
.Ltmp2:
0x85: {  	s0 =	sor.u32 $0x1C05, s0;
	[bflag:$0x0] =	sbarrier.arrive $0xFFFF;
	(pc) =	sbr.rel @p0 .LBB2_1-.Ltmp2, $4  }
0x86: {  	[hbm:s7], [sflag:s0] =	dma.local [spmem:s25], $0x2800  }
0x87: {  	_ =	swait.ge [sflag:s17], $0x2800  }
0x88: {  	[sflag:s17] =	ssyncset.done $0x0  }
0x89: {  	[sflag:s17] =	ssyncadd.s32 $0xFFFFD800  }
0x8a: {  	_ =	sfence.sel $0x180000  }
0x8b: {  	[bflag:$0x0] =	sbarrier.arrive $0xFFFF  }
0x8c: {  	_ =	strace $0x9000004A  }
0x8d: {  	s0 =	stileid.u32;
	[bflag:$0x2] =	sbarrier.arrive $0xFFFF  }
0x8e: {  	p0 =	sne.s32 s0, $0x0;
	s0 =	rddreg [dreg:$0x2]  }
0x8f: {  	s0 =	sadd.s32 @!p0 $0x100000, s0  }
0x90: {  	[sflag:s0] =	ssyncadd.tile.s32 @!p0 $0x1;
	_ =	shalt  }
.Lfunc_end2:
_tile_overlayer_lowered:
.L_overlay_start_2:
0x91: {  	(tag) =	ssettag $0x2  }
0x92: {  	s0 =	rddreg [dreg:$0x0];
	s2 =	stileid.u32  }
0x93: {  	s1 =	rddreg [dreg:$0x1];
	p0 =	sne.s32 s2, $0x0  }
0x94: {  	s3 =	rddreg [dreg:$0x2];
	[bflag:$0x3] =	sbarrier.arrive $0xFFFF;
	s2 =	simm.s32 @!p0 $0x1C05  }
0x95: {  	[timem:s3], [sflag:s2] =	dma.local @!p0 [hbm:s0], s1  }
0x96: {  	s0 =	simm.s32 @!p0 $0x5  }
0x97: {  	_ =	swait.ge @!p0 [sflag:s0], s1  }
0x98: {  	s1 =	ssub.s32 @!p0 $0x0, s1;
	[sflag:s0] =	ssyncset.done @!p0 $0x0  }
0x99: {  	[sflag:s0] =	ssyncadd.s32 @!p0 s1  }
0x9a: {  	[bflag:$0x3] =	sbarrier.arrive $0xFFFF  }
0x9b: {  	_ =	shalt  }

// kernel: kernel.16.cloned.1.call-start
scs
__scs_entry_jumppad:
0x0: {  	(pc) =	sbr.rel $0x88, $3  }
0x1: {  	(tag) =	ssettag $0x0;
	lr =	simm.s32 $0x1  }
0x2: {  	[smem:$0x3F9A] =	sst lr;
	_ =	strace $0xD0000000  }
0x3: {  	_ = 	snop  }
0x4: {  	_ = 	snop  }
0x5: {  	_ = 	snop  }
0x6: {  	_ = 	snop  }
0x7: {  	_ = 	snop  }
__scs_overlays_trampoline_lowered:
0x8: {  	[smem:$0x3FA9] =	sst s0  }
0x9: {  	[smem:$0x3FAA] =	sst s1  }
0xa: {  	[smem:$0x3FAB] =	sst s2  }
0xb: {  	[smem:$0x3FAC] =	sst s3  }
0xc: {  	[smem:$0x3FAD] =	sst s4  }
0xd: {  	[smem:$0x3FAE] =	sst s5  }
0xe: {  	[smem:$0x3FAF] =	sst s6  }
0xf: {  	[smem:$0x3FB0] =	sst s7  }
0x10: {  	[smem:$0x3FB1] =	sst s8  }
0x11: {  	[smem:$0x3FB2] =	sst s9;
	s0 =	simm.s32 @!p0 $0x0  }
0x12: {  	s1 =	sld [smem:$0x3F98];
	s0 =	simm.s32 @p0 $0x1  }
0x13: {  	[smem:$0x3FB3] =	sst s0;
	s0 =	simm.s32 @!p1 $0x0  }
0x14: {  	s2 =	sld [smem:$0x3F97];
	s0 =	simm.s32 @p1 $0x1  }
0x15: {  	[smem:$0x3FB4] =	sst s0;
	s0 =	simm.s32 @!p2 $0x0  }
0x16: {  	s3 =	sld [smem:$0x3FDB];
	s0 =	simm.s32 @p2 $0x1  }
0x17: {  	s4 =	simm.s32 $0x1BF5;
	[smem:$0x3FB6] =	sst s0  }
0x18: {  	s0 =	sld [smem:$0x3F99];
	_ =	swait.ge [sflag:s4], $0x0  }
0x19: {  	s7 =	sld [smem:$0x3F9A]  }
0x1a: {  	s8 =	sadd.s32 $0xFFFFE003, lr  }
0x1b: {  	s9 =	sadd.s32 $0xFFFFFEF7, lr;
	s5 =	simm.s32 $0xFFFFFFFF;
	p2 =	slt.u32 s8, $0xFFFFF086  }
0x1c: {  	p1 =	slt.u32 s9, $0xF7A;
	s5 =	simm.s32 @!p2 $0x0  }
0x1d: {  	s5 =	simm.s32 @p1 $0x1;
	p0 =	seq.s32 s7, s2  }
0x1e: {  	s7 =	smul.u32 @!p0 $0xF7A, s2;
	p2 =	seq.s32 @!p0 s5, $0x0  }
0x1f: {  	s9 =	smul.u32 $0xF7A, s1;
	s8 =	simm.s32 @!p0 $0x1BF5;
	p2 =	por !p2, p0  }
0x20: {  	[sflag:s8] =	ssyncset.s32 @!p0 $0xFFFFF086;
	s6 =	sadd.s32 @!p0 s3, s7;
	s7 =	simm.s32 @!p0 $0x108  }
0x21: {  	s3 =	sadd.s32 s3, s9;
	s6 =	sadd.s32 @!p0 $0x88, s6;
	s7 =	simm.s32 @p2 $0x1082  }
0x22: {  	[simem:s7], [sflag:s8] =	dma.local @!p0 [hbm:s6], $0xF7A  }
0x23: {  	s9 =	sor.u32 $0xD0000000, s2;
	s6 =	simm.s32 $0x108;
	_ =	swait.ge @!p0 [sflag:s8], $0x0  }
0x24: {  	s3 =	sadd.s32 $0x88, s3;
	s6 =	simm.s32 @!p1 $0x1082;
	[sflag:s4] =	ssyncset.s32 $0xFFFFF086  }
0x25: {  	[simem:s6], [sflag:s4] =	dma.local [hbm:s3], $0xF7A  }
0x26: {  	[smem:$0x3F9A] =	sst s1;
	(tag) =	ssettag s2;
	_ =	strace s9  }
0x27: {  	s1 =	sld [smem:$0x3FAA]  }
0x28: {  	s2 =	sld [smem:$0x3FAB]  }
0x29: {  	s4 =	sld [smem:$0x3FAD]  }
0x2a: {  	p0 =	seq.s32 s5, $0x0;
	s5 =	sld [smem:$0x3FAE]  }
0x2b: {  	s6 =	sld [smem:$0x3FAF]  }
0x2c: {  	s7 =	sld [smem:$0x3FB0]  }
0x2d: {  	s3 =	simm.s32 $0x108;
	s8 =	sld [smem:$0x3FB1]  }
0x2e: {  	s3 =	simm.s32 @!p0 $0x1082;
	s9 =	sld [smem:$0x3FB2]  }
0x2f: {  	lr =	sadd.s32 s0, s3;
	s0 =	sld [smem:$0x3FA9]  }
0x30: {  	s3 =	sld [smem:$0x3FAC]  }
0x31: {  	[smem:$0x3FB5] =	sst s10  }
0x32: {  	s10 =	sld [smem:$0x3FB3];
	_ =	sdelay $0x3  }
0x33: {  	p0 =	seq.s32 s10, $0x1;
	s10 =	sld [smem:$0x3FB5];
	_ =	sdelay $0x3  }
0x34: {  	[smem:$0x3FB5] =	sst s10  }
0x35: {  	s10 =	sld [smem:$0x3FB4];
	_ =	sdelay $0x3  }
0x36: {  	p1 =	seq.s32 s10, $0x1;
	s10 =	sld [smem:$0x3FB5];
	_ =	sdelay $0x3  }
0x37: {  	[smem:$0x3FB5] =	sst s10  }
0x38: {  	s10 =	sld [smem:$0x3FB6]  }
0x39: {  	_ = 	snop;
	(pc) =	sbr.ind lr, $3  }
0x3a: {  	_ = 	snop  }
0x3b: {  	_ = 	snop  }
0x3c: {  	p2 =	seq.s32 s10, $0x1;
	s10 =	sld [smem:$0x3FB5]  }
0x3d: {  	_ =	shalt  }
0x3e: {  	_ =	shalt  }
0x3f: {  	_ =	shalt  }
0x40: {  	_ =	shalt  }
0x41: {  	_ =	shalt  }
0x42: {  	_ =	shalt  }
0x43: {  	_ =	shalt  }
0x44: {  	_ =	shalt  }
0x45: {  	_ =	shalt  }
0x46: {  	_ =	shalt  }
0x47: {  	_ =	shalt  }
0x48: {  	_ =	shalt  }
0x49: {  	_ =	shalt  }
0x4a: {  	_ =	shalt  }
0x4b: {  	_ =	shalt  }
0x4c: {  	_ =	shalt  }
0x4d: {  	_ =	shalt  }
0x4e: {  	_ =	shalt  }
0x4f: {  	_ =	shalt  }
0x50: {  	_ =	shalt  }
0x51: {  	_ =	shalt  }
0x52: {  	_ =	shalt  }
0x53: {  	_ =	shalt  }
0x54: {  	_ =	shalt  }
0x55: {  	_ =	shalt  }
0x56: {  	_ =	shalt  }
0x57: {  	_ =	shalt  }
0x58: {  	_ =	shalt  }
0x59: {  	_ =	shalt  }
0x5a: {  	_ =	shalt  }
0x5b: {  	_ =	shalt  }
0x5c: {  	_ =	shalt  }
0x5d: {  	_ =	shalt  }
0x5e: {  	_ =	shalt  }
0x5f: {  	_ =	shalt  }
0x60: {  	_ =	shalt  }
0x61: {  	_ =	shalt  }
0x62: {  	_ =	shalt  }
0x63: {  	_ =	shalt  }
0x64: {  	_ =	shalt  }
0x65: {  	_ =	shalt  }
0x66: {  	_ =	shalt  }
0x67: {  	_ =	shalt  }
0x68: {  	_ =	shalt  }
0x69: {  	_ =	shalt  }
0x6a: {  	_ =	shalt  }
0x6b: {  	_ =	shalt  }
0x6c: {  	_ =	shalt  }
0x6d: {  	_ =	shalt  }
0x6e: {  	_ =	shalt  }
0x6f: {  	_ =	shalt  }
0x70: {  	_ =	shalt  }
0x71: {  	_ =	shalt  }
0x72: {  	_ =	shalt  }
0x73: {  	_ =	shalt  }
0x74: {  	_ =	shalt  }
0x75: {  	_ =	shalt  }
0x76: {  	_ =	shalt  }
0x77: {  	_ =	shalt  }
0x78: {  	_ =	shalt  }
0x79: {  	_ =	shalt  }
0x7a: {  	_ =	shalt  }
0x7b: {  	_ =	shalt  }
0x7c: {  	_ =	shalt  }
0x7d: {  	_ =	shalt  }
0x7e: {  	_ =	shalt  }
0x7f: {  	_ =	shalt  }
0x80: {  	_ =	shalt  }
0x81: {  	_ =	shalt  }
0x82: {  	_ =	shalt  }
0x83: {  	_ =	shalt  }
0x84: {  	_ =	shalt  }
0x85: {  	_ =	shalt  }
0x86: {  	_ =	shalt  }
0x87: {  	_ =	shalt  }
.Lfunc_end0:
.L_simem_size_0:
called_computation.2_lowered:
.L_overlay_start_0:
0x88: {  	s2 =	sld [smem:$0x3FD9]  }
0x89: {  	s3 =	sld [smem:$0x3FFE];
	_ =	sdelay $0x1  }
0x8a: {  	s1 =	srdreg.scid  }
0x8b: {  	s0 =	sand.u32 $0x1, s1  }
0x8c: {  	s14 =	sshll.u32 s0, $0xA;
	s2 =	sadd.s32 s3, s2  }
0x8d: {  	s2 =	sadd.s32 s2, s14  }
0x8e: {  	[smem:$0x3FC1] =	sst s2  }
0x8f: {  	_ = 	snop  }
0x90: {  	s2 =	sld [smem:$0x3FD0];
	_ =	sdelay $0x2  }
0x91: {  	s15 =	simm.s32 $0xA;
	s4 =	simm.s32 $0x10  }
0x92: {  	[smem:s4], [sflag:s15] =	dma.local [hbm:s2], $0x1  }
0x93: {  	_ =	swait.eq [sflag:s15], $0x1  }
0x94: {  	[sflag:s15] =	ssyncset.done $0x0  }
0x95: {  	[sflag:s15] =	ssyncadd.s32 $0xFFFFFFFF  }
0x96: {  	s16 =	sld [smem:$0x11];
	(tm) =	ssettm $0x1  }
0x97: {  	s17 =	sld [smem:$0x3FFB];
	_ =	sdelay $0x3  }
0x98: {  	_ =	strace s17  }
0x99: {  	s3 =	sld [smem:$0x3FFC];
	_ =	sdelay $0x3  }
0x9a: {  	_ =	strace s3  }
0x9b: {  	s3 =	sld [smem:$0x3FFD];
	_ =	sdelay $0x3  }
0x9c: {  	_ =	strace s3  }
0x9d: {  	_ =	strace $0x8FFFFFFF  }
0x9e: {  	s18 =	sld [smem:$0x3FDB];
	_ =	sdelay $0x1  }
0x9f: {  	s19 =	simm.s32 $_scs_section_size  }
0xa0: {  	s5 =	simm.s32 $_size__tile_overlayer_lowered;
	s6 =	simm.s32 $_tile_overlayer_lowered  }
0xa1: {  	s22 =	simm.s32 $0x1BFF;
	s21 =	sshll.u32 s6, $0x1;
	s3 =	sadd.s32 s19, s18  }
0xa2: {  	s7 =	simm.s32 $0x0;
	s20 =	sshll.u32 s5, $0x1;
	s5 =	sadd.s32 s21, s3  }
0xa3: {  	[timem:s7], [sflag:s22] =	dma.local [hbm:s5], s20  }
0xa4: {  	_ =	swait.ge [sflag:s22], s20  }
0xa5: {  	s4 =	ssub.s32 $0x0, s20;
	[sflag:s22] =	ssyncset.done $0x0  }
0xa6: {  	[sflag:s22] =	ssyncadd.s32 s4;
	_ =	sdelay $0x1  }
0xa7: {  	s23 =	simm.s32 $0x1B8B  }
0xa8: {  	_ =	swait.ge [sflag:s23], $0x1  }
0xa9: {  	[sflag:s23] =	ssyncset.done $0x0  }
0xaa: {  	s25 =	simm.s32 $0x1B8E;
	s24 =	sld [smem:$0x3FFE];
	[sflag:s23] =	ssyncadd.s32 $0xFFFFFFFF  }
0xab: {  	s26 =	simm.s32 $execute0_lowered;
	[smem:$0x3FD2] =	sst s25  }
0xac: {  	s5 =	sshll.u32 s26, $0x1;
	_ =	strace $0x8000004C;
	[dreg:$0x1] =	wrdreg $0xFFFFFFFF  }
0xad: {  	s28 =	simm.s32 $_size_execute0_lowered;
	s3 =	sadd.s32 s3, s5;
	[dreg:$0x0] =	wrdreg $0x0  }
0xae: {  	s5 =	sshll.u32 s28, $0x1;
	[dreg:$0x2] =	wrdreg s3  }
0xaf: {  	[dreg:$0x3] =	wrdreg s5  }
0xb0: {  	[dreg:$0x4] =	wrdreg $0xC0  }
0xb1: {  	_ =	task [dreg:s7], $0x5FFFF  }
0xb2: {  	[dreg:$0x1] =	wrdreg $0xFFFFFFFF  }
0xb3: {  	[dreg:$0x0] =	wrdreg $0x60  }
0xb4: {  	[dreg:$0x2] =	wrdreg s16  }
0xb5: {  	[dreg:$0x3] =	wrdreg s24  }
0xb6: {  	[dreg:$0x4] =	wrdreg $0x8F200  }
0xb7: {  	[dreg:$0x5] =	wrdreg $0x67200  }
0xb8: {  	[dreg:$0x6] =	wrdreg $0x9  }
0xb9: {  	_ =	task.clear_ibuf [dreg:s7], $0x7FFFF;
	_ =	strace $0x9000004C  }
0xba: {  	s29 =	simm.s32 $0x9;
	_ =	strace $0x8000004E  }
0xbb: {  	_ =	swait.ge [sflag:s29], $0x1  }
0xbc: {  	[sflag:s29] =	ssyncadd.s32 $0xFFFFFFFF  }
0xbd: {  	_ =	strace $0x9000004E  }
0xbe: {  	_ =	sfence  }
0xbf: {  	s30 =	sld [smem:$0x0];
	_ =	sdelay $0x2  }
0xc0: {  	s31 =	sshll.u32 s1, $0xD;
	s1 =	sshrl.u32 s1, $0x2  }
0xc1: {  	s3 =	sand.u32 $0x4000, s31;
	s1 =	sadd.s32 s1, s30  }
0xc2: {  	s0 =	sor.u32 s3, s0;
	s1 =	sshll.u32 s1, $0x11  }
0xc3: {  	s0 =	sor.u32 s1, s0  }
0xc4: {  	s0 =	sadd.s32 $0x8F2B, s0  }
0xc5: {  	[sflag:s0] =	ssyncadd.remote.s32 $0x1  }
0xc6: {  	_ =	sfence.sel $0xFFFF  }
0xc7: {  	[dreg:$0x0] =	wrdreg $0xFFFFFFFF;
	(pc) =	sbr.abs _section_cstart, $3  }
0xc8: {  	[dreg:$0x1] =	wrdreg $0xFFFFFFFF  }
0xc9: {  	_ =	task.clear_ibuf [dreg:s7], $0x2FFFF;
	_ =	strace $0x9FFFFFFF  }
0xca: {  	(tm) =	ssettm $0x7FFFFFFF  }
0xcb: {  	_ =	shalt  }
tec
execute0_lowered:
.L_overlay_start_1:
0x0: {  	(tag) =	ssettag $0x1  }
0x1: {  	s0 =	rddreg [dreg:$0x0]  }
0x2: {  	s1 =	srdreg.scid;
	s4 =	rddreg [dreg:$0x1]  }
0x3: {  	s10 =	stileid.u32;
	s2 =	rddreg [dreg:$0x2];
	s7 =	simm.s32 $0x0  }
0x4: {  	s28 =	simm.s32 $0x5820;
	s30 =	simm.s32 $0x5D20;
	s29 =	simm.s32 $0x4  }
0x5: {  	s31 =	simm.s32 $0x5;
	s1 =	sand.u32 $0x1, s1;
	s25 =	smul.u32 $0x2800, s10  }
0x6: {  	s3 =	sshll.u32 s10, $0x1;
	[smem:$0x7FF] =	sst s7;
	s9 =	smul.u32 $0x2710, s10  }
0x7: {  	s26 =	smul.u32 $0xA000, s10;
	s7 =	simm.s32 $0x9;
	s5 =	sor.u32 s1, s3  }
0x8: {  	s3 =	rddreg [dreg:$0x3];
	s6 =	smul.u32 $0x28000, s1;
	s1 =	ssub.s32 $0x2, s1  }
0x9: {  	_ =	strace $0x8000004D;
	s5 =	smul.u32 $0x2710, s5;
	s8 =	sshrl.u32 s1, $0x1  }
0xa: {  	s12 =	sshrl.u32 s9, $0x3;
	s13 =	sadd.s32 s9, s2;
	s18 =	sshrl.u32 s26, $0x2  }
0xb: {  	s19 =	sadd.s32 s25, s3;
	s26 =	sshll.u32 s10, $0x6;
	s10 =	simm.s32 $0x0  }
0xc: {  	s6 =	sadd.s32 s25, s6;
	s1 =	ssub.s32 s1, s8;
	s0 =	sadd.s32 s0, s12  }
0xd: {  	s9 =	sadd.s32 s18, s3;
	s18 =	simm.s32 $0xB;
	s20 =	sor.u32 $0x1C0B, s26  }
0xe: {  	s21 =	sshrl.u32 s13, $0x3;
	s26 =	simm.s32 $0x3;
	s8 =	simm.s32 $0xA  }
0xf: {  	s5 =	sshrl.u32 s5, $0x3;
	s6 =	sshrl.u32 s6, $0x3;
	[dreg:$0x7] =	wrdreg s0  }
0x10: {  	s22 =	smax.u32 s1, $0x1;
	s23 =	sadd.s32 $0x500, s9;
	s24 =	sadd.s32 $0xA00, s9  }
0x11: {  	s25 =	sadd.s32 $0xF00, s9;
	s14 =	sadd.s32 $0x1400, s9;
	s15 =	sadd.s32 $0x1900, s9  }
0x12: {  	s16 =	sadd.s32 $0x1E00, s9;
	s17 =	sadd.s32 $0x2300, s9;
	[dreg:$0x9] =	wrdreg s22  }
0x13: {  	s1 =	simm.s32 $0x6220;
	s0 =	simm.s32 $0x1;
	[dreg:$0xa] =	wrdreg s23  }
0x14: {  	s5 =	sadd.s32 s5, s4;
	s4 =	sadd.s32 s6, s4;
	[dreg:$0xb] =	wrdreg s24  }
0x15: {  	[dreg:$0xc] =	wrdreg s25;
	s22 =	simm.s32 $0x4E20;
	s23 =	simm.s32 $0x50  }
0x16: {  	s24 =	simm.s32 $0x5320;
	s25 =	sshrl.u32 s19, $0x3;
	s11 =	sadd.s32 $0x2800, s5  }
0x17: {  	s19 =	simm.s32 $0x2;
	s5 =	sadd.s32 $0xC440, s5;
	[dreg:$0x5] =	wrdreg s11  }
0x18: {  	s6 =	simm.s32 $0x8;
	s4 =	sadd.s32 $0x16200, s4;
	[dreg:$0x6] =	wrdreg s5  }
0x19: {  	v0 =	vimm.f32 $0.0e+00;
	[dreg:$0x8] =	wrdreg s4;
	s4 =	simm.s32 $0x6;
	s5 =	simm.s32 $0x7  }
.LBB2_1:
0x1a: {  	s11 =	simm.s32 $0x0;
	s12 =	rddreg [dreg:$0x5]  }
0x1b: {  	[tilespmem:s11], [sflag:$0xB] =	stream.linear.gather [hbm4b:s12+s11], $0x2710, $0x38;
	[tilespmem:$0xB630] =	vst v63  }
0x1c: {  	_ =	swait.ge [sflag:s18], $0x2710  }
0x1d: {  	[sflag:s18] =	ssyncset.done $0x0  }
0x1e: {  	s13 =	simm.s32 $0x2710;
	s12 =	rddreg [dreg:$0x6];
	[sflag:s18] =	ssyncadd.s32 $0xFFFFD8F0  }
0x1f: {  	[tilespmem:s13], [sflag:$0xB] =	stream.linear.gather [hbm4b:s12+s11], $0x2710, $0x38;
	[tilespmem:$0xB630] =	vst v63  }
0x20: {  	_ =	swait.ge [sflag:s18], $0x2710  }
0x21: {  	[sflag:s18] =	ssyncset.done $0x0  }
0x22: {  	s13 =	rddreg [dreg:$0x7];
	[sflag:s18] =	ssyncadd.s32 $0xFFFFD8F0  }
0x23: {  	[spmem:s21], [sflag:s20] =	dma.local [hbm:s13], $0x4E2  }
0x24: {  	_ =	swait.ge [sflag:s18], $0x4E2  }
0x25: {  	[sflag:s18] =	ssyncset.done $0x0  }
0x26: {  	s11 =	simm.s32 $0x40;
	s12 =	simm.s32 $0x0;
	[sflag:s18] =	ssyncadd.s32 $0xFFFFFB1E  }
.LBB2_2:
0x27: {  	p0 =	sne.s32 s11, $0x13C0;
	[tilespmem:s12+$0x4E20] =	vst v0;
	s12 =	smov.u32 s11;
	s11 =	sadd.s32 $0x40, s11  }
.Ltmp0:
0x28: {  	(pc) =	sbr.rel @p0 .LBB2_2-.Ltmp0, $2  }
0x29: {  	_ =	sdelay $0x2  }
0x2a: {  	s12 =	sshra.s32 s12, $0x2  }
0x2b: {  	[tilespmem:s12+$0x4E20] =	vst v0  }
0x2c: {  	[spmem:s9] =	stream.linear.scatter [tilespmem:s22], [sflag:$0xB], $0x500, $0x38;
	[tilespmem:$0xB630] =	vst v63  }
0x2d: {  	_ =	swait.ge [sflag:s18], $0x500  }
0x2e: {  	[sflag:s18] =	ssyncset.done $0x0  }
0x2f: {  	s11 =	rddreg [dreg:$0xa];
	[sflag:s18] =	ssyncadd.s32 $0xFFFFFB00  }
0x30: {  	[spmem:s11] =	stream.linear.scatter [tilespmem:s22], [sflag:$0xB], $0x500, $0x38;
	[tilespmem:$0xB630] =	vst v63  }
0x31: {  	_ =	swait.ge [sflag:s18], $0x500  }
0x32: {  	[sflag:s18] =	ssyncset.done $0x0  }
0x33: {  	s13 =	rddreg [dreg:$0xb];
	[sflag:s18] =	ssyncadd.s32 $0xFFFFFB00  }
0x34: {  	[spmem:s13] =	stream.linear.scatter [tilespmem:s22], [sflag:$0xB], $0x500, $0x38;
	[tilespmem:$0xB630] =	vst v63  }
0x35: {  	_ =	swait.ge [sflag:s18], $0x500  }
0x36: {  	[sflag:s18] =	ssyncset.done $0x0  }
0x37: {  	s12 =	rddreg [dreg:$0xc];
	[sflag:s18] =	ssyncadd.s32 $0xFFFFFB00  }
0x38: {  	[spmem:s12] =	stream.linear.scatter [tilespmem:s22], [sflag:$0xB], $0x500, $0x38;
	[tilespmem:$0xB630] =	vst v63  }
0x39: {  	_ =	swait.ge [sflag:s18], $0x500  }
0x3a: {  	[sflag:s18] =	ssyncset.done $0x0  }
0x3b: {  	[sflag:s18] =	ssyncadd.s32 $0xFFFFFB00  }
0x3c: {  	[spmem:s14] =	stream.linear.scatter [tilespmem:s22], [sflag:$0xB], $0x500, $0x38;
	[tilespmem:$0xB630] =	vst v63  }
0x3d: {  	_ =	swait.ge [sflag:s18], $0x500  }
0x3e: {  	[sflag:s18] =	ssyncset.done $0x0  }
0x3f: {  	[sflag:s18] =	ssyncadd.s32 $0xFFFFFB00  }
0x40: {  	[spmem:s15] =	stream.linear.scatter [tilespmem:s22], [sflag:$0xB], $0x500, $0x38;
	[tilespmem:$0xB630] =	vst v63  }
0x41: {  	_ =	swait.ge [sflag:s18], $0x500  }
0x42: {  	[sflag:s18] =	ssyncset.done $0x0  }
0x43: {  	[sflag:s18] =	ssyncadd.s32 $0xFFFFFB00  }
0x44: {  	[spmem:s16] =	stream.linear.scatter [tilespmem:s22], [sflag:$0xB], $0x500, $0x38;
	[tilespmem:$0xB630] =	vst v63  }
0x45: {  	_ =	swait.ge [sflag:s18], $0x500  }
0x46: {  	[sflag:s18] =	ssyncset.done $0x0  }
0x47: {  	[sflag:s18] =	ssyncadd.s32 $0xFFFFFB00  }
0x48: {  	[spmem:s17] =	stream.linear.scatter [tilespmem:s22], [sflag:$0xB], $0x500, $0x38;
	[tilespmem:$0xB630] =	vst v63  }
0x49: {  	_ =	swait.ge [sflag:s18], $0x500  }
0x4a: {  	[sflag:s18] =	ssyncset.done $0x0  }
0x4b: {  	[sflag:s18] =	ssyncadd.s32 $0xFFFFFB00  }
0x4c: {  	s13 =	simm.s32 $0x0;
	[bflag:$0x0] =	sbarrier.arrive $0xFFFF  }
0x4d: {  	[tilespmem:s22], [sflag:$0x1] =	stream.indirect.gather [spmem:s2], $0x10, s13, s23, $0xb8;
	[tilespmem:$0xB630] =	vst v63  }
0x4e: {  	_ = 	snop  }
0x4f: {  	[tilespmem:s24], [sflag:$0x2] =	stream.indirect.gather [spmem:s2], $0x10, s23, s23, $0xb8;
	[tilespmem:$0xB630] =	vst v63  }
0x50: {  	s12 =	simm.s32 $0xA0  }
0x51: {  	[tilespmem:s28], [sflag:$0x3] =	stream.indirect.gather [spmem:s2], $0x10, s12, s23, $0xb8;
	[tilespmem:$0xB630] =	vst v63  }
0x52: {  	s13 =	simm.s32 $0xF0  }
0x53: {  	[tilespmem:s30], [sflag:$0x4] =	stream.indirect.gather [spmem:s2], $0x10, s13, s23, $0xb8;
	[tilespmem:$0xB630] =	vst v63  }
0x54: {  	s12 =	simm.s32 $0x140  }
0x55: {  	[tilespmem:s1], [sflag:$0x5] =	stream.indirect.gather [spmem:s2], $0x10, s12, s23, $0xb8;
	[tilespmem:$0xB630] =	vst v63  }
0x56: {  	_ =	swait.ge [sflag:s0], $0x500  }
0x57: {  	[sflag:s0] =	ssyncset.done $0x0  }
0x58: {  	s13 =	simm.s32 $0x2710;
	[sflag:s0] =	ssyncadd.s32 $0xFFFFFB00  }
0x59: {  	[spmem:s3] =	stream.indirect.scatter.add.f32 [tilespmem:s22], [sflag:$0x6], $0x10, s13, s23, $0xb8;
	[tilespmem:$0xB630] =	vst v63  }
0x5a: {  	_ =	swait.ge [sflag:s19], $0x500  }
0x5b: {  	[sflag:s19] =	ssyncset.done $0x0  }
0x5c: {  	s12 =	simm.s32 $0x2760;
	[sflag:s19] =	ssyncadd.s32 $0xFFFFFB00  }
0x5d: {  	[spmem:s3] =	stream.indirect.scatter.add.f32 [tilespmem:s24], [sflag:$0x7], $0x10, s12, s23, $0xb8;
	[tilespmem:$0xB630] =	vst v63  }
0x5e: {  	_ =	swait.ge [sflag:s26], $0x500  }
0x5f: {  	[sflag:s26] =	ssyncset.done $0x0  }
0x60: {  	s13 =	simm.s32 $0x27B0;
	[sflag:s26] =	ssyncadd.s32 $0xFFFFFB00  }
0x61: {  	[spmem:s3] =	stream.indirect.scatter.add.f32 [tilespmem:s28], [sflag:$0x8], $0x10, s13, s23, $0xb8;
	[tilespmem:$0xB630] =	vst v63  }
0x62: {  	_ =	swait.ge [sflag:s29], $0x500  }
0x63: {  	[sflag:s29] =	ssyncset.done $0x0  }
0x64: {  	s12 =	simm.s32 $0x2800;
	[sflag:s29] =	ssyncadd.s32 $0xFFFFFB00  }
0x65: {  	[spmem:s3] =	stream.indirect.scatter.add.f32 [tilespmem:s30], [sflag:$0x9], $0x10, s12, s23, $0xb8;
	[tilespmem:$0xB630] =	vst v63  }
0x66: {  	_ =	swait.ge [sflag:s31], $0x500  }
0x67: {  	[sflag:s31] =	ssyncset.done $0x0  }
0x68: {  	s13 =	simm.s32 $0x2850;
	[sflag:s31] =	ssyncadd.s32 $0xFFFFFB00  }
0x69: {  	[spmem:s3] =	stream.indirect.scatter.add.f32 [tilespmem:s1], [sflag:$0xA], $0x10, s13, s23, $0xb8;
	[tilespmem:$0xB630] =	vst v63  }
0x6a: {  	_ =	swait.ge [sflag:s4], $0x500  }
0x6b: {  	[sflag:s4] =	ssyncset.done $0x0  }
0x6c: {  	s12 =	simm.s32 $0x190;
	[sflag:s4] =	ssyncadd.s32 $0xFFFFFB00  }
0x6d: {  	[tilespmem:s22], [sflag:$0x1] =	stream.indirect.gather [spmem:s2], $0x10, s12, s23, $0xb8;
	[tilespmem:$0xB630] =	vst v63  }
0x6e: {  	_ =	swait.ge [sflag:s5], $0x500  }
0x6f: {  	[sflag:s5] =	ssyncset.done $0x0  }
0x70: {  	s13 =	simm.s32 $0x1E0;
	[sflag:s5] =	ssyncadd.s32 $0xFFFFFB00  }
0x71: {  	[tilespmem:s24], [sflag:$0x2] =	stream.indirect.gather [spmem:s2], $0x10, s13, s23, $0xb8;
	[tilespmem:$0xB630] =	vst v63  }
0x72: {  	_ =	swait.ge [sflag:s6], $0x500  }
0x73: {  	[sflag:s6] =	ssyncset.done $0x0  }
0x74: {  	s12 =	simm.s32 $0x230;
	[sflag:s6] =	ssyncadd.s32 $0xFFFFFB00  }
0x75: {  	[tilespmem:s28], [sflag:$0x3] =	stream.indirect.gather [spmem:s2], $0x10, s12, s23, $0xb8;
	[tilespmem:$0xB630] =	vst v63  }
0x76: {  	_ =	swait.ge [sflag:s7], $0x500  }
0x77: {  	[sflag:s7] =	ssyncset.done $0x0  }
0x78: {  	s13 =	simm.s32 $0x280;
	[sflag:s7] =	ssyncadd.s32 $0xFFFFFB00  }
0x79: {  	[tilespmem:s30], [sflag:$0x4] =	stream.indirect.gather [spmem:s2], $0x10, s13, s23, $0xb8;
	[tilespmem:$0xB630] =	vst v63  }
0x7a: {  	_ =	swait.ge [sflag:s8], $0x500  }
0x7b: {  	[sflag:s8] =	ssyncset.done $0x0  }
0x7c: {  	s11 =	simm.s32 $0x640;
	s12 =	simm.s32 $0x2D0;
	[sflag:s8] =	ssyncadd.s32 $0xFFFFFB00  }
.LBB2_4:
0x7d: {  	[tilespmem:s1], [sflag:$0x5] =	stream.indirect.gather [spmem:s2], $0x10, s12, s23, $0xb8;
	[tilespmem:$0xB630] =	vst v63  }
0x7e: {  	s12 =	smov.u32 s11  }
0x7f: {  	p0 =	sne.s32 s11, $0x8FC0;
	s11 =	sadd.s32 $0x640, s11;
	_ =	swait.ge [sflag:s0], $0x500  }
0x80: {  	s12 =	sshra.s32 s12, $0x2;
	[sflag:s0] =	ssyncset.done $0x0  }
0x81: {  	s13 =	sadd.s32 $0x2710, s12;
	[sflag:s0] =	ssyncadd.s32 $0xFFFFFB00  }
0x82: {  	[spmem:s3] =	stream.indirect.scatter.add.f32 [tilespmem:s22], [sflag:$0x6], $0x10, s13, s23, $0xb8;
	[tilespmem:$0xB630] =	vst v63  }
0x83: {  	_ =	swait.ge [sflag:s19], $0x500  }
0x84: {  	[sflag:s19] =	ssyncset.done $0x0  }
0x85: {  	s13 =	sadd.s32 $0x2760, s12;
	[sflag:s19] =	ssyncadd.s32 $0xFFFFFB00  }
0x86: {  	[spmem:s3] =	stream.indirect.scatter.add.f32 [tilespmem:s24], [sflag:$0x7], $0x10, s13, s23, $0xb8;
	[tilespmem:$0xB630] =	vst v63  }
0x87: {  	_ =	swait.ge [sflag:s26], $0x500  }
0x88: {  	[sflag:s26] =	ssyncset.done $0x0  }
0x89: {  	s13 =	sadd.s32 $0x27B0, s12;
	[sflag:s26] =	ssyncadd.s32 $0xFFFFFB00  }
0x8a: {  	[spmem:s3] =	stream.indirect.scatter.add.f32 [tilespmem:s28], [sflag:$0x8], $0x10, s13, s23, $0xb8;
	[tilespmem:$0xB630] =	vst v63  }
0x8b: {  	_ =	swait.ge [sflag:s29], $0x500  }
0x8c: {  	[sflag:s29] =	ssyncset.done $0x0  }
0x8d: {  	s13 =	sadd.s32 $0x2800, s12;
	[sflag:s29] =	ssyncadd.s32 $0xFFFFFB00  }
0x8e: {  	[spmem:s3] =	stream.indirect.scatter.add.f32 [tilespmem:s30], [sflag:$0x9], $0x10, s13, s23, $0xb8;
	[tilespmem:$0xB630] =	vst v63  }
0x8f: {  	_ =	swait.ge [sflag:s31], $0x500  }
0x90: {  	[sflag:s31] =	ssyncset.done $0x0  }
0x91: {  	s13 =	sadd.s32 $0x2850, s12;
	[sflag:s31] =	ssyncadd.s32 $0xFFFFFB00  }
0x92: {  	[spmem:s3] =	stream.indirect.scatter.add.f32 [tilespmem:s1], [sflag:$0xA], $0x10, s13, s23, $0xb8;
	[tilespmem:$0xB630] =	vst v63  }
0x93: {  	_ =	swait.ge [sflag:s4], $0x500  }
0x94: {  	[sflag:s4] =	ssyncset.done $0x0  }
0x95: {  	s13 =	sadd.s32 $0x190, s12;
	[sflag:s4] =	ssyncadd.s32 $0xFFFFFB00  }
0x96: {  	[tilespmem:s22], [sflag:$0x1] =	stream.indirect.gather [spmem:s2], $0x10, s13, s23, $0xb8;
	[tilespmem:$0xB630] =	vst v63  }
0x97: {  	_ =	swait.ge [sflag:s5], $0x500  }
0x98: {  	[sflag:s5] =	ssyncset.done $0x0  }
0x99: {  	s13 =	sadd.s32 $0x1E0, s12;
	[sflag:s5] =	ssyncadd.s32 $0xFFFFFB00  }
0x9a: {  	[tilespmem:s24], [sflag:$0x2] =	stream.indirect.gather [spmem:s2], $0x10, s13, s23, $0xb8;
	[tilespmem:$0xB630] =	vst v63  }
0x9b: {  	_ =	swait.ge [sflag:s6], $0x500  }
0x9c: {  	[sflag:s6] =	ssyncset.done $0x0  }
0x9d: {  	s13 =	sadd.s32 $0x230, s12;
	[sflag:s6] =	ssyncadd.s32 $0xFFFFFB00  }
0x9e: {  	[tilespmem:s28], [sflag:$0x3] =	stream.indirect.gather [spmem:s2], $0x10, s13, s23, $0xb8;
	[tilespmem:$0xB630] =	vst v63  }
0x9f: {  	_ =	swait.ge [sflag:s7], $0x500  }
0xa0: {  	[sflag:s7] =	ssyncset.done $0x0  }
.Ltmp1:
0xa1: {  	s13 =	sadd.s32 $0x280, s12;
	[sflag:s7] =	ssyncadd.s32 $0xFFFFFB00;
	(pc) =	sbr.rel @p0 .LBB2_4-.Ltmp1, $4  }
0xa2: {  	[tilespmem:s30], [sflag:$0x4] =	stream.indirect.gather [spmem:s2], $0x10, s13, s23, $0xb8;
	[tilespmem:$0xB630] =	vst v63  }
0xa3: {  	_ =	swait.ge [sflag:s8], $0x500  }
0xa4: {  	[sflag:s8] =	ssyncset.done $0x0  }
0xa5: {  	s12 =	sadd.s32 $0x2D0, s12;
	[sflag:s8] =	ssyncadd.s32 $0xFFFFFB00  }
0xa6: {  	[tilespmem:s1], [sflag:$0x5] =	stream.indirect.gather [spmem:s2], $0x10, s12, s23, $0xb8;
	[tilespmem:$0xB630] =	vst v63  }
0xa7: {  	_ =	swait.ge [sflag:s0], $0x500  }
0xa8: {  	[sflag:s0] =	ssyncset.done $0x0  }
0xa9: {  	s11 =	simm.s32 $0x4C90;
	[sflag:s0] =	ssyncadd.s32 $0xFFFFFB00  }
0xaa: {  	[spmem:s3] =	stream.indirect.scatter.add.f32 [tilespmem:s22], [sflag:$0x6], $0x10, s11, s23, $0xb8;
	[tilespmem:$0xB630] =	vst v63  }
0xab: {  	_ =	swait.ge [sflag:s19], $0x500  }
0xac: {  	[sflag:s19] =	ssyncset.done $0x0  }
0xad: {  	s12 =	simm.s32 $0x4CE0;
	[sflag:s19] =	ssyncadd.s32 $0xFFFFFB00  }
0xae: {  	[spmem:s3] =	stream.indirect.scatter.add.f32 [tilespmem:s24], [sflag:$0x7], $0x10, s12, s23, $0xb8;
	[tilespmem:$0xB630] =	vst v63  }
0xaf: {  	_ =	swait.ge [sflag:s26], $0x500  }
0xb0: {  	[sflag:s26] =	ssyncset.done $0x0  }
0xb1: {  	s13 =	simm.s32 $0x4D30;
	[sflag:s26] =	ssyncadd.s32 $0xFFFFFB00  }
0xb2: {  	[spmem:s3] =	stream.indirect.scatter.add.f32 [tilespmem:s28], [sflag:$0x8], $0x10, s13, s23, $0xb8;
	[tilespmem:$0xB630] =	vst v63  }
0xb3: {  	_ =	swait.ge [sflag:s29], $0x500  }
0xb4: {  	[sflag:s29] =	ssyncset.done $0x0  }
0xb5: {  	s12 =	simm.s32 $0x4D80;
	[sflag:s29] =	ssyncadd.s32 $0xFFFFFB00  }
0xb6: {  	[spmem:s3] =	stream.indirect.scatter.add.f32 [tilespmem:s30], [sflag:$0x9], $0x10, s12, s23, $0xb8;
	[tilespmem:$0xB630] =	vst v63  }
0xb7: {  	_ =	swait.ge [sflag:s31], $0x500  }
0xb8: {  	[sflag:s31] =	ssyncset.done $0x0  }
0xb9: {  	s13 =	simm.s32 $0x4DD0;
	[sflag:s31] =	ssyncadd.s32 $0xFFFFFB00  }
0xba: {  	[spmem:s3] =	stream.indirect.scatter.add.f32 [tilespmem:s1], [sflag:$0xA], $0x10, s13, s23, $0xb8;
	[tilespmem:$0xB630] =	vst v63  }
0xbb: {  	_ =	swait.ge [sflag:s4], $0x500  }
0xbc: {  	[sflag:s4] =	ssyncset.done $0x0  }
0xbd: {  	[sflag:s4] =	ssyncadd.s32 $0xFFFFFB00  }
0xbe: {  	_ =	swait.ge [sflag:s5], $0x500  }
0xbf: {  	[sflag:s5] =	ssyncset.done $0x0  }
0xc0: {  	[sflag:s5] =	ssyncadd.s32 $0xFFFFFB00  }
0xc1: {  	_ =	swait.ge [sflag:s6], $0x500  }
0xc2: {  	[sflag:s6] =	ssyncset.done $0x0  }
0xc3: {  	[sflag:s6] =	ssyncadd.s32 $0xFFFFFB00  }
0xc4: {  	_ =	swait.ge [sflag:s7], $0x500  }
0xc5: {  	[sflag:s7] =	ssyncset.done $0x0  }
0xc6: {  	[sflag:s7] =	ssyncadd.s32 $0xFFFFFB00  }
0xc7: {  	_ =	swait.ge [sflag:s8], $0x500  }
0xc8: {  	[sflag:s8] =	ssyncset.done $0x0  }
0xc9: {  	[sflag:s8] =	ssyncadd.s32 $0xFFFFFB00  }
0xca: {  	[bflag:$0x0] =	sbarrier.arrive $0xFFFF  }
0xcb: {  	s12 =	rddreg [dreg:$0x8]  }
0xcc: {  	[hbm:s12], [sflag:s20] =	dma.local [spmem:s25], $0x500  }
0xcd: {  	_ =	swait.ge [sflag:s18], $0x500  }
0xce: {  	s10 =	sadd.s32 $0x1, s10;
	s13 =	rddreg [dreg:$0x9]  }
0xcf: {  	p0 =	sne.s32 s10, s13  }
.Ltmp2:
0xd0: {  	_ = 	snop;
	(pc) =	sbr.rel @p0 .LBB2_1-.Ltmp2, $3  }
0xd1: {  	_ =	sdelay $0x1  }
0xd2: {  	[sflag:s18] =	ssyncset.done $0x0  }
0xd3: {  	[sflag:s18] =	ssyncadd.s32 $0xFFFFFB00  }
0xd4: {  	_ =	sfence.sel $0x180000  }
0xd5: {  	[bflag:$0x0] =	sbarrier.arrive $0xFFFF  }
0xd6: {  	_ =	strace $0x9000004D  }
0xd7: {  	s0 =	stileid.u32;
	[bflag:$0x2] =	sbarrier.arrive $0xFFFF  }
0xd8: {  	p0 =	sne.s32 s0, $0x0;
	s0 =	rddreg [dreg:$0x4]  }
0xd9: {  	s0 =	sadd.s32 @!p0 $0x100000, s0  }
0xda: {  	[sflag:s0] =	ssyncadd.tile.s32 @!p0 $0x1;
	_ =	shalt  }
.Lfunc_end2:
_tile_overlayer_lowered:
.L_overlay_start_2:
0xdb: {  	(tag) =	ssettag $0x2  }
0xdc: {  	s0 =	rddreg [dreg:$0x0];
	s2 =	stileid.u32  }
0xdd: {  	s1 =	rddreg [dreg:$0x1];
	p0 =	sne.s32 s2, $0x0  }
0xde: {  	s3 =	rddreg [dreg:$0x2];
	[bflag:$0x3] =	sbarrier.arrive $0xFFFF;
	s2 =	simm.s32 @!p0 $0x1C0B  }
0xdf: {  	[timem:s3], [sflag:s2] =	dma.local @!p0 [hbm:s0], s1  }
0xe0: {  	s0 =	simm.s32 @!p0 $0xB  }
0xe1: {  	_ =	swait.ge @!p0 [sflag:s0], s1  }
0xe2: {  	s1 =	ssub.s32 @!p0 $0x0, s1;
	[sflag:s0] =	ssyncset.done @!p0 $0x0  }
0xe3: {  	[sflag:s0] =	ssyncadd.s32 @!p0 s1  }
0xe4: {  	[bflag:$0x3] =	sbarrier.arrive $0xFFFF  }
0xe5: {  	_ =	shalt  }

</sc_bundles>
